<compile_context>
chip_gen: v7x
topology: tpu7x:2x2x1
jax: 0.10.2.dev20260603
libtpu: 0.0.44.dev20260713+nightly
codegen_flags: <defaults>
</compile_context>

<pallas_src>
import functools

import jax
import jax.numpy as jnp
from jax import lax
from jax.experimental import pallas as pl
from jax.experimental.pallas import tpu as pltpu
from jax.experimental.pallas import tpu_sc as plsc

B, SL, DL, D = 1024, 200, 200, 64
L2 = SL + DL
LP = 512
NC, NS = 2, 16
NW = NC * NS
ROWS_PER_W = B // NW
HSIZE = 100000
RB = 16

_mesh = plsc.VectorSubcoreMesh(core_axis_name="c", subcore_axis_name="s",
                               num_cores=NC, num_subcores=NS)


def _sc_count_body(ids_hbm, wvec_hbm, zvec_hbm, c0_hbm, c1_hbm,
                   hist, ids_v, wvec_v, zvec_v, idx_v, cnt_v, c0_v, c1_v):
    c = lax.axis_index("c")
    s = lax.axis_index("s")
    wid = c * NS + s
    pltpu.sync_copy(wvec_hbm, wvec_v)
    pltpu.sync_copy(zvec_hbm, zvec_v)

    def row_step(r, carry):
        row = wid * ROWS_PER_W + r
        pltpu.sync_copy(ids_hbm.at[row], ids_v)
        for j in range(4):
            for k in range(8):
                sl = pl.ds(k * 16, 16)
                idx_v[j, sl] = ids_v[j, sl] + s * HSIZE
        for j in range(4):
            pltpu.sync_copy(zvec_v.at[j], hist.at[idx_v.at[j]])
        for j in range(4):
            pltpu.sync_copy(wvec_v.at[j], hist.at[idx_v.at[j]], add=True)
        for j in range(4):
            pltpu.sync_copy(hist.at[idx_v.at[j]], cnt_v.at[j])
        for j in range(4):
            for k in range(8):
                sl = pl.ds(k * 16, 16)
                ids16 = ids_v[j, sl]
                cnt16 = cnt_v[j, sl]
                nz = ids16 != 0
                c0_v[j, sl] = jnp.where(nz, cnt16 & 0xFFFF, 0).astype(jnp.float32)
                c1_v[j, sl] = jnp.where(nz, cnt16 >> 16, 0).astype(jnp.float32)
        pltpu.sync_copy(c0_v, c0_hbm.at[row])
        pltpu.sync_copy(c1_v, c1_hbm.at[row])
        return carry

    lax.fori_loop(0, ROWS_PER_W, row_step, 0)


@functools.partial(
    pl.kernel,
    out_type=(
        jax.ShapeDtypeStruct((B, 4, 128), jnp.float32),
        jax.ShapeDtypeStruct((B, 4, 128), jnp.float32),
    ),
    mesh=_mesh,
    scratch_types=[
        pltpu.VMEM_SHARED((NS * HSIZE,), jnp.int32),
        pltpu.VMEM((4, 128), jnp.int32),
        pltpu.VMEM((4, 128), jnp.int32),
        pltpu.VMEM((4, 128), jnp.int32),
        pltpu.VMEM((4, 128), jnp.int32),
        pltpu.VMEM((4, 128), jnp.int32),
        pltpu.VMEM((4, 128), jnp.float32),
        pltpu.VMEM((4, 128), jnp.float32),
    ],
)
def _sc_count(*args):
    _sc_count_body(*args)


def _tc_encode_body(c0_ref, c1_ref, w01_ref, w2_ref, b2r_ref,
                    src_out, dst_out):
    w01 = w01_ref[...]
    w2 = w2_ref[...]
    b2r = b2r_ref[...]
    one_row = jnp.ones((1, LP), jnp.float32)
    for b in range(RB):
        s0 = jnp.concatenate([c0_ref[b:b + 1, :], one_row], axis=0)
        s1 = jnp.concatenate([c1_ref[b:b + 1, :], one_row], axis=0)
        p0t = jnp.dot(w01, s0, preferred_element_type=jnp.float32)
        p1t = jnp.dot(w01, s1, preferred_element_type=jnp.float32)
        ht = jnp.maximum(p0t, 0.0) + jnp.maximum(p1t, 0.0)
        feat = lax.dot_general(ht, w2, (((0,), (0,)), ((), ())),
                               preferred_element_type=jnp.float32)
        featp = jnp.concatenate([feat[:LP // 2, :], feat[LP // 2:, :]],
                                axis=1) + b2r
        src_out[pl.ds(b * (SL // 2), SL // 2), :] = featp[:SL // 2, :]
        dst_out[pl.ds(b * (DL // 2), DL // 2), :] = featp[SL // 2:SL, :]


def _tc_encode(c0, c1, w01, w2, b2r):
    return pl.pallas_call(
        _tc_encode_body,
        grid=(B // RB,),
        in_specs=[
            pl.BlockSpec((RB, LP), lambda i: (i, 0)),
            pl.BlockSpec((RB, LP), lambda i: (i, 0)),
            pl.BlockSpec((D, 2), lambda i: (0, 0)),
            pl.BlockSpec((D, D), lambda i: (0, 0)),
            pl.BlockSpec((1, 2 * D), lambda i: (0, 0)),
        ],
        out_specs=[
            pl.BlockSpec((RB * SL // 2, 128), lambda i: (i, 0)),
            pl.BlockSpec((RB * DL // 2, 128), lambda i: (i, 0)),
        ],
        out_shape=[
            jax.ShapeDtypeStruct((B * SL // 2, 128), jnp.float32),
            jax.ShapeDtypeStruct((B * DL // 2, 128), jnp.float32),
        ],
        compiler_params=pltpu.CompilerParams(
            dimension_semantics=("parallel",)),
    )(c0, c1, w01, w2, b2r)


@jax.jit
def kernel(src_ids, dst_ids, W1, b1, W2, b2):
    ids = jnp.concatenate([src_ids.astype(jnp.int32),
                           dst_ids.astype(jnp.int32)], axis=1)
    idsp = jnp.pad(ids, ((0, 0), (0, LP - L2)))
    ids_pad = jnp.concatenate([idsp[:, 0::2], idsp[:, 1::2]],
                              axis=1).reshape(B, 4, 128)
    half = jnp.concatenate([
        jnp.full((SL // 2,), 1, jnp.int32),
        jnp.full((DL // 2,), 65536, jnp.int32),
        jnp.zeros(((LP - L2) // 2,), jnp.int32),
    ])
    wvec = jnp.concatenate([half, half]).reshape(4, 128)
    zvec = jnp.zeros((4, 128), jnp.int32)
    c0, c1 = _sc_count(ids_pad, wvec, zvec)

    w01 = jnp.stack([W1[0, :], b1], axis=1)
    b2r = (2.0 * jnp.concatenate([b2, b2])).reshape(1, 2 * D)
    srcp, dstp = _tc_encode(c0.reshape(B, LP), c1.reshape(B, LP), w01, W2, b2r)
    return srcp.reshape(B, SL, D), dstp.reshape(B, DL, D)

# --- scband reference (transcript-rebuilt; emitter-appended) ---
"""Pipeline reference for scband-neighbor-cooccurrence-encoder-73701638799825 (READ-ONLY COPY).

The authoritative reference and input builder live on the scoring server;
editing this copy changes nothing except your own understanding.
"""

import jax, jax.numpy as jnp
import numpy as np

B, SL, DL, D = 1024, 200, 200, 64


def setup_inputs(seed: int = 0) -> dict:
    key = jax.random.key(seed)
    k1, k2, k3, k4 = jax.random.split(key, 4)
    src_ids = jax.random.randint(k1, (B, SL), 0, 100000, dtype=jnp.int64 if jax.config.read('jax_enable_x64') else jnp.int32)
    dst_ids = jax.random.randint(k2, (B, DL), 0, 100000, dtype=jnp.int64 if jax.config.read('jax_enable_x64') else jnp.int32)
    W1 = jax.random.normal(k3, (1, D), dtype=jnp.float32) * 0.5
    b1 = jnp.zeros((D,), dtype=jnp.float32)
    W2 = jax.random.normal(k4, (D, D), dtype=jnp.float32) * (1.0 / np.sqrt(D))
    b2 = jnp.zeros((D,), dtype=jnp.float32)
    return {"src_ids": src_ids, "dst_ids": dst_ids, "W1": W1, "b1": b1, "W2": W2, "b2": b2}


def _appearances(src_ids, dst_ids):
    # Equivalent to per-batch unique + bincount + gather:
    # count of each element's occurrences within src seq and within dst seq.
    src_in_src = (src_ids[:, :, None] == src_ids[:, None, :]).sum(-1)
    src_in_dst = (src_ids[:, :, None] == dst_ids[:, None, :]).sum(-1)
    dst_in_src = (dst_ids[:, :, None] == src_ids[:, None, :]).sum(-1)
    dst_in_dst = (dst_ids[:, :, None] == dst_ids[:, None, :]).sum(-1)
    src_app = jnp.stack([src_in_src, src_in_dst], axis=-1).astype(jnp.float32)
    dst_app = jnp.stack([dst_in_src, dst_in_dst], axis=-1).astype(jnp.float32)
    src_app = jnp.where((src_ids == 0)[:, :, None], 0.0, src_app)
    dst_app = jnp.where((dst_ids == 0)[:, :, None], 0.0, dst_app)
    return src_app, dst_app


def _encode(app, W1, b1, W2, b2):
    # app: (B, L, 2) -> unsqueeze(-1) -> Linear(1->D) -> ReLU -> Linear(D->D) -> sum over dim=2
    h = app[..., None] @ W1 + b1           # (B, L, 2, D)
    h = jax.nn.relu(h)
    h = h @ W2 + b2                         # (B, L, 2, D)
    return h.sum(axis=2)                    # (B, L, D)


def reference(src_ids, dst_ids, W1, b1, W2, b2):
    src_app, dst_app = _appearances(src_ids, dst_ids)
    src_feat = _encode(src_app, W1, b1, W2, b2)
    dst_feat = _encode(dst_app, W1, b1, W2, b2)
    return (src_feat, dst_feat)

if __name__ == "__main__":
    import jax
    _d = setup_inputs()
    print(jax.jit(kernel)(*tuple(_d.values())))

</pallas_src>

<mosaic_0001>
#map = affine_map<(d0, d1) -> (0, 0, 0)>
#map1 = affine_map<(d0, d1) -> (0, 0)>
module attributes {stable_mosaic.version = 14 : i64} {
  func.func @_sc_count(%arg0: i32, %arg1: i32, %arg2: memref<1024x4x128xi32, #tpu.memory_space<hbm>>, %arg3: memref<4x128xi32, #tpu.memory_space<hbm>>, %arg4: memref<4x128xi32, #tpu.memory_space<hbm>>, %arg5: memref<1024x4x128xf32, #tpu.memory_space<hbm>>, %arg6: memref<1024x4x128xf32, #tpu.memory_space<hbm>>, %arg7: memref<1600000xi32, #tpu.memory_space<vmem_shared>>, %arg8: memref<4x128xi32, #tpu.memory_space<vmem>>, %arg9: memref<4x128xi32, #tpu.memory_space<vmem>>, %arg10: memref<4x128xi32, #tpu.memory_space<vmem>>, %arg11: memref<4x128xi32, #tpu.memory_space<vmem>>, %arg12: memref<4x128xi32, #tpu.memory_space<vmem>>, %arg13: memref<4x128xf32, #tpu.memory_space<vmem>>, %arg14: memref<4x128xf32, #tpu.memory_space<vmem>>) attributes {dimension_semantics = [#tpu.dimension_semantics<core_parallel>, #tpu.dimension_semantics<subcore_parallel>], iteration_bounds = array<i64: 2, 16>, scalar_prefetch = 0 : i64, scratch_operands = 8 : i64, tpu.core_type = #tpu.core_type<sc_vector_subcore>, window_params = [{transform_indices = #map}, {transform_indices = #map1}, {transform_indices = #map1}, {transform_indices = #map}, {transform_indices = #map}]} {
    %mul3A = arith.constant 16 : i32
    %mul3A_0 = arith.muli %arg0, %mul3A : i32
    %add3A = arith.addi %mul3A_0, %arg1 : i32
    "tpu.region"() ({
      %run_scoped3A = tpu.sem_alloc : memref<!tpu.dma_semaphore, #tpu.memory_space<semaphore_mem>>
      tpu.enqueue_dma source(%arg3 : memref<4x128xi32, #tpu.memory_space<hbm>>) target(%arg9 : memref<4x128xi32, #tpu.memory_space<vmem>>) target_semaphore(%run_scoped3A : memref<!tpu.dma_semaphore, #tpu.memory_space<semaphore_mem>>)
      tpu.wait_dma2 semaphore(%run_scoped3A : memref<!tpu.dma_semaphore, #tpu.memory_space<semaphore_mem>>) src(%arg3 : memref<4x128xi32, #tpu.memory_space<hbm>>) dst(%arg9 : memref<4x128xi32, #tpu.memory_space<vmem>>)
      tpu.yield
    }) : () -> ()
    "tpu.region"() ({
      %run_scoped3A = tpu.sem_alloc : memref<!tpu.dma_semaphore, #tpu.memory_space<semaphore_mem>>
      tpu.enqueue_dma source(%arg4 : memref<4x128xi32, #tpu.memory_space<hbm>>) target(%arg10 : memref<4x128xi32, #tpu.memory_space<vmem>>) target_semaphore(%run_scoped3A : memref<!tpu.dma_semaphore, #tpu.memory_space<semaphore_mem>>)
      tpu.wait_dma2 semaphore(%run_scoped3A : memref<!tpu.dma_semaphore, #tpu.memory_space<semaphore_mem>>) src(%arg4 : memref<4x128xi32, #tpu.memory_space<hbm>>) dst(%arg10 : memref<4x128xi32, #tpu.memory_space<vmem>>)
      tpu.yield
    }) : () -> ()
    %scan3A = arith.constant 0 : i32
    %scan3A_1 = arith.constant 0 : i32
    %scan3A_2 = arith.constant 32 : i32
    %scan3A_3 = arith.addi %scan3A_1, %scan3A_2 : i32
    %scan3A_4 = arith.constant 1 : i32
    scf.for %scan3A_6 = %scan3A_1 to %scan3A_3 step %scan3A_4  : i32 {
      %mul3A_7 = arith.constant 32 : i32
      %mul3A_8 = arith.muli %add3A, %mul3A_7 : i32
      %add3A_9 = arith.addi %mul3A_8, %scan3A_6 : i32
      "tpu.region"() ({
        %run_scoped3A_1752 = tpu.sem_alloc : memref<!tpu.dma_semaphore, #tpu.memory_space<semaphore_mem>>
        %dma_start3A = arith.constant 0 : i32
        %dma_start3A_1753 = arith.constant 0 : i32
        %dma_start3A_1754 = tpu.memref_slice %arg2[%add3A_9, %dma_start3A, %dma_start3A_1753] : memref<1024x4x128xi32, #tpu.memory_space<hbm>> -> memref<1x4x128xi32, #tpu.memory_space<hbm>>
        %dma_start3A_1755 = tpu.memref_squeeze %dma_start3A_1754 : memref<1x4x128xi32, #tpu.memory_space<hbm>> -> memref<4x128xi32, #tpu.memory_space<hbm>>
        %dma_start3A_1756 = arith.constant 0 : i32
        %dma_start3A_1757 = arith.constant 0 : i32
        %dma_start3A_1758 = tpu.memref_slice %arg2[%add3A_9, %dma_start3A_1756, %dma_start3A_1757] : memref<1024x4x128xi32, #tpu.memory_space<hbm>> -> memref<1x4x128xi32, #tpu.memory_space<hbm>>
        %dma_start3A_1759 = tpu.memref_squeeze %dma_start3A_1758 : memref<1x4x128xi32, #tpu.memory_space<hbm>> -> memref<4x128xi32, #tpu.memory_space<hbm>>
        tpu.enqueue_dma source(%dma_start3A_1759 : memref<4x128xi32, #tpu.memory_space<hbm>>) target(%arg8 : memref<4x128xi32, #tpu.memory_space<vmem>>) target_semaphore(%run_scoped3A_1752 : memref<!tpu.dma_semaphore, #tpu.memory_space<semaphore_mem>>)
        %dma_wait3A = arith.constant 0 : i32
        %dma_wait3A_1760 = arith.constant 0 : i32
        %dma_wait3A_1761 = tpu.memref_slice %arg2[%add3A_9, %dma_wait3A, %dma_wait3A_1760] : memref<1024x4x128xi32, #tpu.memory_space<hbm>> -> memref<1x4x128xi32, #tpu.memory_space<hbm>>
        %dma_wait3A_1762 = tpu.memref_squeeze %dma_wait3A_1761 : memref<1x4x128xi32, #tpu.memory_space<hbm>> -> memref<4x128xi32, #tpu.memory_space<hbm>>
        %dma_wait3A_1763 = arith.constant 0 : i32
        %dma_wait3A_1764 = arith.constant 0 : i32
        %dma_wait3A_1765 = tpu.memref_slice %arg2[%add3A_9, %dma_wait3A_1763, %dma_wait3A_1764] : memref<1024x4x128xi32, #tpu.memory_space<hbm>> -> memref<1x4x128xi32, #tpu.memory_space<hbm>>
        %dma_wait3A_1766 = tpu.memref_squeeze %dma_wait3A_1765 : memref<1x4x128xi32, #tpu.memory_space<hbm>> -> memref<4x128xi32, #tpu.memory_space<hbm>>
        tpu.wait_dma2 semaphore(%run_scoped3A_1752 : memref<!tpu.dma_semaphore, #tpu.memory_space<semaphore_mem>>) src(%dma_wait3A_1766 : memref<4x128xi32, #tpu.memory_space<hbm>>) dst(%arg8 : memref<4x128xi32, #tpu.memory_space<vmem>>)
        tpu.yield
      }) : () -> ()
      %get3A = arith.constant 0 : i32
      %get3A_10 = arith.index_cast %get3A : i32 to index
      %get3A_11 = arith.constant 0 : index
      %get3A_12 = tpu.vector_load %arg8[%get3A_10, %get3A_11] {strides = array<i32>} : memref<4x128xi32, #tpu.memory_space<vmem>>, vector<1x16xi32>,
      %get3A_13 = vector.shape_cast %get3A_12 : vector<1x16xi32> to vector<16xi32>
      %mul3A_14 = arith.constant 100000 : i32
      %mul3A_15 = arith.muli %arg1, %mul3A_14 : i32
      %add3A_16 = vector.broadcast %mul3A_15 : i32 to vector<16xi32>
      %add3A_17 = arith.addi %get3A_13, %add3A_16 : vector<16xi32>
      %swap3A = arith.constant 0 : i32
      %swap3A_18 = arith.index_cast %swap3A : i32 to index
      %swap3A_19 = arith.constant 0 : index
      %swap3A_20 = tpu.vector_load %arg11[%swap3A_18, %swap3A_19] {strides = array<i32>} : memref<4x128xi32, #tpu.memory_space<vmem>>, vector<1x16xi32>,
      %swap3A_21 = vector.shape_cast %swap3A_20 : vector<1x16xi32> to vector<16xi32>
      %swap3A_22 = vector.shape_cast %add3A_17 : vector<16xi32> to vector<1x16xi32>
      tpu.vector_store %arg11[%swap3A_18, %swap3A_19], %swap3A_22 {strides = array<i32>} : memref<4x128xi32, #tpu.memory_space<vmem>>, vector<1x16xi32>,
      %get3A_23 = arith.constant 0 : i32
      %get3A_24 = arith.index_cast %get3A_23 : i32 to index
      %get3A_25 = arith.constant 16 : index
      %get3A_26 = tpu.vector_load %arg8[%get3A_24, %get3A_25] {strides = array<i32>} : memref<4x128xi32, #tpu.memory_space<vmem>>, vector<1x16xi32>,
      %get3A_27 = vector.shape_cast %get3A_26 : vector<1x16xi32> to vector<16xi32>
      %mul3A_28 = arith.constant 100000 : i32
      %mul3A_29 = arith.muli %arg1, %mul3A_28 : i32
      %add3A_30 = vector.broadcast %mul3A_29 : i32 to vector<16xi32>
      %add3A_31 = arith.addi %get3A_27, %add3A_30 : vector<16xi32>
      %swap3A_32 = arith.constant 0 : i32
      %swap3A_33 = arith.index_cast %swap3A_32 : i32 to index
      %swap3A_34 = arith.constant 16 : index
      %swap3A_35 = tpu.vector_load %arg11[%swap3A_33, %swap3A_34] {strides = array<i32>} : memref<4x128xi32, #tpu.memory_space<vmem>>, vector<1x16xi32>,
      %swap3A_36 = vector.shape_cast %swap3A_35 : vector<1x16xi32> to vector<16xi32>
      %swap3A_37 = vector.shape_cast %add3A_31 : vector<16xi32> to vector<1x16xi32>
      tpu.vector_store %arg11[%swap3A_33, %swap3A_34], %swap3A_37 {strides = array<i32>} : memref<4x128xi32, #tpu.memory_space<vmem>>, vector<1x16xi32>,
      %get3A_38 = arith.constant 0 : i32
      %get3A_39 = arith.index_cast %get3A_38 : i32 to index
      %get3A_40 = arith.constant 32 : index
      %get3A_41 = tpu.vector_load %arg8[%get3A_39, %get3A_40] {strides = array<i32>} : memref<4x128xi32, #tpu.memory_space<vmem>>, vector<1x16xi32>,
      %get3A_42 = vector.shape_cast %get3A_41 : vector<1x16xi32> to vector<16xi32>
      %mul3A_43 = arith.constant 100000 : i32
      %mul3A_44 = arith.muli %arg1, %mul3A_43 : i32
      %add3A_45 = vector.broadcast %mul3A_44 : i32 to vector<16xi32>
      %add3A_46 = arith.addi %get3A_42, %add3A_45 : vector<16xi32>
      %swap3A_47 = arith.constant 0 : i32
      %swap3A_48 = arith.index_cast %swap3A_47 : i32 to index
      %swap3A_49 = arith.constant 32 : index
      %swap3A_50 = tpu.vector_load %arg11[%swap3A_48, %swap3A_49] {strides = array<i32>} : memref<4x128xi32, #tpu.memory_space<vmem>>, vector<1x16xi32>,
      %swap3A_51 = vector.shape_cast %swap3A_50 : vector<1x16xi32> to vector<16xi32>
      %swap3A_52 = vector.shape_cast %add3A_46 : vector<16xi32> to vector<1x16xi32>
      tpu.vector_store %arg11[%swap3A_48, %swap3A_49], %swap3A_52 {strides = array<i32>} : memref<4x128xi32, #tpu.memory_space<vmem>>, vector<1x16xi32>,
      %get3A_53 = arith.constant 0 : i32
      %get3A_54 = arith.index_cast %get3A_53 : i32 to index
      %get3A_55 = arith.constant 48 : index
      %get3A_56 = tpu.vector_load %arg8[%get3A_54, %get3A_55] {strides = array<i32>} : memref<4x128xi32, #tpu.memory_space<vmem>>, vector<1x16xi32>,
      %get3A_57 = vector.shape_cast %get3A_56 : vector<1x16xi32> to vector<16xi32>
      %mul3A_58 = arith.constant 100000 : i32
      %mul3A_59 = arith.muli %arg1, %mul3A_58 : i32
      %add3A_60 = vector.broadcast %mul3A_59 : i32 to vector<16xi32>
      %add3A_61 = arith.addi %get3A_57, %add3A_60 : vector<16xi32>
      %swap3A_62 = arith.constant 0 : i32
      %swap3A_63 = arith.index_cast %swap3A_62 : i32 to index
      %swap3A_64 = arith.constant 48 : index
      %swap3A_65 = tpu.vector_load %arg11[%swap3A_63, %swap3A_64] {strides = array<i32>} : memref<4x128xi32, #tpu.memory_space<vmem>>, vector<1x16xi32>,
      %swap3A_66 = vector.shape_cast %swap3A_65 : vector<1x16xi32> to vector<16xi32>
      %swap3A_67 = vector.shape_cast %add3A_61 : vector<16xi32> to vector<1x16xi32>
      tpu.vector_store %arg11[%swap3A_63, %swap3A_64], %swap3A_67 {strides = array<i32>} : memref<4x128xi32, #tpu.memory_space<vmem>>, vector<1x16xi32>,
      %get3A_68 = arith.constant 0 : i32
      %get3A_69 = arith.index_cast %get3A_68 : i32 to index
      %get3A_70 = arith.constant 64 : index
      %get3A_71 = tpu.vector_load %arg8[%get3A_69, %get3A_70] {strides = array<i32>} : memref<4x128xi32, #tpu.memory_space<vmem>>, vector<1x16xi32>,
      %get3A_72 = vector.shape_cast %get3A_71 : vector<1x16xi32> to vector<16xi32>
      %mul3A_73 = arith.constant 100000 : i32
      %mul3A_74 = arith.muli %arg1, %mul3A_73 : i32
      %add3A_75 = vector.broadcast %mul3A_74 : i32 to vector<16xi32>
      %add3A_76 = arith.addi %get3A_72, %add3A_75 : vector<16xi32>
      %swap3A_77 = arith.constant 0 : i32
      %swap3A_78 = arith.index_cast %swap3A_77 : i32 to index
      %swap3A_79 = arith.constant 64 : index
      %swap3A_80 = tpu.vector_load %arg11[%swap3A_78, %swap3A_79] {strides = array<i32>} : memref<4x128xi32, #tpu.memory_space<vmem>>, vector<1x16xi32>,
      %swap3A_81 = vector.shape_cast %swap3A_80 : vector<1x16xi32> to vector<16xi32>
      %swap3A_82 = vector.shape_cast %add3A_76 : vector<16xi32> to vector<1x16xi32>
      tpu.vector_store %arg11[%swap3A_78, %swap3A_79], %swap3A_82 {strides = array<i32>} : memref<4x128xi32, #tpu.memory_space<vmem>>, vector<1x16xi32>,
      %get3A_83 = arith.constant 0 : i32
      %get3A_84 = arith.index_cast %get3A_83 : i32 to index
      %get3A_85 = arith.constant 80 : index
      %get3A_86 = tpu.vector_load %arg8[%get3A_84, %get3A_85] {strides = array<i32>} : memref<4x128xi32, #tpu.memory_space<vmem>>, vector<1x16xi32>,
      %get3A_87 = vector.shape_cast %get3A_86 : vector<1x16xi32> to vector<16xi32>
      %mul3A_88 = arith.constant 100000 : i32
      %mul3A_89 = arith.muli %arg1, %mul3A_88 : i32
      %add3A_90 = vector.broadcast %mul3A_89 : i32 to vector<16xi32>
      %add3A_91 = arith.addi %get3A_87, %add3A_90 : vector<16xi32>
      %swap3A_92 = arith.constant 0 : i32
      %swap3A_93 = arith.index_cast %swap3A_92 : i32 to index
      %swap3A_94 = arith.constant 80 : index
      %swap3A_95 = tpu.vector_load %arg11[%swap3A_93, %swap3A_94] {strides = array<i32>} : memref<4x128xi32, #tpu.memory_space<vmem>>, vector<1x16xi32>,
      %swap3A_96 = vector.shape_cast %swap3A_95 : vector<1x16xi32> to vector<16xi32>
      %swap3A_97 = vector.shape_cast %add3A_91 : vector<16xi32> to vector<1x16xi32>
      tpu.vector_store %arg11[%swap3A_93, %swap3A_94], %swap3A_97 {strides = array<i32>} : memref<4x128xi32, #tpu.memory_space<vmem>>, vector<1x16xi32>,
      %get3A_98 = arith.constant 0 : i32
      %get3A_99 = arith.index_cast %get3A_98 : i32 to index
      %get3A_100 = arith.constant 96 : index
      %get3A_101 = tpu.vector_load %arg8[%get3A_99, %get3A_100] {strides = array<i32>} : memref<4x128xi32, #tpu.memory_space<vmem>>, vector<1x16xi32>,
      %get3A_102 = vector.shape_cast %get3A_101 : vector<1x16xi32> to vector<16xi32>
      %mul3A_103 = arith.constant 100000 : i32
      %mul3A_104 = arith.muli %arg1, %mul3A_103 : i32
      %add3A_105 = vector.broadcast %mul3A_104 : i32 to vector<16xi32>
      %add3A_106 = arith.addi %get3A_102, %add3A_105 : vector<16xi32>
      %swap3A_107 = arith.constant 0 : i32
      %swap3A_108 = arith.index_cast %swap3A_107 : i32 to index
      %swap3A_109 = arith.constant 96 : index
      %swap3A_110 = tpu.vector_load %arg11[%swap3A_108, %swap3A_109] {strides = array<i32>} : memref<4x128xi32, #tpu.memory_space<vmem>>, vector<1x16xi32>,
      %swap3A_111 = vector.shape_cast %swap3A_110 : vector<1x16xi32> to vector<16xi32>
      %swap3A_112 = vector.shape_cast %add3A_106 : vector<16xi32> to vector<1x16xi32>
      tpu.vector_store %arg11[%swap3A_108, %swap3A_109], %swap3A_112 {strides = array<i32>} : memref<4x128xi32, #tpu.memory_space<vmem>>, vector<1x16xi32>,
      %get3A_113 = arith.constant 0 : i32
      %get3A_114 = arith.index_cast %get3A_113 : i32 to index
      %get3A_115 = arith.constant 112 : index
      %get3A_116 = tpu.vector_load %arg8[%get3A_114, %get3A_115] {strides = array<i32>} : memref<4x128xi32, #tpu.memory_space<vmem>>, vector<1x16xi32>,
      %get3A_117 = vector.shape_cast %get3A_116 : vector<1x16xi32> to vector<16xi32>
      %mul3A_118 = arith.constant 100000 : i32
      %mul3A_119 = arith.muli %arg1, %mul3A_118 : i32
      %add3A_120 = vector.broadcast %mul3A_119 : i32 to vector<16xi32>
      %add3A_121 = arith.addi %get3A_117, %add3A_120 : vector<16xi32>
      %swap3A_122 = arith.constant 0 : i32
      %swap3A_123 = arith.index_cast %swap3A_122 : i32 to index
      %swap3A_124 = arith.constant 112 : index
      %swap3A_125 = tpu.vector_load %arg11[%swap3A_123, %swap3A_124] {strides = array<i32>} : memref<4x128xi32, #tpu.memory_space<vmem>>, vector<1x16xi32>,
      %swap3A_126 = vector.shape_cast %swap3A_125 : vector<1x16xi32> to vector<16xi32>
      %swap3A_127 = vector.shape_cast %add3A_121 : vector<16xi32> to vector<1x16xi32>
      tpu.vector_store %arg11[%swap3A_123, %swap3A_124], %swap3A_127 {strides = array<i32>} : memref<4x128xi32, #tpu.memory_space<vmem>>, vector<1x16xi32>,
      %get3A_128 = arith.constant 1 : i32
      %get3A_129 = arith.index_cast %get3A_128 : i32 to index
      %get3A_130 = arith.constant 0 : index
      %get3A_131 = tpu.vector_load %arg8[%get3A_129, %get3A_130] {strides = array<i32>} : memref<4x128xi32, #tpu.memory_space<vmem>>, vector<1x16xi32>,
      %get3A_132 = vector.shape_cast %get3A_131 : vector<1x16xi32> to vector<16xi32>
      %mul3A_133 = arith.constant 100000 : i32
      %mul3A_134 = arith.muli %arg1, %mul3A_133 : i32
      %add3A_135 = vector.broadcast %mul3A_134 : i32 to vector<16xi32>
      %add3A_136 = arith.addi %get3A_132, %add3A_135 : vector<16xi32>
      %swap3A_137 = arith.constant 1 : i32
      %swap3A_138 = arith.index_cast %swap3A_137 : i32 to index
      %swap3A_139 = arith.constant 0 : index
      %swap3A_140 = tpu.vector_load %arg11[%swap3A_138, %swap3A_139] {strides = array<i32>} : memref<4x128xi32, #tpu.memory_space<vmem>>, vector<1x16xi32>,
      %swap3A_141 = vector.shape_cast %swap3A_140 : vector<1x16xi32> to vector<16xi32>
      %swap3A_142 = vector.shape_cast %add3A_136 : vector<16xi32> to vector<1x16xi32>
      tpu.vector_store %arg11[%swap3A_138, %swap3A_139], %swap3A_142 {strides = array<i32>} : memref<4x128xi32, #tpu.memory_space<vmem>>, vector<1x16xi32>,
      %get3A_143 = arith.constant 1 : i32
      %get3A_144 = arith.index_cast %get3A_143 : i32 to index
      %get3A_145 = arith.constant 16 : index
      %get3A_146 = tpu.vector_load %arg8[%get3A_144, %get3A_145] {strides = array<i32>} : memref<4x128xi32, #tpu.memory_space<vmem>>, vector<1x16xi32>,
      %get3A_147 = vector.shape_cast %get3A_146 : vector<1x16xi32> to vector<16xi32>
      %mul3A_148 = arith.constant 100000 : i32
      %mul3A_149 = arith.muli %arg1, %mul3A_148 : i32
      %add3A_150 = vector.broadcast %mul3A_149 : i32 to vector<16xi32>
      %add3A_151 = arith.addi %get3A_147, %add3A_150 : vector<16xi32>
      %swap3A_152 = arith.constant 1 : i32
      %swap3A_153 = arith.index_cast %swap3A_152 : i32 to index
      %swap3A_154 = arith.constant 16 : index
      %swap3A_155 = tpu.vector_load %arg11[%swap3A_153, %swap3A_154] {strides = array<i32>} : memref<4x128xi32, #tpu.memory_space<vmem>>, vector<1x16xi32>,
      %swap3A_156 = vector.shape_cast %swap3A_155 : vector<1x16xi32> to vector<16xi32>
      %swap3A_157 = vector.shape_cast %add3A_151 : vector<16xi32> to vector<1x16xi32>
      tpu.vector_store %arg11[%swap3A_153, %swap3A_154], %swap3A_157 {strides = array<i32>} : memref<4x128xi32, #tpu.memory_space<vmem>>, vector<1x16xi32>,
      %get3A_158 = arith.constant 1 : i32
      %get3A_159 = arith.index_cast %get3A_158 : i32 to index
      %get3A_160 = arith.constant 32 : index
      %get3A_161 = tpu.vector_load %arg8[%get3A_159, %get3A_160] {strides = array<i32>} : memref<4x128xi32, #tpu.memory_space<vmem>>, vector<1x16xi32>,
      %get3A_162 = vector.shape_cast %get3A_161 : vector<1x16xi32> to vector<16xi32>
      %mul3A_163 = arith.constant 100000 : i32
      %mul3A_164 = arith.muli %arg1, %mul3A_163 : i32
      %add3A_165 = vector.broadcast %mul3A_164 : i32 to vector<16xi32>
      %add3A_166 = arith.addi %get3A_162, %add3A_165 : vector<16xi32>
      %swap3A_167 = arith.constant 1 : i32
      %swap3A_168 = arith.index_cast %swap3A_167 : i32 to index
      %swap3A_169 = arith.constant 32 : index
      %swap3A_170 = tpu.vector_load %arg11[%swap3A_168, %swap3A_169] {strides = array<i32>} : memref<4x128xi32, #tpu.memory_space<vmem>>, vector<1x16xi32>,
      %swap3A_171 = vector.shape_cast %swap3A_170 : vector<1x16xi32> to vector<16xi32>
      %swap3A_172 = vector.shape_cast %add3A_166 : vector<16xi32> to vector<1x16xi32>
      tpu.vector_store %arg11[%swap3A_168, %swap3A_169], %swap3A_172 {strides = array<i32>} : memref<4x128xi32, #tpu.memory_space<vmem>>, vector<1x16xi32>,
      %get3A_173 = arith.constant 1 : i32
      %get3A_174 = arith.index_cast %get3A_173 : i32 to index
      %get3A_175 = arith.constant 48 : index
      %get3A_176 = tpu.vector_load %arg8[%get3A_174, %get3A_175] {strides = array<i32>} : memref<4x128xi32, #tpu.memory_space<vmem>>, vector<1x16xi32>,
      %get3A_177 = vector.shape_cast %get3A_176 : vector<1x16xi32> to vector<16xi32>
      %mul3A_178 = arith.constant 100000 : i32
      %mul3A_179 = arith.muli %arg1, %mul3A_178 : i32
      %add3A_180 = vector.broadcast %mul3A_179 : i32 to vector<16xi32>
      %add3A_181 = arith.addi %get3A_177, %add3A_180 : vector<16xi32>
      %swap3A_182 = arith.constant 1 : i32
      %swap3A_183 = arith.index_cast %swap3A_182 : i32 to index
      %swap3A_184 = arith.constant 48 : index
      %swap3A_185 = tpu.vector_load %arg11[%swap3A_183, %swap3A_184] {strides = array<i32>} : memref<4x128xi32, #tpu.memory_space<vmem>>, vector<1x16xi32>,
      %swap3A_186 = vector.shape_cast %swap3A_185 : vector<1x16xi32> to vector<16xi32>
      %swap3A_187 = vector.shape_cast %add3A_181 : vector<16xi32> to vector<1x16xi32>
      tpu.vector_store %arg11[%swap3A_183, %swap3A_184], %swap3A_187 {strides = array<i32>} : memref<4x128xi32, #tpu.memory_space<vmem>>, vector<1x16xi32>,
      %get3A_188 = arith.constant 1 : i32
      %get3A_189 = arith.index_cast %get3A_188 : i32 to index
      %get3A_190 = arith.constant 64 : index
      %get3A_191 = tpu.vector_load %arg8[%get3A_189, %get3A_190] {strides = array<i32>} : memref<4x128xi32, #tpu.memory_space<vmem>>, vector<1x16xi32>,
      %get3A_192 = vector.shape_cast %get3A_191 : vector<1x16xi32> to vector<16xi32>
      %mul3A_193 = arith.constant 100000 : i32
      %mul3A_194 = arith.muli %arg1, %mul3A_193 : i32
      %add3A_195 = vector.broadcast %mul3A_194 : i32 to vector<16xi32>
      %add3A_196 = arith.addi %get3A_192, %add3A_195 : vector<16xi32>
      %swap3A_197 = arith.constant 1 : i32
      %swap3A_198 = arith.index_cast %swap3A_197 : i32 to index
      %swap3A_199 = arith.constant 64 : index
      %swap3A_200 = tpu.vector_load %arg11[%swap3A_198, %swap3A_199] {strides = array<i32>} : memref<4x128xi32, #tpu.memory_space<vmem>>, vector<1x16xi32>,
      %swap3A_201 = vector.shape_cast %swap3A_200 : vector<1x16xi32> to vector<16xi32>
      %swap3A_202 = vector.shape_cast %add3A_196 : vector<16xi32> to vector<1x16xi32>
      tpu.vector_store %arg11[%swap3A_198, %swap3A_199], %swap3A_202 {strides = array<i32>} : memref<4x128xi32, #tpu.memory_space<vmem>>, vector<1x16xi32>,
      %get3A_203 = arith.constant 1 : i32
      %get3A_204 = arith.index_cast %get3A_203 : i32 to index
      %get3A_205 = arith.constant 80 : index
      %get3A_206 = tpu.vector_load %arg8[%get3A_204, %get3A_205] {strides = array<i32>} : memref<4x128xi32, #tpu.memory_space<vmem>>, vector<1x16xi32>,
      %get3A_207 = vector.shape_cast %get3A_206 : vector<1x16xi32> to vector<16xi32>
      %mul3A_208 = arith.constant 100000 : i32
      %mul3A_209 = arith.muli %arg1, %mul3A_208 : i32
      %add3A_210 = vector.broadcast %mul3A_209 : i32 to vector<16xi32>
      %add3A_211 = arith.addi %get3A_207, %add3A_210 : vector<16xi32>
      %swap3A_212 = arith.constant 1 : i32
      %swap3A_213 = arith.index_cast %swap3A_212 : i32 to index
      %swap3A_214 = arith.constant 80 : index
      %swap3A_215 = tpu.vector_load %arg11[%swap3A_213, %swap3A_214] {strides = array<i32>} : memref<4x128xi32, #tpu.memory_space<vmem>>, vector<1x16xi32>,
      %swap3A_216 = vector.shape_cast %swap3A_215 : vector<1x16xi32> to vector<16xi32>
      %swap3A_217 = vector.shape_cast %add3A_211 : vector<16xi32> to vector<1x16xi32>
      tpu.vector_store %arg11[%swap3A_213, %swap3A_214], %swap3A_217 {strides = array<i32>} : memref<4x128xi32, #tpu.memory_space<vmem>>, vector<1x16xi32>,
      %get3A_218 = arith.constant 1 : i32
      %get3A_219 = arith.index_cast %get3A_218 : i32 to index
      %get3A_220 = arith.constant 96 : index
      %get3A_221 = tpu.vector_load %arg8[%get3A_219, %get3A_220] {strides = array<i32>} : memref<4x128xi32, #tpu.memory_space<vmem>>, vector<1x16xi32>,
      %get3A_222 = vector.shape_cast %get3A_221 : vector<1x16xi32> to vector<16xi32>
      %mul3A_223 = arith.constant 100000 : i32
      %mul3A_224 = arith.muli %arg1, %mul3A_223 : i32
      %add3A_225 = vector.broadcast %mul3A_224 : i32 to vector<16xi32>
      %add3A_226 = arith.addi %get3A_222, %add3A_225 : vector<16xi32>
      %swap3A_227 = arith.constant 1 : i32
      %swap3A_228 = arith.index_cast %swap3A_227 : i32 to index
      %swap3A_229 = arith.constant 96 : index
      %swap3A_230 = tpu.vector_load %arg11[%swap3A_228, %swap3A_229] {strides = array<i32>} : memref<4x128xi32, #tpu.memory_space<vmem>>, vector<1x16xi32>,
      %swap3A_231 = vector.shape_cast %swap3A_230 : vector<1x16xi32> to vector<16xi32>
      %swap3A_232 = vector.shape_cast %add3A_226 : vector<16xi32> to vector<1x16xi32>
      tpu.vector_store %arg11[%swap3A_228, %swap3A_229], %swap3A_232 {strides = array<i32>} : memref<4x128xi32, #tpu.memory_space<vmem>>, vector<1x16xi32>,
      %get3A_233 = arith.constant 1 : i32
      %get3A_234 = arith.index_cast %get3A_233 : i32 to index
      %get3A_235 = arith.constant 112 : index
      %get3A_236 = tpu.vector_load %arg8[%get3A_234, %get3A_235] {strides = array<i32>} : memref<4x128xi32, #tpu.memory_space<vmem>>, vector<1x16xi32>,
      %get3A_237 = vector.shape_cast %get3A_236 : vector<1x16xi32> to vector<16xi32>
      %mul3A_238 = arith.constant 100000 : i32
      %mul3A_239 = arith.muli %arg1, %mul3A_238 : i32
      %add3A_240 = vector.broadcast %mul3A_239 : i32 to vector<16xi32>
      %add3A_241 = arith.addi %get3A_237, %add3A_240 : vector<16xi32>
      %swap3A_242 = arith.constant 1 : i32
      %swap3A_243 = arith.index_cast %swap3A_242 : i32 to index
      %swap3A_244 = arith.constant 112 : index
      %swap3A_245 = tpu.vector_load %arg11[%swap3A_243, %swap3A_244] {strides = array<i32>} : memref<4x128xi32, #tpu.memory_space<vmem>>, vector<1x16xi32>,
      %swap3A_246 = vector.shape_cast %swap3A_245 : vector<1x16xi32> to vector<16xi32>
      %swap3A_247 = vector.shape_cast %add3A_241 : vector<16xi32> to vector<1x16xi32>
      tpu.vector_store %arg11[%swap3A_243, %swap3A_244], %swap3A_247 {strides = array<i32>} : memref<4x128xi32, #tpu.memory_space<vmem>>, vector<1x16xi32>,
      %get3A_248 = arith.constant 2 : i32
      %get3A_249 = arith.index_cast %get3A_248 : i32 to index
      %get3A_250 = arith.constant 0 : index
      %get3A_251 = tpu.vector_load %arg8[%get3A_249, %get3A_250] {strides = array<i32>} : memref<4x128xi32, #tpu.memory_space<vmem>>, vector<1x16xi32>,
      %get3A_252 = vector.shape_cast %get3A_251 : vector<1x16xi32> to vector<16xi32>
      %mul3A_253 = arith.constant 100000 : i32
      %mul3A_254 = arith.muli %arg1, %mul3A_253 : i32
      %add3A_255 = vector.broadcast %mul3A_254 : i32 to vector<16xi32>
      %add3A_256 = arith.addi %get3A_252, %add3A_255 : vector<16xi32>
      %swap3A_257 = arith.constant 2 : i32
      %swap3A_258 = arith.index_cast %swap3A_257 : i32 to index
      %swap3A_259 = arith.constant 0 : index
      %swap3A_260 = tpu.vector_load %arg11[%swap3A_258, %swap3A_259] {strides = array<i32>} : memref<4x128xi32, #tpu.memory_space<vmem>>, vector<1x16xi32>,
      %swap3A_261 = vector.shape_cast %swap3A_260 : vector<1x16xi32> to vector<16xi32>
      %swap3A_262 = vector.shape_cast %add3A_256 : vector<16xi32> to vector<1x16xi32>
      tpu.vector_store %arg11[%swap3A_258, %swap3A_259], %swap3A_262 {strides = array<i32>} : memref<4x128xi32, #tpu.memory_space<vmem>>, vector<1x16xi32>,
      %get3A_263 = arith.constant 2 : i32
      %get3A_264 = arith.index_cast %get3A_263 : i32 to index
      %get3A_265 = arith.constant 16 : index
      %get3A_266 = tpu.vector_load %arg8[%get3A_264, %get3A_265] {strides = array<i32>} : memref<4x128xi32, #tpu.memory_space<vmem>>, vector<1x16xi32>,
      %get3A_267 = vector.shape_cast %get3A_266 : vector<1x16xi32> to vector<16xi32>
      %mul3A_268 = arith.constant 100000 : i32
      %mul3A_269 = arith.muli %arg1, %mul3A_268 : i32
      %add3A_270 = vector.broadcast %mul3A_269 : i32 to vector<16xi32>
      %add3A_271 = arith.addi %get3A_267, %add3A_270 : vector<16xi32>
      %swap3A_272 = arith.constant 2 : i32
      %swap3A_273 = arith.index_cast %swap3A_272 : i32 to index
      %swap3A_274 = arith.constant 16 : index
      %swap3A_275 = tpu.vector_load %arg11[%swap3A_273, %swap3A_274] {strides = array<i32>} : memref<4x128xi32, #tpu.memory_space<vmem>>, vector<1x16xi32>,
      %swap3A_276 = vector.shape_cast %swap3A_275 : vector<1x16xi32> to vector<16xi32>
      %swap3A_277 = vector.shape_cast %add3A_271 : vector<16xi32> to vector<1x16xi32>
      tpu.vector_store %arg11[%swap3A_273, %swap3A_274], %swap3A_277 {strides = array<i32>} : memref<4x128xi32, #tpu.memory_space<vmem>>, vector<1x16xi32>,
      %get3A_278 = arith.constant 2 : i32
      %get3A_279 = arith.index_cast %get3A_278 : i32 to index
      %get3A_280 = arith.constant 32 : index
      %get3A_281 = tpu.vector_load %arg8[%get3A_279, %get3A_280] {strides = array<i32>} : memref<4x128xi32, #tpu.memory_space<vmem>>, vector<1x16xi32>,
      %get3A_282 = vector.shape_cast %get3A_281 : vector<1x16xi32> to vector<16xi32>
      %mul3A_283 = arith.constant 100000 : i32
      %mul3A_284 = arith.muli %arg1, %mul3A_283 : i32
      %add3A_285 = vector.broadcast %mul3A_284 : i32 to vector<16xi32>
      %add3A_286 = arith.addi %get3A_282, %add3A_285 : vector<16xi32>
      %swap3A_287 = arith.constant 2 : i32
      %swap3A_288 = arith.index_cast %swap3A_287 : i32 to index
      %swap3A_289 = arith.constant 32 : index
      %swap3A_290 = tpu.vector_load %arg11[%swap3A_288, %swap3A_289] {strides = array<i32>} : memref<4x128xi32, #tpu.memory_space<vmem>>, vector<1x16xi32>,
      %swap3A_291 = vector.shape_cast %swap3A_290 : vector<1x16xi32> to vector<16xi32>
      %swap3A_292 = vector.shape_cast %add3A_286 : vector<16xi32> to vector<1x16xi32>
      tpu.vector_store %arg11[%swap3A_288, %swap3A_289], %swap3A_292 {strides = array<i32>} : memref<4x128xi32, #tpu.memory_space<vmem>>, vector<1x16xi32>,
      %get3A_293 = arith.constant 2 : i32
      %get3A_294 = arith.index_cast %get3A_293 : i32 to index
      %get3A_295 = arith.constant 48 : index
      %get3A_296 = tpu.vector_load %arg8[%get3A_294, %get3A_295] {strides = array<i32>} : memref<4x128xi32, #tpu.memory_space<vmem>>, vector<1x16xi32>,
      %get3A_297 = vector.shape_cast %get3A_296 : vector<1x16xi32> to vector<16xi32>
      %mul3A_298 = arith.constant 100000 : i32
      %mul3A_299 = arith.muli %arg1, %mul3A_298 : i32
      %add3A_300 = vector.broadcast %mul3A_299 : i32 to vector<16xi32>
      %add3A_301 = arith.addi %get3A_297, %add3A_300 : vector<16xi32>
      %swap3A_302 = arith.constant 2 : i32
      %swap3A_303 = arith.index_cast %swap3A_302 : i32 to index
      %swap3A_304 = arith.constant 48 : index
      %swap3A_305 = tpu.vector_load %arg11[%swap3A_303, %swap3A_304] {strides = array<i32>} : memref<4x128xi32, #tpu.memory_space<vmem>>, vector<1x16xi32>,
      %swap3A_306 = vector.shape_cast %swap3A_305 : vector<1x16xi32> to vector<16xi32>
      %swap3A_307 = vector.shape_cast %add3A_301 : vector<16xi32> to vector<1x16xi32>
      tpu.vector_store %arg11[%swap3A_303, %swap3A_304], %swap3A_307 {strides = array<i32>} : memref<4x128xi32, #tpu.memory_space<vmem>>, vector<1x16xi32>,
      %get3A_308 = arith.constant 2 : i32
      %get3A_309 = arith.index_cast %get3A_308 : i32 to index
      %get3A_310 = arith.constant 64 : index
      %get3A_311 = tpu.vector_load %arg8[%get3A_309, %get3A_310] {strides = array<i32>} : memref<4x128xi32, #tpu.memory_space<vmem>>, vector<1x16xi32>,
      %get3A_312 = vector.shape_cast %get3A_311 : vector<1x16xi32> to vector<16xi32>
      %mul3A_313 = arith.constant 100000 : i32
      %mul3A_314 = arith.muli %arg1, %mul3A_313 : i32
      %add3A_315 = vector.broadcast %mul3A_314 : i32 to vector<16xi32>
      %add3A_316 = arith.addi %get3A_312, %add3A_315 : vector<16xi32>
      %swap3A_317 = arith.constant 2 : i32
      %swap3A_318 = arith.index_cast %swap3A_317 : i32 to index
      %swap3A_319 = arith.constant 64 : index
      %swap3A_320 = tpu.vector_load %arg11[%swap3A_318, %swap3A_319] {strides = array<i32>} : memref<4x128xi32, #tpu.memory_space<vmem>>, vector<1x16xi32>,
      %swap3A_321 = vector.shape_cast %swap3A_320 : vector<1x16xi32> to vector<16xi32>
      %swap3A_322 = vector.shape_cast %add3A_316 : vector<16xi32> to vector<1x16xi32>
      tpu.vector_store %arg11[%swap3A_318, %swap3A_319], %swap3A_322 {strides = array<i32>} : memref<4x128xi32, #tpu.memory_space<vmem>>, vector<1x16xi32>,
      %get3A_323 = arith.constant 2 : i32
      %get3A_324 = arith.index_cast %get3A_323 : i32 to index
      %get3A_325 = arith.constant 80 : index
      %get3A_326 = tpu.vector_load %arg8[%get3A_324, %get3A_325] {strides = array<i32>} : memref<4x128xi32, #tpu.memory_space<vmem>>, vector<1x16xi32>,
      %get3A_327 = vector.shape_cast %get3A_326 : vector<1x16xi32> to vector<16xi32>
      %mul3A_328 = arith.constant 100000 : i32
      %mul3A_329 = arith.muli %arg1, %mul3A_328 : i32
      %add3A_330 = vector.broadcast %mul3A_329 : i32 to vector<16xi32>
      %add3A_331 = arith.addi %get3A_327, %add3A_330 : vector<16xi32>
      %swap3A_332 = arith.constant 2 : i32
      %swap3A_333 = arith.index_cast %swap3A_332 : i32 to index
      %swap3A_334 = arith.constant 80 : index
      %swap3A_335 = tpu.vector_load %arg11[%swap3A_333, %swap3A_334] {strides = array<i32>} : memref<4x128xi32, #tpu.memory_space<vmem>>, vector<1x16xi32>,
      %swap3A_336 = vector.shape_cast %swap3A_335 : vector<1x16xi32> to vector<16xi32>
      %swap3A_337 = vector.shape_cast %add3A_331 : vector<16xi32> to vector<1x16xi32>
      tpu.vector_store %arg11[%swap3A_333, %swap3A_334], %swap3A_337 {strides = array<i32>} : memref<4x128xi32, #tpu.memory_space<vmem>>, vector<1x16xi32>,
      %get3A_338 = arith.constant 2 : i32
      %get3A_339 = arith.index_cast %get3A_338 : i32 to index
      %get3A_340 = arith.constant 96 : index
      %get3A_341 = tpu.vector_load %arg8[%get3A_339, %get3A_340] {strides = array<i32>} : memref<4x128xi32, #tpu.memory_space<vmem>>, vector<1x16xi32>,
      %get3A_342 = vector.shape_cast %get3A_341 : vector<1x16xi32> to vector<16xi32>
      %mul3A_343 = arith.constant 100000 : i32
      %mul3A_344 = arith.muli %arg1, %mul3A_343 : i32
      %add3A_345 = vector.broadcast %mul3A_344 : i32 to vector<16xi32>
      %add3A_346 = arith.addi %get3A_342, %add3A_345 : vector<16xi32>
      %swap3A_347 = arith.constant 2 : i32
      %swap3A_348 = arith.index_cast %swap3A_347 : i32 to index
      %swap3A_349 = arith.constant 96 : index
      %swap3A_350 = tpu.vector_load %arg11[%swap3A_348, %swap3A_349] {strides = array<i32>} : memref<4x128xi32, #tpu.memory_space<vmem>>, vector<1x16xi32>,
      %swap3A_351 = vector.shape_cast %swap3A_350 : vector<1x16xi32> to vector<16xi32>
      %swap3A_352 = vector.shape_cast %add3A_346 : vector<16xi32> to vector<1x16xi32>
      tpu.vector_store %arg11[%swap3A_348, %swap3A_349], %swap3A_352 {strides = array<i32>} : memref<4x128xi32, #tpu.memory_space<vmem>>, vector<1x16xi32>,
      %get3A_353 = arith.constant 2 : i32
      %get3A_354 = arith.index_cast %get3A_353 : i32 to index
      %get3A_355 = arith.constant 112 : index
      %get3A_356 = tpu.vector_load %arg8[%get3A_354, %get3A_355] {strides = array<i32>} : memref<4x128xi32, #tpu.memory_space<vmem>>, vector<1x16xi32>,
      %get3A_357 = vector.shape_cast %get3A_356 : vector<1x16xi32> to vector<16xi32>
      %mul3A_358 = arith.constant 100000 : i32
      %mul3A_359 = arith.muli %arg1, %mul3A_358 : i32
      %add3A_360 = vector.broadcast %mul3A_359 : i32 to vector<16xi32>
      %add3A_361 = arith.addi %get3A_357, %add3A_360 : vector<16xi32>
      %swap3A_362 = arith.constant 2 : i32
      %swap3A_363 = arith.index_cast %swap3A_362 : i32 to index
      %swap3A_364 = arith.constant 112 : index
      %swap3A_365 = tpu.vector_load %arg11[%swap3A_363, %swap3A_364] {strides = array<i32>} : memref<4x128xi32, #tpu.memory_space<vmem>>, vector<1x16xi32>,
      %swap3A_366 = vector.shape_cast %swap3A_365 : vector<1x16xi32> to vector<16xi32>
      %swap3A_367 = vector.shape_cast %add3A_361 : vector<16xi32> to vector<1x16xi32>
      tpu.vector_store %arg11[%swap3A_363, %swap3A_364], %swap3A_367 {strides = array<i32>} : memref<4x128xi32, #tpu.memory_space<vmem>>, vector<1x16xi32>,
      %get3A_368 = arith.constant 3 : i32
      %get3A_369 = arith.index_cast %get3A_368 : i32 to index
      %get3A_370 = arith.constant 0 : index
      %get3A_371 = tpu.vector_load %arg8[%get3A_369, %get3A_370] {strides = array<i32>} : memref<4x128xi32, #tpu.memory_space<vmem>>, vector<1x16xi32>,
      %get3A_372 = vector.shape_cast %get3A_371 : vector<1x16xi32> to vector<16xi32>
      %mul3A_373 = arith.constant 100000 : i32
      %mul3A_374 = arith.muli %arg1, %mul3A_373 : i32
      %add3A_375 = vector.broadcast %mul3A_374 : i32 to vector<16xi32>
      %add3A_376 = arith.addi %get3A_372, %add3A_375 : vector<16xi32>
      %swap3A_377 = arith.constant 3 : i32
      %swap3A_378 = arith.index_cast %swap3A_377 : i32 to index
      %swap3A_379 = arith.constant 0 : index
      %swap3A_380 = tpu.vector_load %arg11[%swap3A_378, %swap3A_379] {strides = array<i32>} : memref<4x128xi32, #tpu.memory_space<vmem>>, vector<1x16xi32>,
      %swap3A_381 = vector.shape_cast %swap3A_380 : vector<1x16xi32> to vector<16xi32>
      %swap3A_382 = vector.shape_cast %add3A_376 : vector<16xi32> to vector<1x16xi32>
      tpu.vector_store %arg11[%swap3A_378, %swap3A_379], %swap3A_382 {strides = array<i32>} : memref<4x128xi32, #tpu.memory_space<vmem>>, vector<1x16xi32>,
      %get3A_383 = arith.constant 3 : i32
      %get3A_384 = arith.index_cast %get3A_383 : i32 to index
      %get3A_385 = arith.constant 16 : index
      %get3A_386 = tpu.vector_load %arg8[%get3A_384, %get3A_385] {strides = array<i32>} : memref<4x128xi32, #tpu.memory_space<vmem>>, vector<1x16xi32>,
      %get3A_387 = vector.shape_cast %get3A_386 : vector<1x16xi32> to vector<16xi32>
      %mul3A_388 = arith.constant 100000 : i32
      %mul3A_389 = arith.muli %arg1, %mul3A_388 : i32
      %add3A_390 = vector.broadcast %mul3A_389 : i32 to vector<16xi32>
      %add3A_391 = arith.addi %get3A_387, %add3A_390 : vector<16xi32>
      %swap3A_392 = arith.constant 3 : i32
      %swap3A_393 = arith.index_cast %swap3A_392 : i32 to index
      %swap3A_394 = arith.constant 16 : index
      %swap3A_395 = tpu.vector_load %arg11[%swap3A_393, %swap3A_394] {strides = array<i32>} : memref<4x128xi32, #tpu.memory_space<vmem>>, vector<1x16xi32>,
      %swap3A_396 = vector.shape_cast %swap3A_395 : vector<1x16xi32> to vector<16xi32>
      %swap3A_397 = vector.shape_cast %add3A_391 : vector<16xi32> to vector<1x16xi32>
      tpu.vector_store %arg11[%swap3A_393, %swap3A_394], %swap3A_397 {strides = array<i32>} : memref<4x128xi32, #tpu.memory_space<vmem>>, vector<1x16xi32>,
      %get3A_398 = arith.constant 3 : i32
      %get3A_399 = arith.index_cast %get3A_398 : i32 to index
      %get3A_400 = arith.constant 32 : index
      %get3A_401 = tpu.vector_load %arg8[%get3A_399, %get3A_400] {strides = array<i32>} : memref<4x128xi32, #tpu.memory_space<vmem>>, vector<1x16xi32>,
      %get3A_402 = vector.shape_cast %get3A_401 : vector<1x16xi32> to vector<16xi32>
      %mul3A_403 = arith.constant 100000 : i32
      %mul3A_404 = arith.muli %arg1, %mul3A_403 : i32
      %add3A_405 = vector.broadcast %mul3A_404 : i32 to vector<16xi32>
      %add3A_406 = arith.addi %get3A_402, %add3A_405 : vector<16xi32>
      %swap3A_407 = arith.constant 3 : i32
      %swap3A_408 = arith.index_cast %swap3A_407 : i32 to index
      %swap3A_409 = arith.constant 32 : index
      %swap3A_410 = tpu.vector_load %arg11[%swap3A_408, %swap3A_409] {strides = array<i32>} : memref<4x128xi32, #tpu.memory_space<vmem>>, vector<1x16xi32>,
      %swap3A_411 = vector.shape_cast %swap3A_410 : vector<1x16xi32> to vector<16xi32>
      %swap3A_412 = vector.shape_cast %add3A_406 : vector<16xi32> to vector<1x16xi32>
      tpu.vector_store %arg11[%swap3A_408, %swap3A_409], %swap3A_412 {strides = array<i32>} : memref<4x128xi32, #tpu.memory_space<vmem>>, vector<1x16xi32>,
      %get3A_413 = arith.constant 3 : i32
      %get3A_414 = arith.index_cast %get3A_413 : i32 to index
      %get3A_415 = arith.constant 48 : index
      %get3A_416 = tpu.vector_load %arg8[%get3A_414, %get3A_415] {strides = array<i32>} : memref<4x128xi32, #tpu.memory_space<vmem>>, vector<1x16xi32>,
      %get3A_417 = vector.shape_cast %get3A_416 : vector<1x16xi32> to vector<16xi32>
      %mul3A_418 = arith.constant 100000 : i32
      %mul3A_419 = arith.muli %arg1, %mul3A_418 : i32
      %add3A_420 = vector.broadcast %mul3A_419 : i32 to vector<16xi32>
      %add3A_421 = arith.addi %get3A_417, %add3A_420 : vector<16xi32>
      %swap3A_422 = arith.constant 3 : i32
      %swap3A_423 = arith.index_cast %swap3A_422 : i32 to index
      %swap3A_424 = arith.constant 48 : index
      %swap3A_425 = tpu.vector_load %arg11[%swap3A_423, %swap3A_424] {strides = array<i32>} : memref<4x128xi32, #tpu.memory_space<vmem>>, vector<1x16xi32>,
      %swap3A_426 = vector.shape_cast %swap3A_425 : vector<1x16xi32> to vector<16xi32>
      %swap3A_427 = vector.shape_cast %add3A_421 : vector<16xi32> to vector<1x16xi32>
      tpu.vector_store %arg11[%swap3A_423, %swap3A_424], %swap3A_427 {strides = array<i32>} : memref<4x128xi32, #tpu.memory_space<vmem>>, vector<1x16xi32>,
      %get3A_428 = arith.constant 3 : i32
      %get3A_429 = arith.index_cast %get3A_428 : i32 to index
      %get3A_430 = arith.constant 64 : index
      %get3A_431 = tpu.vector_load %arg8[%get3A_429, %get3A_430] {strides = array<i32>} : memref<4x128xi32, #tpu.memory_space<vmem>>, vector<1x16xi32>,
      %get3A_432 = vector.shape_cast %get3A_431 : vector<1x16xi32> to vector<16xi32>
      %mul3A_433 = arith.constant 100000 : i32
      %mul3A_434 = arith.muli %arg1, %mul3A_433 : i32
      %add3A_435 = vector.broadcast %mul3A_434 : i32 to vector<16xi32>
      %add3A_436 = arith.addi %get3A_432, %add3A_435 : vector<16xi32>
      %swap3A_437 = arith.constant 3 : i32
      %swap3A_438 = arith.index_cast %swap3A_437 : i32 to index
      %swap3A_439 = arith.constant 64 : index
      %swap3A_440 = tpu.vector_load %arg11[%swap3A_438, %swap3A_439] {strides = array<i32>} : memref<4x128xi32, #tpu.memory_space<vmem>>, vector<1x16xi32>,
      %swap3A_441 = vector.shape_cast %swap3A_440 : vector<1x16xi32> to vector<16xi32>
      %swap3A_442 = vector.shape_cast %add3A_436 : vector<16xi32> to vector<1x16xi32>
      tpu.vector_store %arg11[%swap3A_438, %swap3A_439], %swap3A_442 {strides = array<i32>} : memref<4x128xi32, #tpu.memory_space<vmem>>, vector<1x16xi32>,
      %get3A_443 = arith.constant 3 : i32
      %get3A_444 = arith.index_cast %get3A_443 : i32 to index
      %get3A_445 = arith.constant 80 : index
      %get3A_446 = tpu.vector_load %arg8[%get3A_444, %get3A_445] {strides = array<i32>} : memref<4x128xi32, #tpu.memory_space<vmem>>, vector<1x16xi32>,
      %get3A_447 = vector.shape_cast %get3A_446 : vector<1x16xi32> to vector<16xi32>
      %mul3A_448 = arith.constant 100000 : i32
      %mul3A_449 = arith.muli %arg1, %mul3A_448 : i32
      %add3A_450 = vector.broadcast %mul3A_449 : i32 to vector<16xi32>
      %add3A_451 = arith.addi %get3A_447, %add3A_450 : vector<16xi32>
      %swap3A_452 = arith.constant 3 : i32
      %swap3A_453 = arith.index_cast %swap3A_452 : i32 to index
      %swap3A_454 = arith.constant 80 : index
      %swap3A_455 = tpu.vector_load %arg11[%swap3A_453, %swap3A_454] {strides = array<i32>} : memref<4x128xi32, #tpu.memory_space<vmem>>, vector<1x16xi32>,
      %swap3A_456 = vector.shape_cast %swap3A_455 : vector<1x16xi32> to vector<16xi32>
      %swap3A_457 = vector.shape_cast %add3A_451 : vector<16xi32> to vector<1x16xi32>
      tpu.vector_store %arg11[%swap3A_453, %swap3A_454], %swap3A_457 {strides = array<i32>} : memref<4x128xi32, #tpu.memory_space<vmem>>, vector<1x16xi32>,
      %get3A_458 = arith.constant 3 : i32
      %get3A_459 = arith.index_cast %get3A_458 : i32 to index
      %get3A_460 = arith.constant 96 : index
      %get3A_461 = tpu.vector_load %arg8[%get3A_459, %get3A_460] {strides = array<i32>} : memref<4x128xi32, #tpu.memory_space<vmem>>, vector<1x16xi32>,
      %get3A_462 = vector.shape_cast %get3A_461 : vector<1x16xi32> to vector<16xi32>
      %mul3A_463 = arith.constant 100000 : i32
      %mul3A_464 = arith.muli %arg1, %mul3A_463 : i32
      %add3A_465 = vector.broadcast %mul3A_464 : i32 to vector<16xi32>
      %add3A_466 = arith.addi %get3A_462, %add3A_465 : vector<16xi32>
      %swap3A_467 = arith.constant 3 : i32
      %swap3A_468 = arith.index_cast %swap3A_467 : i32 to index
      %swap3A_469 = arith.constant 96 : index
      %swap3A_470 = tpu.vector_load %arg11[%swap3A_468, %swap3A_469] {strides = array<i32>} : memref<4x128xi32, #tpu.memory_space<vmem>>, vector<1x16xi32>,
      %swap3A_471 = vector.shape_cast %swap3A_470 : vector<1x16xi32> to vector<16xi32>
      %swap3A_472 = vector.shape_cast %add3A_466 : vector<16xi32> to vector<1x16xi32>
      tpu.vector_store %arg11[%swap3A_468, %swap3A_469], %swap3A_472 {strides = array<i32>} : memref<4x128xi32, #tpu.memory_space<vmem>>, vector<1x16xi32>,
      %get3A_473 = arith.constant 3 : i32
      %get3A_474 = arith.index_cast %get3A_473 : i32 to index
      %get3A_475 = arith.constant 112 : index
      %get3A_476 = tpu.vector_load %arg8[%get3A_474, %get3A_475] {strides = array<i32>} : memref<4x128xi32, #tpu.memory_space<vmem>>, vector<1x16xi32>,
      %get3A_477 = vector.shape_cast %get3A_476 : vector<1x16xi32> to vector<16xi32>
      %mul3A_478 = arith.constant 100000 : i32
      %mul3A_479 = arith.muli %arg1, %mul3A_478 : i32
      %add3A_480 = vector.broadcast %mul3A_479 : i32 to vector<16xi32>
      %add3A_481 = arith.addi %get3A_477, %add3A_480 : vector<16xi32>
      %swap3A_482 = arith.constant 3 : i32
      %swap3A_483 = arith.index_cast %swap3A_482 : i32 to index
      %swap3A_484 = arith.constant 112 : index
      %swap3A_485 = tpu.vector_load %arg11[%swap3A_483, %swap3A_484] {strides = array<i32>} : memref<4x128xi32, #tpu.memory_space<vmem>>, vector<1x16xi32>,
      %swap3A_486 = vector.shape_cast %swap3A_485 : vector<1x16xi32> to vector<16xi32>
      %swap3A_487 = vector.shape_cast %add3A_481 : vector<16xi32> to vector<1x16xi32>
      tpu.vector_store %arg11[%swap3A_483, %swap3A_484], %swap3A_487 {strides = array<i32>} : memref<4x128xi32, #tpu.memory_space<vmem>>, vector<1x16xi32>,
      %run_scoped3A = arith.constant 0 : i32
      %run_scoped3A_488 = arith.constant 0 : i32
      "tpu.region"() ({
        %run_scoped3A_1752 = tpu.sem_alloc : memref<!tpu.dma_semaphore, #tpu.memory_space<semaphore_mem>>
        %dma_start3A = arith.constant 0 : i32
        %dma_start3A_1753 = tpu.memref_slice %arg10[%run_scoped3A, %dma_start3A] : memref<4x128xi32, #tpu.memory_space<vmem>> -> memref<1x128xi32, #tpu.memory_space<vmem>>
        %dma_start3A_1754 = tpu.memref_squeeze %dma_start3A_1753 : memref<1x128xi32, #tpu.memory_space<vmem>> -> memref<128xi32, #tpu.memory_space<vmem>>
        %dma_start3A_1755 = arith.constant 0 : i32
        %dma_start3A_1756 = tpu.memref_slice %arg11[%run_scoped3A_488, %dma_start3A_1755] : memref<4x128xi32, #tpu.memory_space<vmem>> -> memref<1x128xi32, #tpu.memory_space<vmem>>
        %dma_start3A_1757 = tpu.memref_squeeze %dma_start3A_1756 : memref<1x128xi32, #tpu.memory_space<vmem>> -> memref<128xi32, #tpu.memory_space<vmem>>
        %dma_start3A_1758 = arith.constant 0 : i32
        %dma_start3A_1759 = tpu.memref_slice %arg7[%dma_start3A_1758] : memref<1600000xi32, #tpu.memory_space<vmem_shared>> -> memref<1600000xi32, #tpu.memory_space<vmem_shared>>
        tpu.enqueue_indirect_dma source(%dma_start3A_1754 : memref<128xi32, #tpu.memory_space<vmem>>) target(%dma_start3A_1759 : memref<1600000xi32, #tpu.memory_space<vmem_shared>>) offsets(%dma_start3A_1757 : memref<128xi32, #tpu.memory_space<vmem>>) semaphore(%run_scoped3A_1752 : memref<!tpu.dma_semaphore, #tpu.memory_space<semaphore_mem>>)
        %dma_wait3A = arith.constant 0 : i32
        %dma_wait3A_1760 = tpu.memref_slice %arg10[%run_scoped3A, %dma_wait3A] : memref<4x128xi32, #tpu.memory_space<vmem>> -> memref<1x128xi32, #tpu.memory_space<vmem>>
        %dma_wait3A_1761 = tpu.memref_squeeze %dma_wait3A_1760 : memref<1x128xi32, #tpu.memory_space<vmem>> -> memref<128xi32, #tpu.memory_space<vmem>>
        %dma_wait3A_1762 = arith.constant 0 : i32
        %dma_wait3A_1763 = tpu.memref_slice %arg11[%run_scoped3A_488, %dma_wait3A_1762] : memref<4x128xi32, #tpu.memory_space<vmem>> -> memref<1x128xi32, #tpu.memory_space<vmem>>
        %dma_wait3A_1764 = tpu.memref_squeeze %dma_wait3A_1763 : memref<1x128xi32, #tpu.memory_space<vmem>> -> memref<128xi32, #tpu.memory_space<vmem>>
        %dma_wait3A_1765 = arith.constant 0 : i32
        %dma_wait3A_1766 = tpu.memref_slice %arg7[%dma_wait3A_1765] : memref<1600000xi32, #tpu.memory_space<vmem_shared>> -> memref<1600000xi32, #tpu.memory_space<vmem_shared>>
        tpu.wait_indirect_dma semaphore(%run_scoped3A_1752 : memref<!tpu.dma_semaphore, #tpu.memory_space<semaphore_mem>>) src(%dma_wait3A_1761 : memref<128xi32, #tpu.memory_space<vmem>>) dst(%dma_wait3A_1766 : memref<1600000xi32, #tpu.memory_space<vmem_shared>>)
        tpu.yield
      }) : () -> ()
      %run_scoped3A_489 = arith.constant 1 : i32
      %run_scoped3A_490 = arith.constant 1 : i32
      "tpu.region"() ({
        %run_scoped3A_1752 = tpu.sem_alloc : memref<!tpu.dma_semaphore, #tpu.memory_space<semaphore_mem>>
        %dma_start3A = arith.constant 0 : i32
        %dma_start3A_1753 = tpu.memref_slice %arg10[%run_scoped3A_489, %dma_start3A] : memref<4x128xi32, #tpu.memory_space<vmem>> -> memref<1x128xi32, #tpu.memory_space<vmem>>
        %dma_start3A_1754 = tpu.memref_squeeze %dma_start3A_1753 : memref<1x128xi32, #tpu.memory_space<vmem>> -> memref<128xi32, #tpu.memory_space<vmem>>
        %dma_start3A_1755 = arith.constant 0 : i32
        %dma_start3A_1756 = tpu.memref_slice %arg11[%run_scoped3A_490, %dma_start3A_1755] : memref<4x128xi32, #tpu.memory_space<vmem>> -> memref<1x128xi32, #tpu.memory_space<vmem>>
        %dma_start3A_1757 = tpu.memref_squeeze %dma_start3A_1756 : memref<1x128xi32, #tpu.memory_space<vmem>> -> memref<128xi32, #tpu.memory_space<vmem>>
        %dma_start3A_1758 = arith.constant 0 : i32
        %dma_start3A_1759 = tpu.memref_slice %arg7[%dma_start3A_1758] : memref<1600000xi32, #tpu.memory_space<vmem_shared>> -> memref<1600000xi32, #tpu.memory_space<vmem_shared>>
        tpu.enqueue_indirect_dma source(%dma_start3A_1754 : memref<128xi32, #tpu.memory_space<vmem>>) target(%dma_start3A_1759 : memref<1600000xi32, #tpu.memory_space<vmem_shared>>) offsets(%dma_start3A_1757 : memref<128xi32, #tpu.memory_space<vmem>>) semaphore(%run_scoped3A_1752 : memref<!tpu.dma_semaphore, #tpu.memory_space<semaphore_mem>>)
        %dma_wait3A = arith.constant 0 : i32
        %dma_wait3A_1760 = tpu.memref_slice %arg10[%run_scoped3A_489, %dma_wait3A] : memref<4x128xi32, #tpu.memory_space<vmem>> -> memref<1x128xi32, #tpu.memory_space<vmem>>
        %dma_wait3A_1761 = tpu.memref_squeeze %dma_wait3A_1760 : memref<1x128xi32, #tpu.memory_space<vmem>> -> memref<128xi32, #tpu.memory_space<vmem>>
        %dma_wait3A_1762 = arith.constant 0 : i32
        %dma_wait3A_1763 = tpu.memref_slice %arg11[%run_scoped3A_490, %dma_wait3A_1762] : memref<4x128xi32, #tpu.memory_space<vmem>> -> memref<1x128xi32, #tpu.memory_space<vmem>>
        %dma_wait3A_1764 = tpu.memref_squeeze %dma_wait3A_1763 : memref<1x128xi32, #tpu.memory_space<vmem>> -> memref<128xi32, #tpu.memory_space<vmem>>
        %dma_wait3A_1765 = arith.constant 0 : i32
        %dma_wait3A_1766 = tpu.memref_slice %arg7[%dma_wait3A_1765] : memref<1600000xi32, #tpu.memory_space<vmem_shared>> -> memref<1600000xi32, #tpu.memory_space<vmem_shared>>
        tpu.wait_indirect_dma semaphore(%run_scoped3A_1752 : memref<!tpu.dma_semaphore, #tpu.memory_space<semaphore_mem>>) src(%dma_wait3A_1761 : memref<128xi32, #tpu.memory_space<vmem>>) dst(%dma_wait3A_1766 : memref<1600000xi32, #tpu.memory_space<vmem_shared>>)
        tpu.yield
      }) : () -> ()
      %run_scoped3A_491 = arith.constant 2 : i32
      %run_scoped3A_492 = arith.constant 2 : i32
      "tpu.region"() ({
        %run_scoped3A_1752 = tpu.sem_alloc : memref<!tpu.dma_semaphore, #tpu.memory_space<semaphore_mem>>
        %dma_start3A = arith.constant 0 : i32
        %dma_start3A_1753 = tpu.memref_slice %arg10[%run_scoped3A_491, %dma_start3A] : memref<4x128xi32, #tpu.memory_space<vmem>> -> memref<1x128xi32, #tpu.memory_space<vmem>>
        %dma_start3A_1754 = tpu.memref_squeeze %dma_start3A_1753 : memref<1x128xi32, #tpu.memory_space<vmem>> -> memref<128xi32, #tpu.memory_space<vmem>>
        %dma_start3A_1755 = arith.constant 0 : i32
        %dma_start3A_1756 = tpu.memref_slice %arg11[%run_scoped3A_492, %dma_start3A_1755] : memref<4x128xi32, #tpu.memory_space<vmem>> -> memref<1x128xi32, #tpu.memory_space<vmem>>
        %dma_start3A_1757 = tpu.memref_squeeze %dma_start3A_1756 : memref<1x128xi32, #tpu.memory_space<vmem>> -> memref<128xi32, #tpu.memory_space<vmem>>
        %dma_start3A_1758 = arith.constant 0 : i32
        %dma_start3A_1759 = tpu.memref_slice %arg7[%dma_start3A_1758] : memref<1600000xi32, #tpu.memory_space<vmem_shared>> -> memref<1600000xi32, #tpu.memory_space<vmem_shared>>
        tpu.enqueue_indirect_dma source(%dma_start3A_1754 : memref<128xi32, #tpu.memory_space<vmem>>) target(%dma_start3A_1759 : memref<1600000xi32, #tpu.memory_space<vmem_shared>>) offsets(%dma_start3A_1757 : memref<128xi32, #tpu.memory_space<vmem>>) semaphore(%run_scoped3A_1752 : memref<!tpu.dma_semaphore, #tpu.memory_space<semaphore_mem>>)
        %dma_wait3A = arith.constant 0 : i32
        %dma_wait3A_1760 = tpu.memref_slice %arg10[%run_scoped3A_491, %dma_wait3A] : memref<4x128xi32, #tpu.memory_space<vmem>> -> memref<1x128xi32, #tpu.memory_space<vmem>>
        %dma_wait3A_1761 = tpu.memref_squeeze %dma_wait3A_1760 : memref<1x128xi32, #tpu.memory_space<vmem>> -> memref<128xi32, #tpu.memory_space<vmem>>
        %dma_wait3A_1762 = arith.constant 0 : i32
        %dma_wait3A_1763 = tpu.memref_slice %arg11[%run_scoped3A_492, %dma_wait3A_1762] : memref<4x128xi32, #tpu.memory_space<vmem>> -> memref<1x128xi32, #tpu.memory_space<vmem>>
        %dma_wait3A_1764 = tpu.memref_squeeze %dma_wait3A_1763 : memref<1x128xi32, #tpu.memory_space<vmem>> -> memref<128xi32, #tpu.memory_space<vmem>>
        %dma_wait3A_1765 = arith.constant 0 : i32
        %dma_wait3A_1766 = tpu.memref_slice %arg7[%dma_wait3A_1765] : memref<1600000xi32, #tpu.memory_space<vmem_shared>> -> memref<1600000xi32, #tpu.memory_space<vmem_shared>>
        tpu.wait_indirect_dma semaphore(%run_scoped3A_1752 : memref<!tpu.dma_semaphore, #tpu.memory_space<semaphore_mem>>) src(%dma_wait3A_1761 : memref<128xi32, #tpu.memory_space<vmem>>) dst(%dma_wait3A_1766 : memref<1600000xi32, #tpu.memory_space<vmem_shared>>)
        tpu.yield
      }) : () -> ()
      %run_scoped3A_493 = arith.constant 3 : i32
      %run_scoped3A_494 = arith.constant 3 : i32
      "tpu.region"() ({
        %run_scoped3A_1752 = tpu.sem_alloc : memref<!tpu.dma_semaphore, #tpu.memory_space<semaphore_mem>>
        %dma_start3A = arith.constant 0 : i32
        %dma_start3A_1753 = tpu.memref_slice %arg10[%run_scoped3A_493, %dma_start3A] : memref<4x128xi32, #tpu.memory_space<vmem>> -> memref<1x128xi32, #tpu.memory_space<vmem>>
        %dma_start3A_1754 = tpu.memref_squeeze %dma_start3A_1753 : memref<1x128xi32, #tpu.memory_space<vmem>> -> memref<128xi32, #tpu.memory_space<vmem>>
        %dma_start3A_1755 = arith.constant 0 : i32
        %dma_start3A_1756 = tpu.memref_slice %arg11[%run_scoped3A_494, %dma_start3A_1755] : memref<4x128xi32, #tpu.memory_space<vmem>> -> memref<1x128xi32, #tpu.memory_space<vmem>>
        %dma_start3A_1757 = tpu.memref_squeeze %dma_start3A_1756 : memref<1x128xi32, #tpu.memory_space<vmem>> -> memref<128xi32, #tpu.memory_space<vmem>>
        %dma_start3A_1758 = arith.constant 0 : i32
        %dma_start3A_1759 = tpu.memref_slice %arg7[%dma_start3A_1758] : memref<1600000xi32, #tpu.memory_space<vmem_shared>> -> memref<1600000xi32, #tpu.memory_space<vmem_shared>>
        tpu.enqueue_indirect_dma source(%dma_start3A_1754 : memref<128xi32, #tpu.memory_space<vmem>>) target(%dma_start3A_1759 : memref<1600000xi32, #tpu.memory_space<vmem_shared>>) offsets(%dma_start3A_1757 : memref<128xi32, #tpu.memory_space<vmem>>) semaphore(%run_scoped3A_1752 : memref<!tpu.dma_semaphore, #tpu.memory_space<semaphore_mem>>)
        %dma_wait3A = arith.constant 0 : i32
        %dma_wait3A_1760 = tpu.memref_slice %arg10[%run_scoped3A_493, %dma_wait3A] : memref<4x128xi32, #tpu.memory_space<vmem>> -> memref<1x128xi32, #tpu.memory_space<vmem>>
        %dma_wait3A_1761 = tpu.memref_squeeze %dma_wait3A_1760 : memref<1x128xi32, #tpu.memory_space<vmem>> -> memref<128xi32, #tpu.memory_space<vmem>>
        %dma_wait3A_1762 = arith.constant 0 : i32
        %dma_wait3A_1763 = tpu.memref_slice %arg11[%run_scoped3A_494, %dma_wait3A_1762] : memref<4x128xi32, #tpu.memory_space<vmem>> -> memref<1x128xi32, #tpu.memory_space<vmem>>
        %dma_wait3A_1764 = tpu.memref_squeeze %dma_wait3A_1763 : memref<1x128xi32, #tpu.memory_space<vmem>> -> memref<128xi32, #tpu.memory_space<vmem>>
        %dma_wait3A_1765 = arith.constant 0 : i32
        %dma_wait3A_1766 = tpu.memref_slice %arg7[%dma_wait3A_1765] : memref<1600000xi32, #tpu.memory_space<vmem_shared>> -> memref<1600000xi32, #tpu.memory_space<vmem_shared>>
        tpu.wait_indirect_dma semaphore(%run_scoped3A_1752 : memref<!tpu.dma_semaphore, #tpu.memory_space<semaphore_mem>>) src(%dma_wait3A_1761 : memref<128xi32, #tpu.memory_space<vmem>>) dst(%dma_wait3A_1766 : memref<1600000xi32, #tpu.memory_space<vmem_shared>>)
        tpu.yield
      }) : () -> ()
      %run_scoped3A_495 = arith.constant 0 : i32
      %run_scoped3A_496 = arith.constant 0 : i32
      "tpu.region"() ({
        %run_scoped3A_1752 = tpu.sem_alloc : memref<!tpu.dma_semaphore, #tpu.memory_space<semaphore_mem>>
        %dma_start3A = arith.constant 0 : i32
        %dma_start3A_1753 = tpu.memref_slice %arg9[%run_scoped3A_495, %dma_start3A] : memref<4x128xi32, #tpu.memory_space<vmem>> -> memref<1x128xi32, #tpu.memory_space<vmem>>
        %dma_start3A_1754 = tpu.memref_squeeze %dma_start3A_1753 : memref<1x128xi32, #tpu.memory_space<vmem>> -> memref<128xi32, #tpu.memory_space<vmem>>
        %dma_start3A_1755 = arith.constant 0 : i32
        %dma_start3A_1756 = tpu.memref_slice %arg11[%run_scoped3A_496, %dma_start3A_1755] : memref<4x128xi32, #tpu.memory_space<vmem>> -> memref<1x128xi32, #tpu.memory_space<vmem>>
        %dma_start3A_1757 = tpu.memref_squeeze %dma_start3A_1756 : memref<1x128xi32, #tpu.memory_space<vmem>> -> memref<128xi32, #tpu.memory_space<vmem>>
        %dma_start3A_1758 = arith.constant 0 : i32
        %dma_start3A_1759 = tpu.memref_slice %arg7[%dma_start3A_1758] : memref<1600000xi32, #tpu.memory_space<vmem_shared>> -> memref<1600000xi32, #tpu.memory_space<vmem_shared>>
        tpu.enqueue_indirect_dma source(%dma_start3A_1754 : memref<128xi32, #tpu.memory_space<vmem>>) target(%dma_start3A_1759 : memref<1600000xi32, #tpu.memory_space<vmem_shared>>) offsets(%dma_start3A_1757 : memref<128xi32, #tpu.memory_space<vmem>>) semaphore(%run_scoped3A_1752 : memref<!tpu.dma_semaphore, #tpu.memory_space<semaphore_mem>>) {add = true}
        %dma_wait3A = arith.constant 0 : i32
        %dma_wait3A_1760 = tpu.memref_slice %arg9[%run_scoped3A_495, %dma_wait3A] : memref<4x128xi32, #tpu.memory_space<vmem>> -> memref<1x128xi32, #tpu.memory_space<vmem>>
        %dma_wait3A_1761 = tpu.memref_squeeze %dma_wait3A_1760 : memref<1x128xi32, #tpu.memory_space<vmem>> -> memref<128xi32, #tpu.memory_space<vmem>>
        %dma_wait3A_1762 = arith.constant 0 : i32
        %dma_wait3A_1763 = tpu.memref_slice %arg11[%run_scoped3A_496, %dma_wait3A_1762] : memref<4x128xi32, #tpu.memory_space<vmem>> -> memref<1x128xi32, #tpu.memory_space<vmem>>
        %dma_wait3A_1764 = tpu.memref_squeeze %dma_wait3A_1763 : memref<1x128xi32, #tpu.memory_space<vmem>> -> memref<128xi32, #tpu.memory_space<vmem>>
        %dma_wait3A_1765 = arith.constant 0 : i32
        %dma_wait3A_1766 = tpu.memref_slice %arg7[%dma_wait3A_1765] : memref<1600000xi32, #tpu.memory_space<vmem_shared>> -> memref<1600000xi32, #tpu.memory_space<vmem_shared>>
        tpu.wait_indirect_dma semaphore(%run_scoped3A_1752 : memref<!tpu.dma_semaphore, #tpu.memory_space<semaphore_mem>>) src(%dma_wait3A_1761 : memref<128xi32, #tpu.memory_space<vmem>>) dst(%dma_wait3A_1766 : memref<1600000xi32, #tpu.memory_space<vmem_shared>>)
        tpu.yield
      }) : () -> ()
      %run_scoped3A_497 = arith.constant 1 : i32
      %run_scoped3A_498 = arith.constant 1 : i32
      "tpu.region"() ({
        %run_scoped3A_1752 = tpu.sem_alloc : memref<!tpu.dma_semaphore, #tpu.memory_space<semaphore_mem>>
        %dma_start3A = arith.constant 0 : i32
        %dma_start3A_1753 = tpu.memref_slice %arg9[%run_scoped3A_497, %dma_start3A] : memref<4x128xi32, #tpu.memory_space<vmem>> -> memref<1x128xi32, #tpu.memory_space<vmem>>
        %dma_start3A_1754 = tpu.memref_squeeze %dma_start3A_1753 : memref<1x128xi32, #tpu.memory_space<vmem>> -> memref<128xi32, #tpu.memory_space<vmem>>
        %dma_start3A_1755 = arith.constant 0 : i32
        %dma_start3A_1756 = tpu.memref_slice %arg11[%run_scoped3A_498, %dma_start3A_1755] : memref<4x128xi32, #tpu.memory_space<vmem>> -> memref<1x128xi32, #tpu.memory_space<vmem>>
        %dma_start3A_1757 = tpu.memref_squeeze %dma_start3A_1756 : memref<1x128xi32, #tpu.memory_space<vmem>> -> memref<128xi32, #tpu.memory_space<vmem>>
        %dma_start3A_1758 = arith.constant 0 : i32
        %dma_start3A_1759 = tpu.memref_slice %arg7[%dma_start3A_1758] : memref<1600000xi32, #tpu.memory_space<vmem_shared>> -> memref<1600000xi32, #tpu.memory_space<vmem_shared>>
        tpu.enqueue_indirect_dma source(%dma_start3A_1754 : memref<128xi32, #tpu.memory_space<vmem>>) target(%dma_start3A_1759 : memref<1600000xi32, #tpu.memory_space<vmem_shared>>) offsets(%dma_start3A_1757 : memref<128xi32, #tpu.memory_space<vmem>>) semaphore(%run_scoped3A_1752 : memref<!tpu.dma_semaphore, #tpu.memory_space<semaphore_mem>>) {add = true}
        %dma_wait3A = arith.constant 0 : i32
        %dma_wait3A_1760 = tpu.memref_slice %arg9[%run_scoped3A_497, %dma_wait3A] : memref<4x128xi32, #tpu.memory_space<vmem>> -> memref<1x128xi32, #tpu.memory_space<vmem>>
        %dma_wait3A_1761 = tpu.memref_squeeze %dma_wait3A_1760 : memref<1x128xi32, #tpu.memory_space<vmem>> -> memref<128xi32, #tpu.memory_space<vmem>>
        %dma_wait3A_1762 = arith.constant 0 : i32
        %dma_wait3A_1763 = tpu.memref_slice %arg11[%run_scoped3A_498, %dma_wait3A_1762] : memref<4x128xi32, #tpu.memory_space<vmem>> -> memref<1x128xi32, #tpu.memory_space<vmem>>
        %dma_wait3A_1764 = tpu.memref_squeeze %dma_wait3A_1763 : memref<1x128xi32, #tpu.memory_space<vmem>> -> memref<128xi32, #tpu.memory_space<vmem>>
        %dma_wait3A_1765 = arith.constant 0 : i32
        %dma_wait3A_1766 = tpu.memref_slice %arg7[%dma_wait3A_1765] : memref<1600000xi32, #tpu.memory_space<vmem_shared>> -> memref<1600000xi32, #tpu.memory_space<vmem_shared>>
        tpu.wait_indirect_dma semaphore(%run_scoped3A_1752 : memref<!tpu.dma_semaphore, #tpu.memory_space<semaphore_mem>>) src(%dma_wait3A_1761 : memref<128xi32, #tpu.memory_space<vmem>>) dst(%dma_wait3A_1766 : memref<1600000xi32, #tpu.memory_space<vmem_shared>>)
        tpu.yield
      }) : () -> ()
      %run_scoped3A_499 = arith.constant 2 : i32
      %run_scoped3A_500 = arith.constant 2 : i32
      "tpu.region"() ({
        %run_scoped3A_1752 = tpu.sem_alloc : memref<!tpu.dma_semaphore, #tpu.memory_space<semaphore_mem>>
        %dma_start3A = arith.constant 0 : i32
        %dma_start3A_1753 = tpu.memref_slice %arg9[%run_scoped3A_499, %dma_start3A] : memref<4x128xi32, #tpu.memory_space<vmem>> -> memref<1x128xi32, #tpu.memory_space<vmem>>
        %dma_start3A_1754 = tpu.memref_squeeze %dma_start3A_1753 : memref<1x128xi32, #tpu.memory_space<vmem>> -> memref<128xi32, #tpu.memory_space<vmem>>
        %dma_start3A_1755 = arith.constant 0 : i32
        %dma_start3A_1756 = tpu.memref_slice %arg11[%run_scoped3A_500, %dma_start3A_1755] : memref<4x128xi32, #tpu.memory_space<vmem>> -> memref<1x128xi32, #tpu.memory_space<vmem>>
        %dma_start3A_1757 = tpu.memref_squeeze %dma_start3A_1756 : memref<1x128xi32, #tpu.memory_space<vmem>> -> memref<128xi32, #tpu.memory_space<vmem>>
        %dma_start3A_1758 = arith.constant 0 : i32
        %dma_start3A_1759 = tpu.memref_slice %arg7[%dma_start3A_1758] : memref<1600000xi32, #tpu.memory_space<vmem_shared>> -> memref<1600000xi32, #tpu.memory_space<vmem_shared>>
        tpu.enqueue_indirect_dma source(%dma_start3A_1754 : memref<128xi32, #tpu.memory_space<vmem>>) target(%dma_start3A_1759 : memref<1600000xi32, #tpu.memory_space<vmem_shared>>) offsets(%dma_start3A_1757 : memref<128xi32, #tpu.memory_space<vmem>>) semaphore(%run_scoped3A_1752 : memref<!tpu.dma_semaphore, #tpu.memory_space<semaphore_mem>>) {add = true}
        %dma_wait3A = arith.constant 0 : i32
        %dma_wait3A_1760 = tpu.memref_slice %arg9[%run_scoped3A_499, %dma_wait3A] : memref<4x128xi32, #tpu.memory_space<vmem>> -> memref<1x128xi32, #tpu.memory_space<vmem>>
        %dma_wait3A_1761 = tpu.memref_squeeze %dma_wait3A_1760 : memref<1x128xi32, #tpu.memory_space<vmem>> -> memref<128xi32, #tpu.memory_space<vmem>>
        %dma_wait3A_1762 = arith.constant 0 : i32
        %dma_wait3A_1763 = tpu.memref_slice %arg11[%run_scoped3A_500, %dma_wait3A_1762] : memref<4x128xi32, #tpu.memory_space<vmem>> -> memref<1x128xi32, #tpu.memory_space<vmem>>
        %dma_wait3A_1764 = tpu.memref_squeeze %dma_wait3A_1763 : memref<1x128xi32, #tpu.memory_space<vmem>> -> memref<128xi32, #tpu.memory_space<vmem>>
        %dma_wait3A_1765 = arith.constant 0 : i32
        %dma_wait3A_1766 = tpu.memref_slice %arg7[%dma_wait3A_1765] : memref<1600000xi32, #tpu.memory_space<vmem_shared>> -> memref<1600000xi32, #tpu.memory_space<vmem_shared>>
        tpu.wait_indirect_dma semaphore(%run_scoped3A_1752 : memref<!tpu.dma_semaphore, #tpu.memory_space<semaphore_mem>>) src(%dma_wait3A_1761 : memref<128xi32, #tpu.memory_space<vmem>>) dst(%dma_wait3A_1766 : memref<1600000xi32, #tpu.memory_space<vmem_shared>>)
        tpu.yield
      }) : () -> ()
      %run_scoped3A_501 = arith.constant 3 : i32
      %run_scoped3A_502 = arith.constant 3 : i32
      "tpu.region"() ({
        %run_scoped3A_1752 = tpu.sem_alloc : memref<!tpu.dma_semaphore, #tpu.memory_space<semaphore_mem>>
        %dma_start3A = arith.constant 0 : i32
        %dma_start3A_1753 = tpu.memref_slice %arg9[%run_scoped3A_501, %dma_start3A] : memref<4x128xi32, #tpu.memory_space<vmem>> -> memref<1x128xi32, #tpu.memory_space<vmem>>
        %dma_start3A_1754 = tpu.memref_squeeze %dma_start3A_1753 : memref<1x128xi32, #tpu.memory_space<vmem>> -> memref<128xi32, #tpu.memory_space<vmem>>
        %dma_start3A_1755 = arith.constant 0 : i32
        %dma_start3A_1756 = tpu.memref_slice %arg11[%run_scoped3A_502, %dma_start3A_1755] : memref<4x128xi32, #tpu.memory_space<vmem>> -> memref<1x128xi32, #tpu.memory_space<vmem>>
        %dma_start3A_1757 = tpu.memref_squeeze %dma_start3A_1756 : memref<1x128xi32, #tpu.memory_space<vmem>> -> memref<128xi32, #tpu.memory_space<vmem>>
        %dma_start3A_1758 = arith.constant 0 : i32
        %dma_start3A_1759 = tpu.memref_slice %arg7[%dma_start3A_1758] : memref<1600000xi32, #tpu.memory_space<vmem_shared>> -> memref<1600000xi32, #tpu.memory_space<vmem_shared>>
        tpu.enqueue_indirect_dma source(%dma_start3A_1754 : memref<128xi32, #tpu.memory_space<vmem>>) target(%dma_start3A_1759 : memref<1600000xi32, #tpu.memory_space<vmem_shared>>) offsets(%dma_start3A_1757 : memref<128xi32, #tpu.memory_space<vmem>>) semaphore(%run_scoped3A_1752 : memref<!tpu.dma_semaphore, #tpu.memory_space<semaphore_mem>>) {add = true}
        %dma_wait3A = arith.constant 0 : i32
        %dma_wait3A_1760 = tpu.memref_slice %arg9[%run_scoped3A_501, %dma_wait3A] : memref<4x128xi32, #tpu.memory_space<vmem>> -> memref<1x128xi32, #tpu.memory_space<vmem>>
        %dma_wait3A_1761 = tpu.memref_squeeze %dma_wait3A_1760 : memref<1x128xi32, #tpu.memory_space<vmem>> -> memref<128xi32, #tpu.memory_space<vmem>>
        %dma_wait3A_1762 = arith.constant 0 : i32
        %dma_wait3A_1763 = tpu.memref_slice %arg11[%run_scoped3A_502, %dma_wait3A_1762] : memref<4x128xi32, #tpu.memory_space<vmem>> -> memref<1x128xi32, #tpu.memory_space<vmem>>
        %dma_wait3A_1764 = tpu.memref_squeeze %dma_wait3A_1763 : memref<1x128xi32, #tpu.memory_space<vmem>> -> memref<128xi32, #tpu.memory_space<vmem>>
        %dma_wait3A_1765 = arith.constant 0 : i32
        %dma_wait3A_1766 = tpu.memref_slice %arg7[%dma_wait3A_1765] : memref<1600000xi32, #tpu.memory_space<vmem_shared>> -> memref<1600000xi32, #tpu.memory_space<vmem_shared>>
        tpu.wait_indirect_dma semaphore(%run_scoped3A_1752 : memref<!tpu.dma_semaphore, #tpu.memory_space<semaphore_mem>>) src(%dma_wait3A_1761 : memref<128xi32, #tpu.memory_space<vmem>>) dst(%dma_wait3A_1766 : memref<1600000xi32, #tpu.memory_space<vmem_shared>>)
        tpu.yield
      }) : () -> ()
      %run_scoped3A_503 = arith.constant 0 : i32
      %run_scoped3A_504 = arith.constant 0 : i32
      "tpu.region"() ({
        %run_scoped3A_1752 = tpu.sem_alloc : memref<!tpu.dma_semaphore, #tpu.memory_space<semaphore_mem>>
        %dma_start3A = arith.constant 0 : i32
        %dma_start3A_1753 = tpu.memref_slice %arg12[%run_scoped3A_504, %dma_start3A] : memref<4x128xi32, #tpu.memory_space<vmem>> -> memref<1x128xi32, #tpu.memory_space<vmem>>
        %dma_start3A_1754 = tpu.memref_squeeze %dma_start3A_1753 : memref<1x128xi32, #tpu.memory_space<vmem>> -> memref<128xi32, #tpu.memory_space<vmem>>
        %dma_start3A_1755 = arith.constant 0 : i32
        %dma_start3A_1756 = tpu.memref_slice %arg11[%run_scoped3A_503, %dma_start3A_1755] : memref<4x128xi32, #tpu.memory_space<vmem>> -> memref<1x128xi32, #tpu.memory_space<vmem>>
        %dma_start3A_1757 = tpu.memref_squeeze %dma_start3A_1756 : memref<1x128xi32, #tpu.memory_space<vmem>> -> memref<128xi32, #tpu.memory_space<vmem>>
        %dma_start3A_1758 = arith.constant 0 : i32
        %dma_start3A_1759 = tpu.memref_slice %arg7[%dma_start3A_1758] : memref<1600000xi32, #tpu.memory_space<vmem_shared>> -> memref<1600000xi32, #tpu.memory_space<vmem_shared>>
        tpu.enqueue_indirect_dma source(%dma_start3A_1759 : memref<1600000xi32, #tpu.memory_space<vmem_shared>>) target(%dma_start3A_1754 : memref<128xi32, #tpu.memory_space<vmem>>) offsets(%dma_start3A_1757 : memref<128xi32, #tpu.memory_space<vmem>>) semaphore(%run_scoped3A_1752 : memref<!tpu.dma_semaphore, #tpu.memory_space<semaphore_mem>>)
        %dma_wait3A = arith.constant 0 : i32
        %dma_wait3A_1760 = tpu.memref_slice %arg12[%run_scoped3A_504, %dma_wait3A] : memref<4x128xi32, #tpu.memory_space<vmem>> -> memref<1x128xi32, #tpu.memory_space<vmem>>
        %dma_wait3A_1761 = tpu.memref_squeeze %dma_wait3A_1760 : memref<1x128xi32, #tpu.memory_space<vmem>> -> memref<128xi32, #tpu.memory_space<vmem>>
        %dma_wait3A_1762 = arith.constant 0 : i32
        %dma_wait3A_1763 = tpu.memref_slice %arg11[%run_scoped3A_503, %dma_wait3A_1762] : memref<4x128xi32, #tpu.memory_space<vmem>> -> memref<1x128xi32, #tpu.memory_space<vmem>>
        %dma_wait3A_1764 = tpu.memref_squeeze %dma_wait3A_1763 : memref<1x128xi32, #tpu.memory_space<vmem>> -> memref<128xi32, #tpu.memory_space<vmem>>
        %dma_wait3A_1765 = arith.constant 0 : i32
        %dma_wait3A_1766 = tpu.memref_slice %arg7[%dma_wait3A_1765] : memref<1600000xi32, #tpu.memory_space<vmem_shared>> -> memref<1600000xi32, #tpu.memory_space<vmem_shared>>
        tpu.wait_indirect_dma semaphore(%run_scoped3A_1752 : memref<!tpu.dma_semaphore, #tpu.memory_space<semaphore_mem>>) src(%dma_wait3A_1766 : memref<1600000xi32, #tpu.memory_space<vmem_shared>>) dst(%dma_wait3A_1761 : memref<128xi32, #tpu.memory_space<vmem>>)
        tpu.yield
      }) : () -> ()
      %run_scoped3A_505 = arith.constant 1 : i32
      %run_scoped3A_506 = arith.constant 1 : i32
      "tpu.region"() ({
        %run_scoped3A_1752 = tpu.sem_alloc : memref<!tpu.dma_semaphore, #tpu.memory_space<semaphore_mem>>
        %dma_start3A = arith.constant 0 : i32
        %dma_start3A_1753 = tpu.memref_slice %arg12[%run_scoped3A_506, %dma_start3A] : memref<4x128xi32, #tpu.memory_space<vmem>> -> memref<1x128xi32, #tpu.memory_space<vmem>>
        %dma_start3A_1754 = tpu.memref_squeeze %dma_start3A_1753 : memref<1x128xi32, #tpu.memory_space<vmem>> -> memref<128xi32, #tpu.memory_space<vmem>>
        %dma_start3A_1755 = arith.constant 0 : i32
        %dma_start3A_1756 = tpu.memref_slice %arg11[%run_scoped3A_505, %dma_start3A_1755] : memref<4x128xi32, #tpu.memory_space<vmem>> -> memref<1x128xi32, #tpu.memory_space<vmem>>
        %dma_start3A_1757 = tpu.memref_squeeze %dma_start3A_1756 : memref<1x128xi32, #tpu.memory_space<vmem>> -> memref<128xi32, #tpu.memory_space<vmem>>
        %dma_start3A_1758 = arith.constant 0 : i32
        %dma_start3A_1759 = tpu.memref_slice %arg7[%dma_start3A_1758] : memref<1600000xi32, #tpu.memory_space<vmem_shared>> -> memref<1600000xi32, #tpu.memory_space<vmem_shared>>
        tpu.enqueue_indirect_dma source(%dma_start3A_1759 : memref<1600000xi32, #tpu.memory_space<vmem_shared>>) target(%dma_start3A_1754 : memref<128xi32, #tpu.memory_space<vmem>>) offsets(%dma_start3A_1757 : memref<128xi32, #tpu.memory_space<vmem>>) semaphore(%run_scoped3A_1752 : memref<!tpu.dma_semaphore, #tpu.memory_space<semaphore_mem>>)
        %dma_wait3A = arith.constant 0 : i32
        %dma_wait3A_1760 = tpu.memref_slice %arg12[%run_scoped3A_506, %dma_wait3A] : memref<4x128xi32, #tpu.memory_space<vmem>> -> memref<1x128xi32, #tpu.memory_space<vmem>>
        %dma_wait3A_1761 = tpu.memref_squeeze %dma_wait3A_1760 : memref<1x128xi32, #tpu.memory_space<vmem>> -> memref<128xi32, #tpu.memory_space<vmem>>
        %dma_wait3A_1762 = arith.constant 0 : i32
        %dma_wait3A_1763 = tpu.memref_slice %arg11[%run_scoped3A_505, %dma_wait3A_1762] : memref<4x128xi32, #tpu.memory_space<vmem>> -> memref<1x128xi32, #tpu.memory_space<vmem>>
        %dma_wait3A_1764 = tpu.memref_squeeze %dma_wait3A_1763 : memref<1x128xi32, #tpu.memory_space<vmem>> -> memref<128xi32, #tpu.memory_space<vmem>>
        %dma_wait3A_1765 = arith.constant 0 : i32
        %dma_wait3A_1766 = tpu.memref_slice %arg7[%dma_wait3A_1765] : memref<1600000xi32, #tpu.memory_space<vmem_shared>> -> memref<1600000xi32, #tpu.memory_space<vmem_shared>>
        tpu.wait_indirect_dma semaphore(%run_scoped3A_1752 : memref<!tpu.dma_semaphore, #tpu.memory_space<semaphore_mem>>) src(%dma_wait3A_1766 : memref<1600000xi32, #tpu.memory_space<vmem_shared>>) dst(%dma_wait3A_1761 : memref<128xi32, #tpu.memory_space<vmem>>)
        tpu.yield
      }) : () -> ()
      %run_scoped3A_507 = arith.constant 2 : i32
      %run_scoped3A_508 = arith.constant 2 : i32
      "tpu.region"() ({
        %run_scoped3A_1752 = tpu.sem_alloc : memref<!tpu.dma_semaphore, #tpu.memory_space<semaphore_mem>>
        %dma_start3A = arith.constant 0 : i32
        %dma_start3A_1753 = tpu.memref_slice %arg12[%run_scoped3A_508, %dma_start3A] : memref<4x128xi32, #tpu.memory_space<vmem>> -> memref<1x128xi32, #tpu.memory_space<vmem>>
        %dma_start3A_1754 = tpu.memref_squeeze %dma_start3A_1753 : memref<1x128xi32, #tpu.memory_space<vmem>> -> memref<128xi32, #tpu.memory_space<vmem>>
        %dma_start3A_1755 = arith.constant 0 : i32
        %dma_start3A_1756 = tpu.memref_slice %arg11[%run_scoped3A_507, %dma_start3A_1755] : memref<4x128xi32, #tpu.memory_space<vmem>> -> memref<1x128xi32, #tpu.memory_space<vmem>>
        %dma_start3A_1757 = tpu.memref_squeeze %dma_start3A_1756 : memref<1x128xi32, #tpu.memory_space<vmem>> -> memref<128xi32, #tpu.memory_space<vmem>>
        %dma_start3A_1758 = arith.constant 0 : i32
        %dma_start3A_1759 = tpu.memref_slice %arg7[%dma_start3A_1758] : memref<1600000xi32, #tpu.memory_space<vmem_shared>> -> memref<1600000xi32, #tpu.memory_space<vmem_shared>>
        tpu.enqueue_indirect_dma source(%dma_start3A_1759 : memref<1600000xi32, #tpu.memory_space<vmem_shared>>) target(%dma_start3A_1754 : memref<128xi32, #tpu.memory_space<vmem>>) offsets(%dma_start3A_1757 : memref<128xi32, #tpu.memory_space<vmem>>) semaphore(%run_scoped3A_1752 : memref<!tpu.dma_semaphore, #tpu.memory_space<semaphore_mem>>)
        %dma_wait3A = arith.constant 0 : i32
        %dma_wait3A_1760 = tpu.memref_slice %arg12[%run_scoped3A_508, %dma_wait3A] : memref<4x128xi32, #tpu.memory_space<vmem>> -> memref<1x128xi32, #tpu.memory_space<vmem>>
        %dma_wait3A_1761 = tpu.memref_squeeze %dma_wait3A_1760 : memref<1x128xi32, #tpu.memory_space<vmem>> -> memref<128xi32, #tpu.memory_space<vmem>>
        %dma_wait3A_1762 = arith.constant 0 : i32
        %dma_wait3A_1763 = tpu.memref_slice %arg11[%run_scoped3A_507, %dma_wait3A_1762] : memref<4x128xi32, #tpu.memory_space<vmem>> -> memref<1x128xi32, #tpu.memory_space<vmem>>
        %dma_wait3A_1764 = tpu.memref_squeeze %dma_wait3A_1763 : memref<1x128xi32, #tpu.memory_space<vmem>> -> memref<128xi32, #tpu.memory_space<vmem>>
        %dma_wait3A_1765 = arith.constant 0 : i32
        %dma_wait3A_1766 = tpu.memref_slice %arg7[%dma_wait3A_1765] : memref<1600000xi32, #tpu.memory_space<vmem_shared>> -> memref<1600000xi32, #tpu.memory_space<vmem_shared>>
        tpu.wait_indirect_dma semaphore(%run_scoped3A_1752 : memref<!tpu.dma_semaphore, #tpu.memory_space<semaphore_mem>>) src(%dma_wait3A_1766 : memref<1600000xi32, #tpu.memory_space<vmem_shared>>) dst(%dma_wait3A_1761 : memref<128xi32, #tpu.memory_space<vmem>>)
        tpu.yield
      }) : () -> ()
      %run_scoped3A_509 = arith.constant 3 : i32
      %run_scoped3A_510 = arith.constant 3 : i32
      "tpu.region"() ({
        %run_scoped3A_1752 = tpu.sem_alloc : memref<!tpu.dma_semaphore, #tpu.memory_space<semaphore_mem>>
        %dma_start3A = arith.constant 0 : i32
        %dma_start3A_1753 = tpu.memref_slice %arg12[%run_scoped3A_510, %dma_start3A] : memref<4x128xi32, #tpu.memory_space<vmem>> -> memref<1x128xi32, #tpu.memory_space<vmem>>
        %dma_start3A_1754 = tpu.memref_squeeze %dma_start3A_1753 : memref<1x128xi32, #tpu.memory_space<vmem>> -> memref<128xi32, #tpu.memory_space<vmem>>
        %dma_start3A_1755 = arith.constant 0 : i32
        %dma_start3A_1756 = tpu.memref_slice %arg11[%run_scoped3A_509, %dma_start3A_1755] : memref<4x128xi32, #tpu.memory_space<vmem>> -> memref<1x128xi32, #tpu.memory_space<vmem>>
        %dma_start3A_1757 = tpu.memref_squeeze %dma_start3A_1756 : memref<1x128xi32, #tpu.memory_space<vmem>> -> memref<128xi32, #tpu.memory_space<vmem>>
        %dma_start3A_1758 = arith.constant 0 : i32
        %dma_start3A_1759 = tpu.memref_slice %arg7[%dma_start3A_1758] : memref<1600000xi32, #tpu.memory_space<vmem_shared>> -> memref<1600000xi32, #tpu.memory_space<vmem_shared>>
        tpu.enqueue_indirect_dma source(%dma_start3A_1759 : memref<1600000xi32, #tpu.memory_space<vmem_shared>>) target(%dma_start3A_1754 : memref<128xi32, #tpu.memory_space<vmem>>) offsets(%dma_start3A_1757 : memref<128xi32, #tpu.memory_space<vmem>>) semaphore(%run_scoped3A_1752 : memref<!tpu.dma_semaphore, #tpu.memory_space<semaphore_mem>>)
        %dma_wait3A = arith.constant 0 : i32
        %dma_wait3A_1760 = tpu.memref_slice %arg12[%run_scoped3A_510, %dma_wait3A] : memref<4x128xi32, #tpu.memory_space<vmem>> -> memref<1x128xi32, #tpu.memory_space<vmem>>
        %dma_wait3A_1761 = tpu.memref_squeeze %dma_wait3A_1760 : memref<1x128xi32, #tpu.memory_space<vmem>> -> memref<128xi32, #tpu.memory_space<vmem>>
        %dma_wait3A_1762 = arith.constant 0 : i32
        %dma_wait3A_1763 = tpu.memref_slice %arg11[%run_scoped3A_509, %dma_wait3A_1762] : memref<4x128xi32, #tpu.memory_space<vmem>> -> memref<1x128xi32, #tpu.memory_space<vmem>>
        %dma_wait3A_1764 = tpu.memref_squeeze %dma_wait3A_1763 : memref<1x128xi32, #tpu.memory_space<vmem>> -> memref<128xi32, #tpu.memory_space<vmem>>
        %dma_wait3A_1765 = arith.constant 0 : i32
        %dma_wait3A_1766 = tpu.memref_slice %arg7[%dma_wait3A_1765] : memref<1600000xi32, #tpu.memory_space<vmem_shared>> -> memref<1600000xi32, #tpu.memory_space<vmem_shared>>
        tpu.wait_indirect_dma semaphore(%run_scoped3A_1752 : memref<!tpu.dma_semaphore, #tpu.memory_space<semaphore_mem>>) src(%dma_wait3A_1766 : memref<1600000xi32, #tpu.memory_space<vmem_shared>>) dst(%dma_wait3A_1761 : memref<128xi32, #tpu.memory_space<vmem>>)
        tpu.yield
      }) : () -> ()
      %get3A_511 = arith.constant 0 : i32
      %get3A_512 = arith.index_cast %get3A_511 : i32 to index
      %get3A_513 = arith.constant 0 : index
      %get3A_514 = tpu.vector_load %arg8[%get3A_512, %get3A_513] {strides = array<i32>} : memref<4x128xi32, #tpu.memory_space<vmem>>, vector<1x16xi32>,
      %get3A_515 = vector.shape_cast %get3A_514 : vector<1x16xi32> to vector<16xi32>
      %get3A_516 = arith.constant 0 : i32
      %get3A_517 = arith.index_cast %get3A_516 : i32 to index
      %get3A_518 = arith.constant 0 : index
      %get3A_519 = tpu.vector_load %arg12[%get3A_517, %get3A_518] {strides = array<i32>} : memref<4x128xi32, #tpu.memory_space<vmem>>, vector<1x16xi32>,
      %get3A_520 = vector.shape_cast %get3A_519 : vector<1x16xi32> to vector<16xi32>
      %ne3A = arith.constant 0 : i32
      %ne3A_521 = vector.broadcast %ne3A : i32 to vector<16xi32>
      %ne3A_522 = arith.cmpi ne, %get3A_515, %ne3A_521 : vector<16xi32>
      %and3A = arith.constant 65535 : i32
      %and3A_523 = vector.broadcast %and3A : i32 to vector<16xi32>
      %and3A_524 = arith.andi %get3A_520, %and3A_523 : vector<16xi32>
      %jit3A = arith.constant 0 : i32
      %broadcast_in_dim3A = vector.broadcast %jit3A : i32 to vector<16xi32>
      %select_n3A = arith.select %ne3A_522, %and3A_524, %broadcast_in_dim3A : vector<16xi1>, vector<16xi32>
      %convert_element_type3A = arith.sitofp %select_n3A : vector<16xi32> to vector<16xf32>
      %swap3A_525 = arith.constant 0 : i32
      %swap3A_526 = arith.index_cast %swap3A_525 : i32 to index
      %swap3A_527 = arith.constant 0 : index
      %swap3A_528 = tpu.vector_load %arg13[%swap3A_526, %swap3A_527] {strides = array<i32>} : memref<4x128xf32, #tpu.memory_space<vmem>>, vector<1x16xf32>,
      %swap3A_529 = vector.shape_cast %swap3A_528 : vector<1x16xf32> to vector<16xf32>
      %swap3A_530 = vector.shape_cast %convert_element_type3A : vector<16xf32> to vector<1x16xf32>
      tpu.vector_store %arg13[%swap3A_526, %swap3A_527], %swap3A_530 {strides = array<i32>} : memref<4x128xf32, #tpu.memory_space<vmem>>, vector<1x16xf32>,
      %shift_right_arithmetic3A = arith.constant 16 : i32
      %shift_right_arithmetic3A_531 = vector.broadcast %shift_right_arithmetic3A : i32 to vector<16xi32>
      %shift_right_arithmetic3A_532 = arith.shrsi %get3A_520, %shift_right_arithmetic3A_531 : vector<16xi32>
      %jit3A_533 = arith.constant 0 : i32
      %broadcast_in_dim3A_534 = vector.broadcast %jit3A_533 : i32 to vector<16xi32>
      %select_n3A_535 = arith.select %ne3A_522, %shift_right_arithmetic3A_532, %broadcast_in_dim3A_534 : vector<16xi1>, vector<16xi32>
      %convert_element_type3A_536 = arith.sitofp %select_n3A_535 : vector<16xi32> to vector<16xf32>
      %swap3A_537 = arith.constant 0 : i32
      %swap3A_538 = arith.index_cast %swap3A_537 : i32 to index
      %swap3A_539 = arith.constant 0 : index
      %swap3A_540 = tpu.vector_load %arg14[%swap3A_538, %swap3A_539] {strides = array<i32>} : memref<4x128xf32, #tpu.memory_space<vmem>>, vector<1x16xf32>,
      %swap3A_541 = vector.shape_cast %swap3A_540 : vector<1x16xf32> to vector<16xf32>
      %swap3A_542 = vector.shape_cast %convert_element_type3A_536 : vector<16xf32> to vector<1x16xf32>
      tpu.vector_store %arg14[%swap3A_538, %swap3A_539], %swap3A_542 {strides = array<i32>} : memref<4x128xf32, #tpu.memory_space<vmem>>, vector<1x16xf32>,
      %get3A_543 = arith.constant 0 : i32
      %get3A_544 = arith.index_cast %get3A_543 : i32 to index
      %get3A_545 = arith.constant 16 : index
      %get3A_546 = tpu.vector_load %arg8[%get3A_544, %get3A_545] {strides = array<i32>} : memref<4x128xi32, #tpu.memory_space<vmem>>, vector<1x16xi32>,
      %get3A_547 = vector.shape_cast %get3A_546 : vector<1x16xi32> to vector<16xi32>
      %get3A_548 = arith.constant 0 : i32
      %get3A_549 = arith.index_cast %get3A_548 : i32 to index
      %get3A_550 = arith.constant 16 : index
      %get3A_551 = tpu.vector_load %arg12[%get3A_549, %get3A_550] {strides = array<i32>} : memref<4x128xi32, #tpu.memory_space<vmem>>, vector<1x16xi32>,
      %get3A_552 = vector.shape_cast %get3A_551 : vector<1x16xi32> to vector<16xi32>
      %ne3A_553 = arith.constant 0 : i32
      %ne3A_554 = vector.broadcast %ne3A_553 : i32 to vector<16xi32>
      %ne3A_555 = arith.cmpi ne, %get3A_547, %ne3A_554 : vector<16xi32>
      %and3A_556 = arith.constant 65535 : i32
      %and3A_557 = vector.broadcast %and3A_556 : i32 to vector<16xi32>
      %and3A_558 = arith.andi %get3A_552, %and3A_557 : vector<16xi32>
      %jit3A_559 = arith.constant 0 : i32
      %broadcast_in_dim3A_560 = vector.broadcast %jit3A_559 : i32 to vector<16xi32>
      %select_n3A_561 = arith.select %ne3A_555, %and3A_558, %broadcast_in_dim3A_560 : vector<16xi1>, vector<16xi32>
      %convert_element_type3A_562 = arith.sitofp %select_n3A_561 : vector<16xi32> to vector<16xf32>
      %swap3A_563 = arith.constant 0 : i32
      %swap3A_564 = arith.index_cast %swap3A_563 : i32 to index
      %swap3A_565 = arith.constant 16 : index
      %swap3A_566 = tpu.vector_load %arg13[%swap3A_564, %swap3A_565] {strides = array<i32>} : memref<4x128xf32, #tpu.memory_space<vmem>>, vector<1x16xf32>,
      %swap3A_567 = vector.shape_cast %swap3A_566 : vector<1x16xf32> to vector<16xf32>
      %swap3A_568 = vector.shape_cast %convert_element_type3A_562 : vector<16xf32> to vector<1x16xf32>
      tpu.vector_store %arg13[%swap3A_564, %swap3A_565], %swap3A_568 {strides = array<i32>} : memref<4x128xf32, #tpu.memory_space<vmem>>, vector<1x16xf32>,
      %shift_right_arithmetic3A_569 = arith.constant 16 : i32
      %shift_right_arithmetic3A_570 = vector.broadcast %shift_right_arithmetic3A_569 : i32 to vector<16xi32>
      %shift_right_arithmetic3A_571 = arith.shrsi %get3A_552, %shift_right_arithmetic3A_570 : vector<16xi32>
      %jit3A_572 = arith.constant 0 : i32
      %broadcast_in_dim3A_573 = vector.broadcast %jit3A_572 : i32 to vector<16xi32>
      %select_n3A_574 = arith.select %ne3A_555, %shift_right_arithmetic3A_571, %broadcast_in_dim3A_573 : vector<16xi1>, vector<16xi32>
      %convert_element_type3A_575 = arith.sitofp %select_n3A_574 : vector<16xi32> to vector<16xf32>
      %swap3A_576 = arith.constant 0 : i32
      %swap3A_577 = arith.index_cast %swap3A_576 : i32 to index
      %swap3A_578 = arith.constant 16 : index
      %swap3A_579 = tpu.vector_load %arg14[%swap3A_577, %swap3A_578] {strides = array<i32>} : memref<4x128xf32, #tpu.memory_space<vmem>>, vector<1x16xf32>,
      %swap3A_580 = vector.shape_cast %swap3A_579 : vector<1x16xf32> to vector<16xf32>
      %swap3A_581 = vector.shape_cast %convert_element_type3A_575 : vector<16xf32> to vector<1x16xf32>
      tpu.vector_store %arg14[%swap3A_577, %swap3A_578], %swap3A_581 {strides = array<i32>} : memref<4x128xf32, #tpu.memory_space<vmem>>, vector<1x16xf32>,
      %get3A_582 = arith.constant 0 : i32
      %get3A_583 = arith.index_cast %get3A_582 : i32 to index
      %get3A_584 = arith.constant 32 : index
      %get3A_585 = tpu.vector_load %arg8[%get3A_583, %get3A_584] {strides = array<i32>} : memref<4x128xi32, #tpu.memory_space<vmem>>, vector<1x16xi32>,
      %get3A_586 = vector.shape_cast %get3A_585 : vector<1x16xi32> to vector<16xi32>
      %get3A_587 = arith.constant 0 : i32
      %get3A_588 = arith.index_cast %get3A_587 : i32 to index
      %get3A_589 = arith.constant 32 : index
      %get3A_590 = tpu.vector_load %arg12[%get3A_588, %get3A_589] {strides = array<i32>} : memref<4x128xi32, #tpu.memory_space<vmem>>, vector<1x16xi32>,
      %get3A_591 = vector.shape_cast %get3A_590 : vector<1x16xi32> to vector<16xi32>
      %ne3A_592 = arith.constant 0 : i32
      %ne3A_593 = vector.broadcast %ne3A_592 : i32 to vector<16xi32>
      %ne3A_594 = arith.cmpi ne, %get3A_586, %ne3A_593 : vector<16xi32>
      %and3A_595 = arith.constant 65535 : i32
      %and3A_596 = vector.broadcast %and3A_595 : i32 to vector<16xi32>
      %and3A_597 = arith.andi %get3A_591, %and3A_596 : vector<16xi32>
      %jit3A_598 = arith.constant 0 : i32
      %broadcast_in_dim3A_599 = vector.broadcast %jit3A_598 : i32 to vector<16xi32>
      %select_n3A_600 = arith.select %ne3A_594, %and3A_597, %broadcast_in_dim3A_599 : vector<16xi1>, vector<16xi32>
      %convert_element_type3A_601 = arith.sitofp %select_n3A_600 : vector<16xi32> to vector<16xf32>
      %swap3A_602 = arith.constant 0 : i32
      %swap3A_603 = arith.index_cast %swap3A_602 : i32 to index
      %swap3A_604 = arith.constant 32 : index
      %swap3A_605 = tpu.vector_load %arg13[%swap3A_603, %swap3A_604] {strides = array<i32>} : memref<4x128xf32, #tpu.memory_space<vmem>>, vector<1x16xf32>,
      %swap3A_606 = vector.shape_cast %swap3A_605 : vector<1x16xf32> to vector<16xf32>
      %swap3A_607 = vector.shape_cast %convert_element_type3A_601 : vector<16xf32> to vector<1x16xf32>
      tpu.vector_store %arg13[%swap3A_603, %swap3A_604], %swap3A_607 {strides = array<i32>} : memref<4x128xf32, #tpu.memory_space<vmem>>, vector<1x16xf32>,
      %shift_right_arithmetic3A_608 = arith.constant 16 : i32
      %shift_right_arithmetic3A_609 = vector.broadcast %shift_right_arithmetic3A_608 : i32 to vector<16xi32>
      %shift_right_arithmetic3A_610 = arith.shrsi %get3A_591, %shift_right_arithmetic3A_609 : vector<16xi32>
      %jit3A_611 = arith.constant 0 : i32
      %broadcast_in_dim3A_612 = vector.broadcast %jit3A_611 : i32 to vector<16xi32>
      %select_n3A_613 = arith.select %ne3A_594, %shift_right_arithmetic3A_610, %broadcast_in_dim3A_612 : vector<16xi1>, vector<16xi32>
      %convert_element_type3A_614 = arith.sitofp %select_n3A_613 : vector<16xi32> to vector<16xf32>
      %swap3A_615 = arith.constant 0 : i32
      %swap3A_616 = arith.index_cast %swap3A_615 : i32 to index
      %swap3A_617 = arith.constant 32 : index
      %swap3A_618 = tpu.vector_load %arg14[%swap3A_616, %swap3A_617] {strides = array<i32>} : memref<4x128xf32, #tpu.memory_space<vmem>>, vector<1x16xf32>,
      %swap3A_619 = vector.shape_cast %swap3A_618 : vector<1x16xf32> to vector<16xf32>
      %swap3A_620 = vector.shape_cast %convert_element_type3A_614 : vector<16xf32> to vector<1x16xf32>
      tpu.vector_store %arg14[%swap3A_616, %swap3A_617], %swap3A_620 {strides = array<i32>} : memref<4x128xf32, #tpu.memory_space<vmem>>, vector<1x16xf32>,
      %get3A_621 = arith.constant 0 : i32
      %get3A_622 = arith.index_cast %get3A_621 : i32 to index
      %get3A_623 = arith.constant 48 : index
      %get3A_624 = tpu.vector_load %arg8[%get3A_622, %get3A_623] {strides = array<i32>} : memref<4x128xi32, #tpu.memory_space<vmem>>, vector<1x16xi32>,
      %get3A_625 = vector.shape_cast %get3A_624 : vector<1x16xi32> to vector<16xi32>
      %get3A_626 = arith.constant 0 : i32
      %get3A_627 = arith.index_cast %get3A_626 : i32 to index
      %get3A_628 = arith.constant 48 : index
      %get3A_629 = tpu.vector_load %arg12[%get3A_627, %get3A_628] {strides = array<i32>} : memref<4x128xi32, #tpu.memory_space<vmem>>, vector<1x16xi32>,
      %get3A_630 = vector.shape_cast %get3A_629 : vector<1x16xi32> to vector<16xi32>
      %ne3A_631 = arith.constant 0 : i32
      %ne3A_632 = vector.broadcast %ne3A_631 : i32 to vector<16xi32>
      %ne3A_633 = arith.cmpi ne, %get3A_625, %ne3A_632 : vector<16xi32>
      %and3A_634 = arith.constant 65535 : i32
      %and3A_635 = vector.broadcast %and3A_634 : i32 to vector<16xi32>
      %and3A_636 = arith.andi %get3A_630, %and3A_635 : vector<16xi32>
      %jit3A_637 = arith.constant 0 : i32
      %broadcast_in_dim3A_638 = vector.broadcast %jit3A_637 : i32 to vector<16xi32>
      %select_n3A_639 = arith.select %ne3A_633, %and3A_636, %broadcast_in_dim3A_638 : vector<16xi1>, vector<16xi32>
      %convert_element_type3A_640 = arith.sitofp %select_n3A_639 : vector<16xi32> to vector<16xf32>
      %swap3A_641 = arith.constant 0 : i32
      %swap3A_642 = arith.index_cast %swap3A_641 : i32 to index
      %swap3A_643 = arith.constant 48 : index
      %swap3A_644 = tpu.vector_load %arg13[%swap3A_642, %swap3A_643] {strides = array<i32>} : memref<4x128xf32, #tpu.memory_space<vmem>>, vector<1x16xf32>,
      %swap3A_645 = vector.shape_cast %swap3A_644 : vector<1x16xf32> to vector<16xf32>
      %swap3A_646 = vector.shape_cast %convert_element_type3A_640 : vector<16xf32> to vector<1x16xf32>
      tpu.vector_store %arg13[%swap3A_642, %swap3A_643], %swap3A_646 {strides = array<i32>} : memref<4x128xf32, #tpu.memory_space<vmem>>, vector<1x16xf32>,
      %shift_right_arithmetic3A_647 = arith.constant 16 : i32
      %shift_right_arithmetic3A_648 = vector.broadcast %shift_right_arithmetic3A_647 : i32 to vector<16xi32>
      %shift_right_arithmetic3A_649 = arith.shrsi %get3A_630, %shift_right_arithmetic3A_648 : vector<16xi32>
      %jit3A_650 = arith.constant 0 : i32
      %broadcast_in_dim3A_651 = vector.broadcast %jit3A_650 : i32 to vector<16xi32>
      %select_n3A_652 = arith.select %ne3A_633, %shift_right_arithmetic3A_649, %broadcast_in_dim3A_651 : vector<16xi1>, vector<16xi32>
      %convert_element_type3A_653 = arith.sitofp %select_n3A_652 : vector<16xi32> to vector<16xf32>
      %swap3A_654 = arith.constant 0 : i32
      %swap3A_655 = arith.index_cast %swap3A_654 : i32 to index
      %swap3A_656 = arith.constant 48 : index
      %swap3A_657 = tpu.vector_load %arg14[%swap3A_655, %swap3A_656] {strides = array<i32>} : memref<4x128xf32, #tpu.memory_space<vmem>>, vector<1x16xf32>,
      %swap3A_658 = vector.shape_cast %swap3A_657 : vector<1x16xf32> to vector<16xf32>
      %swap3A_659 = vector.shape_cast %convert_element_type3A_653 : vector<16xf32> to vector<1x16xf32>
      tpu.vector_store %arg14[%swap3A_655, %swap3A_656], %swap3A_659 {strides = array<i32>} : memref<4x128xf32, #tpu.memory_space<vmem>>, vector<1x16xf32>,
      %get3A_660 = arith.constant 0 : i32
      %get3A_661 = arith.index_cast %get3A_660 : i32 to index
      %get3A_662 = arith.constant 64 : index
      %get3A_663 = tpu.vector_load %arg8[%get3A_661, %get3A_662] {strides = array<i32>} : memref<4x128xi32, #tpu.memory_space<vmem>>, vector<1x16xi32>,
      %get3A_664 = vector.shape_cast %get3A_663 : vector<1x16xi32> to vector<16xi32>
      %get3A_665 = arith.constant 0 : i32
      %get3A_666 = arith.index_cast %get3A_665 : i32 to index
      %get3A_667 = arith.constant 64 : index
      %get3A_668 = tpu.vector_load %arg12[%get3A_666, %get3A_667] {strides = array<i32>} : memref<4x128xi32, #tpu.memory_space<vmem>>, vector<1x16xi32>,
      %get3A_669 = vector.shape_cast %get3A_668 : vector<1x16xi32> to vector<16xi32>
      %ne3A_670 = arith.constant 0 : i32
      %ne3A_671 = vector.broadcast %ne3A_670 : i32 to vector<16xi32>
      %ne3A_672 = arith.cmpi ne, %get3A_664, %ne3A_671 : vector<16xi32>
      %and3A_673 = arith.constant 65535 : i32
      %and3A_674 = vector.broadcast %and3A_673 : i32 to vector<16xi32>
      %and3A_675 = arith.andi %get3A_669, %and3A_674 : vector<16xi32>
      %jit3A_676 = arith.constant 0 : i32
      %broadcast_in_dim3A_677 = vector.broadcast %jit3A_676 : i32 to vector<16xi32>
      %select_n3A_678 = arith.select %ne3A_672, %and3A_675, %broadcast_in_dim3A_677 : vector<16xi1>, vector<16xi32>
      %convert_element_type3A_679 = arith.sitofp %select_n3A_678 : vector<16xi32> to vector<16xf32>
      %swap3A_680 = arith.constant 0 : i32
      %swap3A_681 = arith.index_cast %swap3A_680 : i32 to index
      %swap3A_682 = arith.constant 64 : index
      %swap3A_683 = tpu.vector_load %arg13[%swap3A_681, %swap3A_682] {strides = array<i32>} : memref<4x128xf32, #tpu.memory_space<vmem>>, vector<1x16xf32>,
      %swap3A_684 = vector.shape_cast %swap3A_683 : vector<1x16xf32> to vector<16xf32>
      %swap3A_685 = vector.shape_cast %convert_element_type3A_679 : vector<16xf32> to vector<1x16xf32>
      tpu.vector_store %arg13[%swap3A_681, %swap3A_682], %swap3A_685 {strides = array<i32>} : memref<4x128xf32, #tpu.memory_space<vmem>>, vector<1x16xf32>,
      %shift_right_arithmetic3A_686 = arith.constant 16 : i32
      %shift_right_arithmetic3A_687 = vector.broadcast %shift_right_arithmetic3A_686 : i32 to vector<16xi32>
      %shift_right_arithmetic3A_688 = arith.shrsi %get3A_669, %shift_right_arithmetic3A_687 : vector<16xi32>
      %jit3A_689 = arith.constant 0 : i32
      %broadcast_in_dim3A_690 = vector.broadcast %jit3A_689 : i32 to vector<16xi32>
      %select_n3A_691 = arith.select %ne3A_672, %shift_right_arithmetic3A_688, %broadcast_in_dim3A_690 : vector<16xi1>, vector<16xi32>
      %convert_element_type3A_692 = arith.sitofp %select_n3A_691 : vector<16xi32> to vector<16xf32>
      %swap3A_693 = arith.constant 0 : i32
      %swap3A_694 = arith.index_cast %swap3A_693 : i32 to index
      %swap3A_695 = arith.constant 64 : index
      %swap3A_696 = tpu.vector_load %arg14[%swap3A_694, %swap3A_695] {strides = array<i32>} : memref<4x128xf32, #tpu.memory_space<vmem>>, vector<1x16xf32>,
      %swap3A_697 = vector.shape_cast %swap3A_696 : vector<1x16xf32> to vector<16xf32>
      %swap3A_698 = vector.shape_cast %convert_element_type3A_692 : vector<16xf32> to vector<1x16xf32>
      tpu.vector_store %arg14[%swap3A_694, %swap3A_695], %swap3A_698 {strides = array<i32>} : memref<4x128xf32, #tpu.memory_space<vmem>>, vector<1x16xf32>,
      %get3A_699 = arith.constant 0 : i32
      %get3A_700 = arith.index_cast %get3A_699 : i32 to index
      %get3A_701 = arith.constant 80 : index
      %get3A_702 = tpu.vector_load %arg8[%get3A_700, %get3A_701] {strides = array<i32>} : memref<4x128xi32, #tpu.memory_space<vmem>>, vector<1x16xi32>,
      %get3A_703 = vector.shape_cast %get3A_702 : vector<1x16xi32> to vector<16xi32>
      %get3A_704 = arith.constant 0 : i32
      %get3A_705 = arith.index_cast %get3A_704 : i32 to index
      %get3A_706 = arith.constant 80 : index
      %get3A_707 = tpu.vector_load %arg12[%get3A_705, %get3A_706] {strides = array<i32>} : memref<4x128xi32, #tpu.memory_space<vmem>>, vector<1x16xi32>,
      %get3A_708 = vector.shape_cast %get3A_707 : vector<1x16xi32> to vector<16xi32>
      %ne3A_709 = arith.constant 0 : i32
      %ne3A_710 = vector.broadcast %ne3A_709 : i32 to vector<16xi32>
      %ne3A_711 = arith.cmpi ne, %get3A_703, %ne3A_710 : vector<16xi32>
      %and3A_712 = arith.constant 65535 : i32
      %and3A_713 = vector.broadcast %and3A_712 : i32 to vector<16xi32>
      %and3A_714 = arith.andi %get3A_708, %and3A_713 : vector<16xi32>
      %jit3A_715 = arith.constant 0 : i32
      %broadcast_in_dim3A_716 = vector.broadcast %jit3A_715 : i32 to vector<16xi32>
      %select_n3A_717 = arith.select %ne3A_711, %and3A_714, %broadcast_in_dim3A_716 : vector<16xi1>, vector<16xi32>
      %convert_element_type3A_718 = arith.sitofp %select_n3A_717 : vector<16xi32> to vector<16xf32>
      %swap3A_719 = arith.constant 0 : i32
      %swap3A_720 = arith.index_cast %swap3A_719 : i32 to index
      %swap3A_721 = arith.constant 80 : index
      %swap3A_722 = tpu.vector_load %arg13[%swap3A_720, %swap3A_721] {strides = array<i32>} : memref<4x128xf32, #tpu.memory_space<vmem>>, vector<1x16xf32>,
      %swap3A_723 = vector.shape_cast %swap3A_722 : vector<1x16xf32> to vector<16xf32>
      %swap3A_724 = vector.shape_cast %convert_element_type3A_718 : vector<16xf32> to vector<1x16xf32>
      tpu.vector_store %arg13[%swap3A_720, %swap3A_721], %swap3A_724 {strides = array<i32>} : memref<4x128xf32, #tpu.memory_space<vmem>>, vector<1x16xf32>,
      %shift_right_arithmetic3A_725 = arith.constant 16 : i32
      %shift_right_arithmetic3A_726 = vector.broadcast %shift_right_arithmetic3A_725 : i32 to vector<16xi32>
      %shift_right_arithmetic3A_727 = arith.shrsi %get3A_708, %shift_right_arithmetic3A_726 : vector<16xi32>
      %jit3A_728 = arith.constant 0 : i32
      %broadcast_in_dim3A_729 = vector.broadcast %jit3A_728 : i32 to vector<16xi32>
      %select_n3A_730 = arith.select %ne3A_711, %shift_right_arithmetic3A_727, %broadcast_in_dim3A_729 : vector<16xi1>, vector<16xi32>
      %convert_element_type3A_731 = arith.sitofp %select_n3A_730 : vector<16xi32> to vector<16xf32>
      %swap3A_732 = arith.constant 0 : i32
      %swap3A_733 = arith.index_cast %swap3A_732 : i32 to index
      %swap3A_734 = arith.constant 80 : index
      %swap3A_735 = tpu.vector_load %arg14[%swap3A_733, %swap3A_734] {strides = array<i32>} : memref<4x128xf32, #tpu.memory_space<vmem>>, vector<1x16xf32>,
      %swap3A_736 = vector.shape_cast %swap3A_735 : vector<1x16xf32> to vector<16xf32>
      %swap3A_737 = vector.shape_cast %convert_element_type3A_731 : vector<16xf32> to vector<1x16xf32>
      tpu.vector_store %arg14[%swap3A_733, %swap3A_734], %swap3A_737 {strides = array<i32>} : memref<4x128xf32, #tpu.memory_space<vmem>>, vector<1x16xf32>,
      %get3A_738 = arith.constant 0 : i32
      %get3A_739 = arith.index_cast %get3A_738 : i32 to index
      %get3A_740 = arith.constant 96 : index
      %get3A_741 = tpu.vector_load %arg8[%get3A_739, %get3A_740] {strides = array<i32>} : memref<4x128xi32, #tpu.memory_space<vmem>>, vector<1x16xi32>,
      %get3A_742 = vector.shape_cast %get3A_741 : vector<1x16xi32> to vector<16xi32>
      %get3A_743 = arith.constant 0 : i32
      %get3A_744 = arith.index_cast %get3A_743 : i32 to index
      %get3A_745 = arith.constant 96 : index
      %get3A_746 = tpu.vector_load %arg12[%get3A_744, %get3A_745] {strides = array<i32>} : memref<4x128xi32, #tpu.memory_space<vmem>>, vector<1x16xi32>,
      %get3A_747 = vector.shape_cast %get3A_746 : vector<1x16xi32> to vector<16xi32>
      %ne3A_748 = arith.constant 0 : i32
      %ne3A_749 = vector.broadcast %ne3A_748 : i32 to vector<16xi32>
      %ne3A_750 = arith.cmpi ne, %get3A_742, %ne3A_749 : vector<16xi32>
      %and3A_751 = arith.constant 65535 : i32
      %and3A_752 = vector.broadcast %and3A_751 : i32 to vector<16xi32>
      %and3A_753 = arith.andi %get3A_747, %and3A_752 : vector<16xi32>
      %jit3A_754 = arith.constant 0 : i32
      %broadcast_in_dim3A_755 = vector.broadcast %jit3A_754 : i32 to vector<16xi32>
      %select_n3A_756 = arith.select %ne3A_750, %and3A_753, %broadcast_in_dim3A_755 : vector<16xi1>, vector<16xi32>
      %convert_element_type3A_757 = arith.sitofp %select_n3A_756 : vector<16xi32> to vector<16xf32>
      %swap3A_758 = arith.constant 0 : i32
      %swap3A_759 = arith.index_cast %swap3A_758 : i32 to index
      %swap3A_760 = arith.constant 96 : index
      %swap3A_761 = tpu.vector_load %arg13[%swap3A_759, %swap3A_760] {strides = array<i32>} : memref<4x128xf32, #tpu.memory_space<vmem>>, vector<1x16xf32>,
      %swap3A_762 = vector.shape_cast %swap3A_761 : vector<1x16xf32> to vector<16xf32>
      %swap3A_763 = vector.shape_cast %convert_element_type3A_757 : vector<16xf32> to vector<1x16xf32>
      tpu.vector_store %arg13[%swap3A_759, %swap3A_760], %swap3A_763 {strides = array<i32>} : memref<4x128xf32, #tpu.memory_space<vmem>>, vector<1x16xf32>,
      %shift_right_arithmetic3A_764 = arith.constant 16 : i32
      %shift_right_arithmetic3A_765 = vector.broadcast %shift_right_arithmetic3A_764 : i32 to vector<16xi32>
      %shift_right_arithmetic3A_766 = arith.shrsi %get3A_747, %shift_right_arithmetic3A_765 : vector<16xi32>
      %jit3A_767 = arith.constant 0 : i32
      %broadcast_in_dim3A_768 = vector.broadcast %jit3A_767 : i32 to vector<16xi32>
      %select_n3A_769 = arith.select %ne3A_750, %shift_right_arithmetic3A_766, %broadcast_in_dim3A_768 : vector<16xi1>, vector<16xi32>
      %convert_element_type3A_770 = arith.sitofp %select_n3A_769 : vector<16xi32> to vector<16xf32>
      %swap3A_771 = arith.constant 0 : i32
      %swap3A_772 = arith.index_cast %swap3A_771 : i32 to index
      %swap3A_773 = arith.constant 96 : index
      %swap3A_774 = tpu.vector_load %arg14[%swap3A_772, %swap3A_773] {strides = array<i32>} : memref<4x128xf32, #tpu.memory_space<vmem>>, vector<1x16xf32>,
      %swap3A_775 = vector.shape_cast %swap3A_774 : vector<1x16xf32> to vector<16xf32>
      %swap3A_776 = vector.shape_cast %convert_element_type3A_770 : vector<16xf32> to vector<1x16xf32>
      tpu.vector_store %arg14[%swap3A_772, %swap3A_773], %swap3A_776 {strides = array<i32>} : memref<4x128xf32, #tpu.memory_space<vmem>>, vector<1x16xf32>,
      %get3A_777 = arith.constant 0 : i32
      %get3A_778 = arith.index_cast %get3A_777 : i32 to index
      %get3A_779 = arith.constant 112 : index
      %get3A_780 = tpu.vector_load %arg8[%get3A_778, %get3A_779] {strides = array<i32>} : memref<4x128xi32, #tpu.memory_space<vmem>>, vector<1x16xi32>,
      %get3A_781 = vector.shape_cast %get3A_780 : vector<1x16xi32> to vector<16xi32>
      %get3A_782 = arith.constant 0 : i32
      %get3A_783 = arith.index_cast %get3A_782 : i32 to index
      %get3A_784 = arith.constant 112 : index
      %get3A_785 = tpu.vector_load %arg12[%get3A_783, %get3A_784] {strides = array<i32>} : memref<4x128xi32, #tpu.memory_space<vmem>>, vector<1x16xi32>,
      %get3A_786 = vector.shape_cast %get3A_785 : vector<1x16xi32> to vector<16xi32>
      %ne3A_787 = arith.constant 0 : i32
      %ne3A_788 = vector.broadcast %ne3A_787 : i32 to vector<16xi32>
      %ne3A_789 = arith.cmpi ne, %get3A_781, %ne3A_788 : vector<16xi32>
      %and3A_790 = arith.constant 65535 : i32
      %and3A_791 = vector.broadcast %and3A_790 : i32 to vector<16xi32>
      %and3A_792 = arith.andi %get3A_786, %and3A_791 : vector<16xi32>
      %jit3A_793 = arith.constant 0 : i32
      %broadcast_in_dim3A_794 = vector.broadcast %jit3A_793 : i32 to vector<16xi32>
      %select_n3A_795 = arith.select %ne3A_789, %and3A_792, %broadcast_in_dim3A_794 : vector<16xi1>, vector<16xi32>
      %convert_element_type3A_796 = arith.sitofp %select_n3A_795 : vector<16xi32> to vector<16xf32>
      %swap3A_797 = arith.constant 0 : i32
      %swap3A_798 = arith.index_cast %swap3A_797 : i32 to index
      %swap3A_799 = arith.constant 112 : index
      %swap3A_800 = tpu.vector_load %arg13[%swap3A_798, %swap3A_799] {strides = array<i32>} : memref<4x128xf32, #tpu.memory_space<vmem>>, vector<1x16xf32>,
      %swap3A_801 = vector.shape_cast %swap3A_800 : vector<1x16xf32> to vector<16xf32>
      %swap3A_802 = vector.shape_cast %convert_element_type3A_796 : vector<16xf32> to vector<1x16xf32>
      tpu.vector_store %arg13[%swap3A_798, %swap3A_799], %swap3A_802 {strides = array<i32>} : memref<4x128xf32, #tpu.memory_space<vmem>>, vector<1x16xf32>,
      %shift_right_arithmetic3A_803 = arith.constant 16 : i32
      %shift_right_arithmetic3A_804 = vector.broadcast %shift_right_arithmetic3A_803 : i32 to vector<16xi32>
      %shift_right_arithmetic3A_805 = arith.shrsi %get3A_786, %shift_right_arithmetic3A_804 : vector<16xi32>
      %jit3A_806 = arith.constant 0 : i32
      %broadcast_in_dim3A_807 = vector.broadcast %jit3A_806 : i32 to vector<16xi32>
      %select_n3A_808 = arith.select %ne3A_789, %shift_right_arithmetic3A_805, %broadcast_in_dim3A_807 : vector<16xi1>, vector<16xi32>
      %convert_element_type3A_809 = arith.sitofp %select_n3A_808 : vector<16xi32> to vector<16xf32>
      %swap3A_810 = arith.constant 0 : i32
      %swap3A_811 = arith.index_cast %swap3A_810 : i32 to index
      %swap3A_812 = arith.constant 112 : index
      %swap3A_813 = tpu.vector_load %arg14[%swap3A_811, %swap3A_812] {strides = array<i32>} : memref<4x128xf32, #tpu.memory_space<vmem>>, vector<1x16xf32>,
      %swap3A_814 = vector.shape_cast %swap3A_813 : vector<1x16xf32> to vector<16xf32>
      %swap3A_815 = vector.shape_cast %convert_element_type3A_809 : vector<16xf32> to vector<1x16xf32>
      tpu.vector_store %arg14[%swap3A_811, %swap3A_812], %swap3A_815 {strides = array<i32>} : memref<4x128xf32, #tpu.memory_space<vmem>>, vector<1x16xf32>,
      %get3A_816 = arith.constant 1 : i32
      %get3A_817 = arith.index_cast %get3A_816 : i32 to index
      %get3A_818 = arith.constant 0 : index
      %get3A_819 = tpu.vector_load %arg8[%get3A_817, %get3A_818] {strides = array<i32>} : memref<4x128xi32, #tpu.memory_space<vmem>>, vector<1x16xi32>,
      %get3A_820 = vector.shape_cast %get3A_819 : vector<1x16xi32> to vector<16xi32>
      %get3A_821 = arith.constant 1 : i32
      %get3A_822 = arith.index_cast %get3A_821 : i32 to index
      %get3A_823 = arith.constant 0 : index
      %get3A_824 = tpu.vector_load %arg12[%get3A_822, %get3A_823] {strides = array<i32>} : memref<4x128xi32, #tpu.memory_space<vmem>>, vector<1x16xi32>,
      %get3A_825 = vector.shape_cast %get3A_824 : vector<1x16xi32> to vector<16xi32>
      %ne3A_826 = arith.constant 0 : i32
      %ne3A_827 = vector.broadcast %ne3A_826 : i32 to vector<16xi32>
      %ne3A_828 = arith.cmpi ne, %get3A_820, %ne3A_827 : vector<16xi32>
      %and3A_829 = arith.constant 65535 : i32
      %and3A_830 = vector.broadcast %and3A_829 : i32 to vector<16xi32>
      %and3A_831 = arith.andi %get3A_825, %and3A_830 : vector<16xi32>
      %jit3A_832 = arith.constant 0 : i32
      %broadcast_in_dim3A_833 = vector.broadcast %jit3A_832 : i32 to vector<16xi32>
      %select_n3A_834 = arith.select %ne3A_828, %and3A_831, %broadcast_in_dim3A_833 : vector<16xi1>, vector<16xi32>
      %convert_element_type3A_835 = arith.sitofp %select_n3A_834 : vector<16xi32> to vector<16xf32>
      %swap3A_836 = arith.constant 1 : i32
      %swap3A_837 = arith.index_cast %swap3A_836 : i32 to index
      %swap3A_838 = arith.constant 0 : index
      %swap3A_839 = tpu.vector_load %arg13[%swap3A_837, %swap3A_838] {strides = array<i32>} : memref<4x128xf32, #tpu.memory_space<vmem>>, vector<1x16xf32>,
      %swap3A_840 = vector.shape_cast %swap3A_839 : vector<1x16xf32> to vector<16xf32>
      %swap3A_841 = vector.shape_cast %convert_element_type3A_835 : vector<16xf32> to vector<1x16xf32>
      tpu.vector_store %arg13[%swap3A_837, %swap3A_838], %swap3A_841 {strides = array<i32>} : memref<4x128xf32, #tpu.memory_space<vmem>>, vector<1x16xf32>,
      %shift_right_arithmetic3A_842 = arith.constant 16 : i32
      %shift_right_arithmetic3A_843 = vector.broadcast %shift_right_arithmetic3A_842 : i32 to vector<16xi32>
      %shift_right_arithmetic3A_844 = arith.shrsi %get3A_825, %shift_right_arithmetic3A_843 : vector<16xi32>
      %jit3A_845 = arith.constant 0 : i32
      %broadcast_in_dim3A_846 = vector.broadcast %jit3A_845 : i32 to vector<16xi32>
      %select_n3A_847 = arith.select %ne3A_828, %shift_right_arithmetic3A_844, %broadcast_in_dim3A_846 : vector<16xi1>, vector<16xi32>
      %convert_element_type3A_848 = arith.sitofp %select_n3A_847 : vector<16xi32> to vector<16xf32>
      %swap3A_849 = arith.constant 1 : i32
      %swap3A_850 = arith.index_cast %swap3A_849 : i32 to index
      %swap3A_851 = arith.constant 0 : index
      %swap3A_852 = tpu.vector_load %arg14[%swap3A_850, %swap3A_851] {strides = array<i32>} : memref<4x128xf32, #tpu.memory_space<vmem>>, vector<1x16xf32>,
      %swap3A_853 = vector.shape_cast %swap3A_852 : vector<1x16xf32> to vector<16xf32>
      %swap3A_854 = vector.shape_cast %convert_element_type3A_848 : vector<16xf32> to vector<1x16xf32>
      tpu.vector_store %arg14[%swap3A_850, %swap3A_851], %swap3A_854 {strides = array<i32>} : memref<4x128xf32, #tpu.memory_space<vmem>>, vector<1x16xf32>,
      %get3A_855 = arith.constant 1 : i32
      %get3A_856 = arith.index_cast %get3A_855 : i32 to index
      %get3A_857 = arith.constant 16 : index
      %get3A_858 = tpu.vector_load %arg8[%get3A_856, %get3A_857] {strides = array<i32>} : memref<4x128xi32, #tpu.memory_space<vmem>>, vector<1x16xi32>,
      %get3A_859 = vector.shape_cast %get3A_858 : vector<1x16xi32> to vector<16xi32>
      %get3A_860 = arith.constant 1 : i32
      %get3A_861 = arith.index_cast %get3A_860 : i32 to index
      %get3A_862 = arith.constant 16 : index
      %get3A_863 = tpu.vector_load %arg12[%get3A_861, %get3A_862] {strides = array<i32>} : memref<4x128xi32, #tpu.memory_space<vmem>>, vector<1x16xi32>,
      %get3A_864 = vector.shape_cast %get3A_863 : vector<1x16xi32> to vector<16xi32>
      %ne3A_865 = arith.constant 0 : i32
      %ne3A_866 = vector.broadcast %ne3A_865 : i32 to vector<16xi32>
      %ne3A_867 = arith.cmpi ne, %get3A_859, %ne3A_866 : vector<16xi32>
      %and3A_868 = arith.constant 65535 : i32
      %and3A_869 = vector.broadcast %and3A_868 : i32 to vector<16xi32>
      %and3A_870 = arith.andi %get3A_864, %and3A_869 : vector<16xi32>
      %jit3A_871 = arith.constant 0 : i32
      %broadcast_in_dim3A_872 = vector.broadcast %jit3A_871 : i32 to vector<16xi32>
      %select_n3A_873 = arith.select %ne3A_867, %and3A_870, %broadcast_in_dim3A_872 : vector<16xi1>, vector<16xi32>
      %convert_element_type3A_874 = arith.sitofp %select_n3A_873 : vector<16xi32> to vector<16xf32>
      %swap3A_875 = arith.constant 1 : i32
      %swap3A_876 = arith.index_cast %swap3A_875 : i32 to index
      %swap3A_877 = arith.constant 16 : index
      %swap3A_878 = tpu.vector_load %arg13[%swap3A_876, %swap3A_877] {strides = array<i32>} : memref<4x128xf32, #tpu.memory_space<vmem>>, vector<1x16xf32>,
      %swap3A_879 = vector.shape_cast %swap3A_878 : vector<1x16xf32> to vector<16xf32>
      %swap3A_880 = vector.shape_cast %convert_element_type3A_874 : vector<16xf32> to vector<1x16xf32>
      tpu.vector_store %arg13[%swap3A_876, %swap3A_877], %swap3A_880 {strides = array<i32>} : memref<4x128xf32, #tpu.memory_space<vmem>>, vector<1x16xf32>,
      %shift_right_arithmetic3A_881 = arith.constant 16 : i32
      %shift_right_arithmetic3A_882 = vector.broadcast %shift_right_arithmetic3A_881 : i32 to vector<16xi32>
      %shift_right_arithmetic3A_883 = arith.shrsi %get3A_864, %shift_right_arithmetic3A_882 : vector<16xi32>
      %jit3A_884 = arith.constant 0 : i32
      %broadcast_in_dim3A_885 = vector.broadcast %jit3A_884 : i32 to vector<16xi32>
      %select_n3A_886 = arith.select %ne3A_867, %shift_right_arithmetic3A_883, %broadcast_in_dim3A_885 : vector<16xi1>, vector<16xi32>
      %convert_element_type3A_887 = arith.sitofp %select_n3A_886 : vector<16xi32> to vector<16xf32>
      %swap3A_888 = arith.constant 1 : i32
      %swap3A_889 = arith.index_cast %swap3A_888 : i32 to index
      %swap3A_890 = arith.constant 16 : index
      %swap3A_891 = tpu.vector_load %arg14[%swap3A_889, %swap3A_890] {strides = array<i32>} : memref<4x128xf32, #tpu.memory_space<vmem>>, vector<1x16xf32>,
      %swap3A_892 = vector.shape_cast %swap3A_891 : vector<1x16xf32> to vector<16xf32>
      %swap3A_893 = vector.shape_cast %convert_element_type3A_887 : vector<16xf32> to vector<1x16xf32>
      tpu.vector_store %arg14[%swap3A_889, %swap3A_890], %swap3A_893 {strides = array<i32>} : memref<4x128xf32, #tpu.memory_space<vmem>>, vector<1x16xf32>,
      %get3A_894 = arith.constant 1 : i32
      %get3A_895 = arith.index_cast %get3A_894 : i32 to index
      %get3A_896 = arith.constant 32 : index
      %get3A_897 = tpu.vector_load %arg8[%get3A_895, %get3A_896] {strides = array<i32>} : memref<4x128xi32, #tpu.memory_space<vmem>>, vector<1x16xi32>,
      %get3A_898 = vector.shape_cast %get3A_897 : vector<1x16xi32> to vector<16xi32>
      %get3A_899 = arith.constant 1 : i32
      %get3A_900 = arith.index_cast %get3A_899 : i32 to index
      %get3A_901 = arith.constant 32 : index
      %get3A_902 = tpu.vector_load %arg12[%get3A_900, %get3A_901] {strides = array<i32>} : memref<4x128xi32, #tpu.memory_space<vmem>>, vector<1x16xi32>,
      %get3A_903 = vector.shape_cast %get3A_902 : vector<1x16xi32> to vector<16xi32>
      %ne3A_904 = arith.constant 0 : i32
      %ne3A_905 = vector.broadcast %ne3A_904 : i32 to vector<16xi32>
      %ne3A_906 = arith.cmpi ne, %get3A_898, %ne3A_905 : vector<16xi32>
      %and3A_907 = arith.constant 65535 : i32
      %and3A_908 = vector.broadcast %and3A_907 : i32 to vector<16xi32>
      %and3A_909 = arith.andi %get3A_903, %and3A_908 : vector<16xi32>
      %jit3A_910 = arith.constant 0 : i32
      %broadcast_in_dim3A_911 = vector.broadcast %jit3A_910 : i32 to vector<16xi32>
      %select_n3A_912 = arith.select %ne3A_906, %and3A_909, %broadcast_in_dim3A_911 : vector<16xi1>, vector<16xi32>
      %convert_element_type3A_913 = arith.sitofp %select_n3A_912 : vector<16xi32> to vector<16xf32>
      %swap3A_914 = arith.constant 1 : i32
      %swap3A_915 = arith.index_cast %swap3A_914 : i32 to index
      %swap3A_916 = arith.constant 32 : index
      %swap3A_917 = tpu.vector_load %arg13[%swap3A_915, %swap3A_916] {strides = array<i32>} : memref<4x128xf32, #tpu.memory_space<vmem>>, vector<1x16xf32>,
      %swap3A_918 = vector.shape_cast %swap3A_917 : vector<1x16xf32> to vector<16xf32>
      %swap3A_919 = vector.shape_cast %convert_element_type3A_913 : vector<16xf32> to vector<1x16xf32>
      tpu.vector_store %arg13[%swap3A_915, %swap3A_916], %swap3A_919 {strides = array<i32>} : memref<4x128xf32, #tpu.memory_space<vmem>>, vector<1x16xf32>,
      %shift_right_arithmetic3A_920 = arith.constant 16 : i32
      %shift_right_arithmetic3A_921 = vector.broadcast %shift_right_arithmetic3A_920 : i32 to vector<16xi32>
      %shift_right_arithmetic3A_922 = arith.shrsi %get3A_903, %shift_right_arithmetic3A_921 : vector<16xi32>
      %jit3A_923 = arith.constant 0 : i32
      %broadcast_in_dim3A_924 = vector.broadcast %jit3A_923 : i32 to vector<16xi32>
      %select_n3A_925 = arith.select %ne3A_906, %shift_right_arithmetic3A_922, %broadcast_in_dim3A_924 : vector<16xi1>, vector<16xi32>
      %convert_element_type3A_926 = arith.sitofp %select_n3A_925 : vector<16xi32> to vector<16xf32>
      %swap3A_927 = arith.constant 1 : i32
      %swap3A_928 = arith.index_cast %swap3A_927 : i32 to index
      %swap3A_929 = arith.constant 32 : index
      %swap3A_930 = tpu.vector_load %arg14[%swap3A_928, %swap3A_929] {strides = array<i32>} : memref<4x128xf32, #tpu.memory_space<vmem>>, vector<1x16xf32>,
      %swap3A_931 = vector.shape_cast %swap3A_930 : vector<1x16xf32> to vector<16xf32>
      %swap3A_932 = vector.shape_cast %convert_element_type3A_926 : vector<16xf32> to vector<1x16xf32>
      tpu.vector_store %arg14[%swap3A_928, %swap3A_929], %swap3A_932 {strides = array<i32>} : memref<4x128xf32, #tpu.memory_space<vmem>>, vector<1x16xf32>,
      %get3A_933 = arith.constant 1 : i32
      %get3A_934 = arith.index_cast %get3A_933 : i32 to index
      %get3A_935 = arith.constant 48 : index
      %get3A_936 = tpu.vector_load %arg8[%get3A_934, %get3A_935] {strides = array<i32>} : memref<4x128xi32, #tpu.memory_space<vmem>>, vector<1x16xi32>,
      %get3A_937 = vector.shape_cast %get3A_936 : vector<1x16xi32> to vector<16xi32>
      %get3A_938 = arith.constant 1 : i32
      %get3A_939 = arith.index_cast %get3A_938 : i32 to index
      %get3A_940 = arith.constant 48 : index
      %get3A_941 = tpu.vector_load %arg12[%get3A_939, %get3A_940] {strides = array<i32>} : memref<4x128xi32, #tpu.memory_space<vmem>>, vector<1x16xi32>,
      %get3A_942 = vector.shape_cast %get3A_941 : vector<1x16xi32> to vector<16xi32>
      %ne3A_943 = arith.constant 0 : i32
      %ne3A_944 = vector.broadcast %ne3A_943 : i32 to vector<16xi32>
      %ne3A_945 = arith.cmpi ne, %get3A_937, %ne3A_944 : vector<16xi32>
      %and3A_946 = arith.constant 65535 : i32
      %and3A_947 = vector.broadcast %and3A_946 : i32 to vector<16xi32>
      %and3A_948 = arith.andi %get3A_942, %and3A_947 : vector<16xi32>
      %jit3A_949 = arith.constant 0 : i32
      %broadcast_in_dim3A_950 = vector.broadcast %jit3A_949 : i32 to vector<16xi32>
      %select_n3A_951 = arith.select %ne3A_945, %and3A_948, %broadcast_in_dim3A_950 : vector<16xi1>, vector<16xi32>
      %convert_element_type3A_952 = arith.sitofp %select_n3A_951 : vector<16xi32> to vector<16xf32>
      %swap3A_953 = arith.constant 1 : i32
      %swap3A_954 = arith.index_cast %swap3A_953 : i32 to index
      %swap3A_955 = arith.constant 48 : index
      %swap3A_956 = tpu.vector_load %arg13[%swap3A_954, %swap3A_955] {strides = array<i32>} : memref<4x128xf32, #tpu.memory_space<vmem>>, vector<1x16xf32>,
      %swap3A_957 = vector.shape_cast %swap3A_956 : vector<1x16xf32> to vector<16xf32>
      %swap3A_958 = vector.shape_cast %convert_element_type3A_952 : vector<16xf32> to vector<1x16xf32>
      tpu.vector_store %arg13[%swap3A_954, %swap3A_955], %swap3A_958 {strides = array<i32>} : memref<4x128xf32, #tpu.memory_space<vmem>>, vector<1x16xf32>,
      %shift_right_arithmetic3A_959 = arith.constant 16 : i32
      %shift_right_arithmetic3A_960 = vector.broadcast %shift_right_arithmetic3A_959 : i32 to vector<16xi32>
      %shift_right_arithmetic3A_961 = arith.shrsi %get3A_942, %shift_right_arithmetic3A_960 : vector<16xi32>
      %jit3A_962 = arith.constant 0 : i32
      %broadcast_in_dim3A_963 = vector.broadcast %jit3A_962 : i32 to vector<16xi32>
      %select_n3A_964 = arith.select %ne3A_945, %shift_right_arithmetic3A_961, %broadcast_in_dim3A_963 : vector<16xi1>, vector<16xi32>
      %convert_element_type3A_965 = arith.sitofp %select_n3A_964 : vector<16xi32> to vector<16xf32>
      %swap3A_966 = arith.constant 1 : i32
      %swap3A_967 = arith.index_cast %swap3A_966 : i32 to index
      %swap3A_968 = arith.constant 48 : index
      %swap3A_969 = tpu.vector_load %arg14[%swap3A_967, %swap3A_968] {strides = array<i32>} : memref<4x128xf32, #tpu.memory_space<vmem>>, vector<1x16xf32>,
      %swap3A_970 = vector.shape_cast %swap3A_969 : vector<1x16xf32> to vector<16xf32>
      %swap3A_971 = vector.shape_cast %convert_element_type3A_965 : vector<16xf32> to vector<1x16xf32>
      tpu.vector_store %arg14[%swap3A_967, %swap3A_968], %swap3A_971 {strides = array<i32>} : memref<4x128xf32, #tpu.memory_space<vmem>>, vector<1x16xf32>,
      %get3A_972 = arith.constant 1 : i32
      %get3A_973 = arith.index_cast %get3A_972 : i32 to index
      %get3A_974 = arith.constant 64 : index
      %get3A_975 = tpu.vector_load %arg8[%get3A_973, %get3A_974] {strides = array<i32>} : memref<4x128xi32, #tpu.memory_space<vmem>>, vector<1x16xi32>,
      %get3A_976 = vector.shape_cast %get3A_975 : vector<1x16xi32> to vector<16xi32>
      %get3A_977 = arith.constant 1 : i32
      %get3A_978 = arith.index_cast %get3A_977 : i32 to index
      %get3A_979 = arith.constant 64 : index
      %get3A_980 = tpu.vector_load %arg12[%get3A_978, %get3A_979] {strides = array<i32>} : memref<4x128xi32, #tpu.memory_space<vmem>>, vector<1x16xi32>,
      %get3A_981 = vector.shape_cast %get3A_980 : vector<1x16xi32> to vector<16xi32>
      %ne3A_982 = arith.constant 0 : i32
      %ne3A_983 = vector.broadcast %ne3A_982 : i32 to vector<16xi32>
      %ne3A_984 = arith.cmpi ne, %get3A_976, %ne3A_983 : vector<16xi32>
      %and3A_985 = arith.constant 65535 : i32
      %and3A_986 = vector.broadcast %and3A_985 : i32 to vector<16xi32>
      %and3A_987 = arith.andi %get3A_981, %and3A_986 : vector<16xi32>
      %jit3A_988 = arith.constant 0 : i32
      %broadcast_in_dim3A_989 = vector.broadcast %jit3A_988 : i32 to vector<16xi32>
      %select_n3A_990 = arith.select %ne3A_984, %and3A_987, %broadcast_in_dim3A_989 : vector<16xi1>, vector<16xi32>
      %convert_element_type3A_991 = arith.sitofp %select_n3A_990 : vector<16xi32> to vector<16xf32>
      %swap3A_992 = arith.constant 1 : i32
      %swap3A_993 = arith.index_cast %swap3A_992 : i32 to index
      %swap3A_994 = arith.constant 64 : index
      %swap3A_995 = tpu.vector_load %arg13[%swap3A_993, %swap3A_994] {strides = array<i32>} : memref<4x128xf32, #tpu.memory_space<vmem>>, vector<1x16xf32>,
      %swap3A_996 = vector.shape_cast %swap3A_995 : vector<1x16xf32> to vector<16xf32>
      %swap3A_997 = vector.shape_cast %convert_element_type3A_991 : vector<16xf32> to vector<1x16xf32>
      tpu.vector_store %arg13[%swap3A_993, %swap3A_994], %swap3A_997 {strides = array<i32>} : memref<4x128xf32, #tpu.memory_space<vmem>>, vector<1x16xf32>,
      %shift_right_arithmetic3A_998 = arith.constant 16 : i32
      %shift_right_arithmetic3A_999 = vector.broadcast %shift_right_arithmetic3A_998 : i32 to vector<16xi32>
      %shift_right_arithmetic3A_1000 = arith.shrsi %get3A_981, %shift_right_arithmetic3A_999 : vector<16xi32>
      %jit3A_1001 = arith.constant 0 : i32
      %broadcast_in_dim3A_1002 = vector.broadcast %jit3A_1001 : i32 to vector<16xi32>
      %select_n3A_1003 = arith.select %ne3A_984, %shift_right_arithmetic3A_1000, %broadcast_in_dim3A_1002 : vector<16xi1>, vector<16xi32>
      %convert_element_type3A_1004 = arith.sitofp %select_n3A_1003 : vector<16xi32> to vector<16xf32>
      %swap3A_1005 = arith.constant 1 : i32
      %swap3A_1006 = arith.index_cast %swap3A_1005 : i32 to index
      %swap3A_1007 = arith.constant 64 : index
      %swap3A_1008 = tpu.vector_load %arg14[%swap3A_1006, %swap3A_1007] {strides = array<i32>} : memref<4x128xf32, #tpu.memory_space<vmem>>, vector<1x16xf32>,
      %swap3A_1009 = vector.shape_cast %swap3A_1008 : vector<1x16xf32> to vector<16xf32>
      %swap3A_1010 = vector.shape_cast %convert_element_type3A_1004 : vector<16xf32> to vector<1x16xf32>
      tpu.vector_store %arg14[%swap3A_1006, %swap3A_1007], %swap3A_1010 {strides = array<i32>} : memref<4x128xf32, #tpu.memory_space<vmem>>, vector<1x16xf32>,
      %get3A_1011 = arith.constant 1 : i32
      %get3A_1012 = arith.index_cast %get3A_1011 : i32 to index
      %get3A_1013 = arith.constant 80 : index
      %get3A_1014 = tpu.vector_load %arg8[%get3A_1012, %get3A_1013] {strides = array<i32>} : memref<4x128xi32, #tpu.memory_space<vmem>>, vector<1x16xi32>,
      %get3A_1015 = vector.shape_cast %get3A_1014 : vector<1x16xi32> to vector<16xi32>
      %get3A_1016 = arith.constant 1 : i32
      %get3A_1017 = arith.index_cast %get3A_1016 : i32 to index
      %get3A_1018 = arith.constant 80 : index
      %get3A_1019 = tpu.vector_load %arg12[%get3A_1017, %get3A_1018] {strides = array<i32>} : memref<4x128xi32, #tpu.memory_space<vmem>>, vector<1x16xi32>,
      %get3A_1020 = vector.shape_cast %get3A_1019 : vector<1x16xi32> to vector<16xi32>
      %ne3A_1021 = arith.constant 0 : i32
      %ne3A_1022 = vector.broadcast %ne3A_1021 : i32 to vector<16xi32>
      %ne3A_1023 = arith.cmpi ne, %get3A_1015, %ne3A_1022 : vector<16xi32>
      %and3A_1024 = arith.constant 65535 : i32
      %and3A_1025 = vector.broadcast %and3A_1024 : i32 to vector<16xi32>
      %and3A_1026 = arith.andi %get3A_1020, %and3A_1025 : vector<16xi32>
      %jit3A_1027 = arith.constant 0 : i32
      %broadcast_in_dim3A_1028 = vector.broadcast %jit3A_1027 : i32 to vector<16xi32>
      %select_n3A_1029 = arith.select %ne3A_1023, %and3A_1026, %broadcast_in_dim3A_1028 : vector<16xi1>, vector<16xi32>
      %convert_element_type3A_1030 = arith.sitofp %select_n3A_1029 : vector<16xi32> to vector<16xf32>
      %swap3A_1031 = arith.constant 1 : i32
      %swap3A_1032 = arith.index_cast %swap3A_1031 : i32 to index
      %swap3A_1033 = arith.constant 80 : index
      %swap3A_1034 = tpu.vector_load %arg13[%swap3A_1032, %swap3A_1033] {strides = array<i32>} : memref<4x128xf32, #tpu.memory_space<vmem>>, vector<1x16xf32>,
      %swap3A_1035 = vector.shape_cast %swap3A_1034 : vector<1x16xf32> to vector<16xf32>
      %swap3A_1036 = vector.shape_cast %convert_element_type3A_1030 : vector<16xf32> to vector<1x16xf32>
      tpu.vector_store %arg13[%swap3A_1032, %swap3A_1033], %swap3A_1036 {strides = array<i32>} : memref<4x128xf32, #tpu.memory_space<vmem>>, vector<1x16xf32>,
      %shift_right_arithmetic3A_1037 = arith.constant 16 : i32
      %shift_right_arithmetic3A_1038 = vector.broadcast %shift_right_arithmetic3A_1037 : i32 to vector<16xi32>
      %shift_right_arithmetic3A_1039 = arith.shrsi %get3A_1020, %shift_right_arithmetic3A_1038 : vector<16xi32>
      %jit3A_1040 = arith.constant 0 : i32
      %broadcast_in_dim3A_1041 = vector.broadcast %jit3A_1040 : i32 to vector<16xi32>
      %select_n3A_1042 = arith.select %ne3A_1023, %shift_right_arithmetic3A_1039, %broadcast_in_dim3A_1041 : vector<16xi1>, vector<16xi32>
      %convert_element_type3A_1043 = arith.sitofp %select_n3A_1042 : vector<16xi32> to vector<16xf32>
      %swap3A_1044 = arith.constant 1 : i32
      %swap3A_1045 = arith.index_cast %swap3A_1044 : i32 to index
      %swap3A_1046 = arith.constant 80 : index
      %swap3A_1047 = tpu.vector_load %arg14[%swap3A_1045, %swap3A_1046] {strides = array<i32>} : memref<4x128xf32, #tpu.memory_space<vmem>>, vector<1x16xf32>,
      %swap3A_1048 = vector.shape_cast %swap3A_1047 : vector<1x16xf32> to vector<16xf32>
      %swap3A_1049 = vector.shape_cast %convert_element_type3A_1043 : vector<16xf32> to vector<1x16xf32>
      tpu.vector_store %arg14[%swap3A_1045, %swap3A_1046], %swap3A_1049 {strides = array<i32>} : memref<4x128xf32, #tpu.memory_space<vmem>>, vector<1x16xf32>,
      %get3A_1050 = arith.constant 1 : i32
      %get3A_1051 = arith.index_cast %get3A_1050 : i32 to index
      %get3A_1052 = arith.constant 96 : index
      %get3A_1053 = tpu.vector_load %arg8[%get3A_1051, %get3A_1052] {strides = array<i32>} : memref<4x128xi32, #tpu.memory_space<vmem>>, vector<1x16xi32>,
      %get3A_1054 = vector.shape_cast %get3A_1053 : vector<1x16xi32> to vector<16xi32>
      %get3A_1055 = arith.constant 1 : i32
      %get3A_1056 = arith.index_cast %get3A_1055 : i32 to index
      %get3A_1057 = arith.constant 96 : index
      %get3A_1058 = tpu.vector_load %arg12[%get3A_1056, %get3A_1057] {strides = array<i32>} : memref<4x128xi32, #tpu.memory_space<vmem>>, vector<1x16xi32>,
      %get3A_1059 = vector.shape_cast %get3A_1058 : vector<1x16xi32> to vector<16xi32>
      %ne3A_1060 = arith.constant 0 : i32
      %ne3A_1061 = vector.broadcast %ne3A_1060 : i32 to vector<16xi32>
      %ne3A_1062 = arith.cmpi ne, %get3A_1054, %ne3A_1061 : vector<16xi32>
      %and3A_1063 = arith.constant 65535 : i32
      %and3A_1064 = vector.broadcast %and3A_1063 : i32 to vector<16xi32>
      %and3A_1065 = arith.andi %get3A_1059, %and3A_1064 : vector<16xi32>
      %jit3A_1066 = arith.constant 0 : i32
      %broadcast_in_dim3A_1067 = vector.broadcast %jit3A_1066 : i32 to vector<16xi32>
      %select_n3A_1068 = arith.select %ne3A_1062, %and3A_1065, %broadcast_in_dim3A_1067 : vector<16xi1>, vector<16xi32>
      %convert_element_type3A_1069 = arith.sitofp %select_n3A_1068 : vector<16xi32> to vector<16xf32>
      %swap3A_1070 = arith.constant 1 : i32
      %swap3A_1071 = arith.index_cast %swap3A_1070 : i32 to index
      %swap3A_1072 = arith.constant 96 : index
      %swap3A_1073 = tpu.vector_load %arg13[%swap3A_1071, %swap3A_1072] {strides = array<i32>} : memref<4x128xf32, #tpu.memory_space<vmem>>, vector<1x16xf32>,
      %swap3A_1074 = vector.shape_cast %swap3A_1073 : vector<1x16xf32> to vector<16xf32>
      %swap3A_1075 = vector.shape_cast %convert_element_type3A_1069 : vector<16xf32> to vector<1x16xf32>
      tpu.vector_store %arg13[%swap3A_1071, %swap3A_1072], %swap3A_1075 {strides = array<i32>} : memref<4x128xf32, #tpu.memory_space<vmem>>, vector<1x16xf32>,
      %shift_right_arithmetic3A_1076 = arith.constant 16 : i32
      %shift_right_arithmetic3A_1077 = vector.broadcast %shift_right_arithmetic3A_1076 : i32 to vector<16xi32>
      %shift_right_arithmetic3A_1078 = arith.shrsi %get3A_1059, %shift_right_arithmetic3A_1077 : vector<16xi32>
      %jit3A_1079 = arith.constant 0 : i32
      %broadcast_in_dim3A_1080 = vector.broadcast %jit3A_1079 : i32 to vector<16xi32>
      %select_n3A_1081 = arith.select %ne3A_1062, %shift_right_arithmetic3A_1078, %broadcast_in_dim3A_1080 : vector<16xi1>, vector<16xi32>
      %convert_element_type3A_1082 = arith.sitofp %select_n3A_1081 : vector<16xi32> to vector<16xf32>
      %swap3A_1083 = arith.constant 1 : i32
      %swap3A_1084 = arith.index_cast %swap3A_1083 : i32 to index
      %swap3A_1085 = arith.constant 96 : index
      %swap3A_1086 = tpu.vector_load %arg14[%swap3A_1084, %swap3A_1085] {strides = array<i32>} : memref<4x128xf32, #tpu.memory_space<vmem>>, vector<1x16xf32>,
      %swap3A_1087 = vector.shape_cast %swap3A_1086 : vector<1x16xf32> to vector<16xf32>
      %swap3A_1088 = vector.shape_cast %convert_element_type3A_1082 : vector<16xf32> to vector<1x16xf32>
      tpu.vector_store %arg14[%swap3A_1084, %swap3A_1085], %swap3A_1088 {strides = array<i32>} : memref<4x128xf32, #tpu.memory_space<vmem>>, vector<1x16xf32>,
      %get3A_1089 = arith.constant 1 : i32
      %get3A_1090 = arith.index_cast %get3A_1089 : i32 to index
      %get3A_1091 = arith.constant 112 : index
      %get3A_1092 = tpu.vector_load %arg8[%get3A_1090, %get3A_1091] {strides = array<i32>} : memref<4x128xi32, #tpu.memory_space<vmem>>, vector<1x16xi32>,
      %get3A_1093 = vector.shape_cast %get3A_1092 : vector<1x16xi32> to vector<16xi32>
      %get3A_1094 = arith.constant 1 : i32
      %get3A_1095 = arith.index_cast %get3A_1094 : i32 to index
      %get3A_1096 = arith.constant 112 : index
      %get3A_1097 = tpu.vector_load %arg12[%get3A_1095, %get3A_1096] {strides = array<i32>} : memref<4x128xi32, #tpu.memory_space<vmem>>, vector<1x16xi32>,
      %get3A_1098 = vector.shape_cast %get3A_1097 : vector<1x16xi32> to vector<16xi32>
      %ne3A_1099 = arith.constant 0 : i32
      %ne3A_1100 = vector.broadcast %ne3A_1099 : i32 to vector<16xi32>
      %ne3A_1101 = arith.cmpi ne, %get3A_1093, %ne3A_1100 : vector<16xi32>
      %and3A_1102 = arith.constant 65535 : i32
      %and3A_1103 = vector.broadcast %and3A_1102 : i32 to vector<16xi32>
      %and3A_1104 = arith.andi %get3A_1098, %and3A_1103 : vector<16xi32>
      %jit3A_1105 = arith.constant 0 : i32
      %broadcast_in_dim3A_1106 = vector.broadcast %jit3A_1105 : i32 to vector<16xi32>
      %select_n3A_1107 = arith.select %ne3A_1101, %and3A_1104, %broadcast_in_dim3A_1106 : vector<16xi1>, vector<16xi32>
      %convert_element_type3A_1108 = arith.sitofp %select_n3A_1107 : vector<16xi32> to vector<16xf32>
      %swap3A_1109 = arith.constant 1 : i32
      %swap3A_1110 = arith.index_cast %swap3A_1109 : i32 to index
      %swap3A_1111 = arith.constant 112 : index
      %swap3A_1112 = tpu.vector_load %arg13[%swap3A_1110, %swap3A_1111] {strides = array<i32>} : memref<4x128xf32, #tpu.memory_space<vmem>>, vector<1x16xf32>,
      %swap3A_1113 = vector.shape_cast %swap3A_1112 : vector<1x16xf32> to vector<16xf32>
      %swap3A_1114 = vector.shape_cast %convert_element_type3A_1108 : vector<16xf32> to vector<1x16xf32>
      tpu.vector_store %arg13[%swap3A_1110, %swap3A_1111], %swap3A_1114 {strides = array<i32>} : memref<4x128xf32, #tpu.memory_space<vmem>>, vector<1x16xf32>,
      %shift_right_arithmetic3A_1115 = arith.constant 16 : i32
      %shift_right_arithmetic3A_1116 = vector.broadcast %shift_right_arithmetic3A_1115 : i32 to vector<16xi32>
      %shift_right_arithmetic3A_1117 = arith.shrsi %get3A_1098, %shift_right_arithmetic3A_1116 : vector<16xi32>
      %jit3A_1118 = arith.constant 0 : i32
      %broadcast_in_dim3A_1119 = vector.broadcast %jit3A_1118 : i32 to vector<16xi32>
      %select_n3A_1120 = arith.select %ne3A_1101, %shift_right_arithmetic3A_1117, %broadcast_in_dim3A_1119 : vector<16xi1>, vector<16xi32>
      %convert_element_type3A_1121 = arith.sitofp %select_n3A_1120 : vector<16xi32> to vector<16xf32>
      %swap3A_1122 = arith.constant 1 : i32
      %swap3A_1123 = arith.index_cast %swap3A_1122 : i32 to index
      %swap3A_1124 = arith.constant 112 : index
      %swap3A_1125 = tpu.vector_load %arg14[%swap3A_1123, %swap3A_1124] {strides = array<i32>} : memref<4x128xf32, #tpu.memory_space<vmem>>, vector<1x16xf32>,
      %swap3A_1126 = vector.shape_cast %swap3A_1125 : vector<1x16xf32> to vector<16xf32>
      %swap3A_1127 = vector.shape_cast %convert_element_type3A_1121 : vector<16xf32> to vector<1x16xf32>
      tpu.vector_store %arg14[%swap3A_1123, %swap3A_1124], %swap3A_1127 {strides = array<i32>} : memref<4x128xf32, #tpu.memory_space<vmem>>, vector<1x16xf32>,
      %get3A_1128 = arith.constant 2 : i32
      %get3A_1129 = arith.index_cast %get3A_1128 : i32 to index
      %get3A_1130 = arith.constant 0 : index
      %get3A_1131 = tpu.vector_load %arg8[%get3A_1129, %get3A_1130] {strides = array<i32>} : memref<4x128xi32, #tpu.memory_space<vmem>>, vector<1x16xi32>,
      %get3A_1132 = vector.shape_cast %get3A_1131 : vector<1x16xi32> to vector<16xi32>
      %get3A_1133 = arith.constant 2 : i32
      %get3A_1134 = arith.index_cast %get3A_1133 : i32 to index
      %get3A_1135 = arith.constant 0 : index
      %get3A_1136 = tpu.vector_load %arg12[%get3A_1134, %get3A_1135] {strides = array<i32>} : memref<4x128xi32, #tpu.memory_space<vmem>>, vector<1x16xi32>,
      %get3A_1137 = vector.shape_cast %get3A_1136 : vector<1x16xi32> to vector<16xi32>
      %ne3A_1138 = arith.constant 0 : i32
      %ne3A_1139 = vector.broadcast %ne3A_1138 : i32 to vector<16xi32>
      %ne3A_1140 = arith.cmpi ne, %get3A_1132, %ne3A_1139 : vector<16xi32>
      %and3A_1141 = arith.constant 65535 : i32
      %and3A_1142 = vector.broadcast %and3A_1141 : i32 to vector<16xi32>
      %and3A_1143 = arith.andi %get3A_1137, %and3A_1142 : vector<16xi32>
      %jit3A_1144 = arith.constant 0 : i32
      %broadcast_in_dim3A_1145 = vector.broadcast %jit3A_1144 : i32 to vector<16xi32>
      %select_n3A_1146 = arith.select %ne3A_1140, %and3A_1143, %broadcast_in_dim3A_1145 : vector<16xi1>, vector<16xi32>
      %convert_element_type3A_1147 = arith.sitofp %select_n3A_1146 : vector<16xi32> to vector<16xf32>
      %swap3A_1148 = arith.constant 2 : i32
      %swap3A_1149 = arith.index_cast %swap3A_1148 : i32 to index
      %swap3A_1150 = arith.constant 0 : index
      %swap3A_1151 = tpu.vector_load %arg13[%swap3A_1149, %swap3A_1150] {strides = array<i32>} : memref<4x128xf32, #tpu.memory_space<vmem>>, vector<1x16xf32>,
      %swap3A_1152 = vector.shape_cast %swap3A_1151 : vector<1x16xf32> to vector<16xf32>
      %swap3A_1153 = vector.shape_cast %convert_element_type3A_1147 : vector<16xf32> to vector<1x16xf32>
      tpu.vector_store %arg13[%swap3A_1149, %swap3A_1150], %swap3A_1153 {strides = array<i32>} : memref<4x128xf32, #tpu.memory_space<vmem>>, vector<1x16xf32>,
      %shift_right_arithmetic3A_1154 = arith.constant 16 : i32
      %shift_right_arithmetic3A_1155 = vector.broadcast %shift_right_arithmetic3A_1154 : i32 to vector<16xi32>
      %shift_right_arithmetic3A_1156 = arith.shrsi %get3A_1137, %shift_right_arithmetic3A_1155 : vector<16xi32>
      %jit3A_1157 = arith.constant 0 : i32
      %broadcast_in_dim3A_1158 = vector.broadcast %jit3A_1157 : i32 to vector<16xi32>
      %select_n3A_1159 = arith.select %ne3A_1140, %shift_right_arithmetic3A_1156, %broadcast_in_dim3A_1158 : vector<16xi1>, vector<16xi32>
      %convert_element_type3A_1160 = arith.sitofp %select_n3A_1159 : vector<16xi32> to vector<16xf32>
      %swap3A_1161 = arith.constant 2 : i32
      %swap3A_1162 = arith.index_cast %swap3A_1161 : i32 to index
      %swap3A_1163 = arith.constant 0 : index
      %swap3A_1164 = tpu.vector_load %arg14[%swap3A_1162, %swap3A_1163] {strides = array<i32>} : memref<4x128xf32, #tpu.memory_space<vmem>>, vector<1x16xf32>,
      %swap3A_1165 = vector.shape_cast %swap3A_1164 : vector<1x16xf32> to vector<16xf32>
      %swap3A_1166 = vector.shape_cast %convert_element_type3A_1160 : vector<16xf32> to vector<1x16xf32>
      tpu.vector_store %arg14[%swap3A_1162, %swap3A_1163], %swap3A_1166 {strides = array<i32>} : memref<4x128xf32, #tpu.memory_space<vmem>>, vector<1x16xf32>,
      %get3A_1167 = arith.constant 2 : i32
      %get3A_1168 = arith.index_cast %get3A_1167 : i32 to index
      %get3A_1169 = arith.constant 16 : index
      %get3A_1170 = tpu.vector_load %arg8[%get3A_1168, %get3A_1169] {strides = array<i32>} : memref<4x128xi32, #tpu.memory_space<vmem>>, vector<1x16xi32>,
      %get3A_1171 = vector.shape_cast %get3A_1170 : vector<1x16xi32> to vector<16xi32>
      %get3A_1172 = arith.constant 2 : i32
      %get3A_1173 = arith.index_cast %get3A_1172 : i32 to index
      %get3A_1174 = arith.constant 16 : index
      %get3A_1175 = tpu.vector_load %arg12[%get3A_1173, %get3A_1174] {strides = array<i32>} : memref<4x128xi32, #tpu.memory_space<vmem>>, vector<1x16xi32>,
      %get3A_1176 = vector.shape_cast %get3A_1175 : vector<1x16xi32> to vector<16xi32>
      %ne3A_1177 = arith.constant 0 : i32
      %ne3A_1178 = vector.broadcast %ne3A_1177 : i32 to vector<16xi32>
      %ne3A_1179 = arith.cmpi ne, %get3A_1171, %ne3A_1178 : vector<16xi32>
      %and3A_1180 = arith.constant 65535 : i32
      %and3A_1181 = vector.broadcast %and3A_1180 : i32 to vector<16xi32>
      %and3A_1182 = arith.andi %get3A_1176, %and3A_1181 : vector<16xi32>
      %jit3A_1183 = arith.constant 0 : i32
      %broadcast_in_dim3A_1184 = vector.broadcast %jit3A_1183 : i32 to vector<16xi32>
      %select_n3A_1185 = arith.select %ne3A_1179, %and3A_1182, %broadcast_in_dim3A_1184 : vector<16xi1>, vector<16xi32>
      %convert_element_type3A_1186 = arith.sitofp %select_n3A_1185 : vector<16xi32> to vector<16xf32>
      %swap3A_1187 = arith.constant 2 : i32
      %swap3A_1188 = arith.index_cast %swap3A_1187 : i32 to index
      %swap3A_1189 = arith.constant 16 : index
      %swap3A_1190 = tpu.vector_load %arg13[%swap3A_1188, %swap3A_1189] {strides = array<i32>} : memref<4x128xf32, #tpu.memory_space<vmem>>, vector<1x16xf32>,
      %swap3A_1191 = vector.shape_cast %swap3A_1190 : vector<1x16xf32> to vector<16xf32>
      %swap3A_1192 = vector.shape_cast %convert_element_type3A_1186 : vector<16xf32> to vector<1x16xf32>
      tpu.vector_store %arg13[%swap3A_1188, %swap3A_1189], %swap3A_1192 {strides = array<i32>} : memref<4x128xf32, #tpu.memory_space<vmem>>, vector<1x16xf32>,
      %shift_right_arithmetic3A_1193 = arith.constant 16 : i32
      %shift_right_arithmetic3A_1194 = vector.broadcast %shift_right_arithmetic3A_1193 : i32 to vector<16xi32>
      %shift_right_arithmetic3A_1195 = arith.shrsi %get3A_1176, %shift_right_arithmetic3A_1194 : vector<16xi32>
      %jit3A_1196 = arith.constant 0 : i32
      %broadcast_in_dim3A_1197 = vector.broadcast %jit3A_1196 : i32 to vector<16xi32>
      %select_n3A_1198 = arith.select %ne3A_1179, %shift_right_arithmetic3A_1195, %broadcast_in_dim3A_1197 : vector<16xi1>, vector<16xi32>
      %convert_element_type3A_1199 = arith.sitofp %select_n3A_1198 : vector<16xi32> to vector<16xf32>
      %swap3A_1200 = arith.constant 2 : i32
      %swap3A_1201 = arith.index_cast %swap3A_1200 : i32 to index
      %swap3A_1202 = arith.constant 16 : index
      %swap3A_1203 = tpu.vector_load %arg14[%swap3A_1201, %swap3A_1202] {strides = array<i32>} : memref<4x128xf32, #tpu.memory_space<vmem>>, vector<1x16xf32>,
      %swap3A_1204 = vector.shape_cast %swap3A_1203 : vector<1x16xf32> to vector<16xf32>
      %swap3A_1205 = vector.shape_cast %convert_element_type3A_1199 : vector<16xf32> to vector<1x16xf32>
      tpu.vector_store %arg14[%swap3A_1201, %swap3A_1202], %swap3A_1205 {strides = array<i32>} : memref<4x128xf32, #tpu.memory_space<vmem>>, vector<1x16xf32>,
      %get3A_1206 = arith.constant 2 : i32
      %get3A_1207 = arith.index_cast %get3A_1206 : i32 to index
      %get3A_1208 = arith.constant 32 : index
      %get3A_1209 = tpu.vector_load %arg8[%get3A_1207, %get3A_1208] {strides = array<i32>} : memref<4x128xi32, #tpu.memory_space<vmem>>, vector<1x16xi32>,
      %get3A_1210 = vector.shape_cast %get3A_1209 : vector<1x16xi32> to vector<16xi32>
      %get3A_1211 = arith.constant 2 : i32
      %get3A_1212 = arith.index_cast %get3A_1211 : i32 to index
      %get3A_1213 = arith.constant 32 : index
      %get3A_1214 = tpu.vector_load %arg12[%get3A_1212, %get3A_1213] {strides = array<i32>} : memref<4x128xi32, #tpu.memory_space<vmem>>, vector<1x16xi32>,
      %get3A_1215 = vector.shape_cast %get3A_1214 : vector<1x16xi32> to vector<16xi32>
      %ne3A_1216 = arith.constant 0 : i32
      %ne3A_1217 = vector.broadcast %ne3A_1216 : i32 to vector<16xi32>
      %ne3A_1218 = arith.cmpi ne, %get3A_1210, %ne3A_1217 : vector<16xi32>
      %and3A_1219 = arith.constant 65535 : i32
      %and3A_1220 = vector.broadcast %and3A_1219 : i32 to vector<16xi32>
      %and3A_1221 = arith.andi %get3A_1215, %and3A_1220 : vector<16xi32>
      %jit3A_1222 = arith.constant 0 : i32
      %broadcast_in_dim3A_1223 = vector.broadcast %jit3A_1222 : i32 to vector<16xi32>
      %select_n3A_1224 = arith.select %ne3A_1218, %and3A_1221, %broadcast_in_dim3A_1223 : vector<16xi1>, vector<16xi32>
      %convert_element_type3A_1225 = arith.sitofp %select_n3A_1224 : vector<16xi32> to vector<16xf32>
      %swap3A_1226 = arith.constant 2 : i32
      %swap3A_1227 = arith.index_cast %swap3A_1226 : i32 to index
      %swap3A_1228 = arith.constant 32 : index
      %swap3A_1229 = tpu.vector_load %arg13[%swap3A_1227, %swap3A_1228] {strides = array<i32>} : memref<4x128xf32, #tpu.memory_space<vmem>>, vector<1x16xf32>,
      %swap3A_1230 = vector.shape_cast %swap3A_1229 : vector<1x16xf32> to vector<16xf32>
      %swap3A_1231 = vector.shape_cast %convert_element_type3A_1225 : vector<16xf32> to vector<1x16xf32>
      tpu.vector_store %arg13[%swap3A_1227, %swap3A_1228], %swap3A_1231 {strides = array<i32>} : memref<4x128xf32, #tpu.memory_space<vmem>>, vector<1x16xf32>,
      %shift_right_arithmetic3A_1232 = arith.constant 16 : i32
      %shift_right_arithmetic3A_1233 = vector.broadcast %shift_right_arithmetic3A_1232 : i32 to vector<16xi32>
      %shift_right_arithmetic3A_1234 = arith.shrsi %get3A_1215, %shift_right_arithmetic3A_1233 : vector<16xi32>
      %jit3A_1235 = arith.constant 0 : i32
      %broadcast_in_dim3A_1236 = vector.broadcast %jit3A_1235 : i32 to vector<16xi32>
      %select_n3A_1237 = arith.select %ne3A_1218, %shift_right_arithmetic3A_1234, %broadcast_in_dim3A_1236 : vector<16xi1>, vector<16xi32>
      %convert_element_type3A_1238 = arith.sitofp %select_n3A_1237 : vector<16xi32> to vector<16xf32>
      %swap3A_1239 = arith.constant 2 : i32
      %swap3A_1240 = arith.index_cast %swap3A_1239 : i32 to index
      %swap3A_1241 = arith.constant 32 : index
      %swap3A_1242 = tpu.vector_load %arg14[%swap3A_1240, %swap3A_1241] {strides = array<i32>} : memref<4x128xf32, #tpu.memory_space<vmem>>, vector<1x16xf32>,
      %swap3A_1243 = vector.shape_cast %swap3A_1242 : vector<1x16xf32> to vector<16xf32>
      %swap3A_1244 = vector.shape_cast %convert_element_type3A_1238 : vector<16xf32> to vector<1x16xf32>
      tpu.vector_store %arg14[%swap3A_1240, %swap3A_1241], %swap3A_1244 {strides = array<i32>} : memref<4x128xf32, #tpu.memory_space<vmem>>, vector<1x16xf32>,
      %get3A_1245 = arith.constant 2 : i32
      %get3A_1246 = arith.index_cast %get3A_1245 : i32 to index
      %get3A_1247 = arith.constant 48 : index
      %get3A_1248 = tpu.vector_load %arg8[%get3A_1246, %get3A_1247] {strides = array<i32>} : memref<4x128xi32, #tpu.memory_space<vmem>>, vector<1x16xi32>,
      %get3A_1249 = vector.shape_cast %get3A_1248 : vector<1x16xi32> to vector<16xi32>
      %get3A_1250 = arith.constant 2 : i32
      %get3A_1251 = arith.index_cast %get3A_1250 : i32 to index
      %get3A_1252 = arith.constant 48 : index
      %get3A_1253 = tpu.vector_load %arg12[%get3A_1251, %get3A_1252] {strides = array<i32>} : memref<4x128xi32, #tpu.memory_space<vmem>>, vector<1x16xi32>,
      %get3A_1254 = vector.shape_cast %get3A_1253 : vector<1x16xi32> to vector<16xi32>
      %ne3A_1255 = arith.constant 0 : i32
      %ne3A_1256 = vector.broadcast %ne3A_1255 : i32 to vector<16xi32>
      %ne3A_1257 = arith.cmpi ne, %get3A_1249, %ne3A_1256 : vector<16xi32>
      %and3A_1258 = arith.constant 65535 : i32
      %and3A_1259 = vector.broadcast %and3A_1258 : i32 to vector<16xi32>
      %and3A_1260 = arith.andi %get3A_1254, %and3A_1259 : vector<16xi32>
      %jit3A_1261 = arith.constant 0 : i32
      %broadcast_in_dim3A_1262 = vector.broadcast %jit3A_1261 : i32 to vector<16xi32>
      %select_n3A_1263 = arith.select %ne3A_1257, %and3A_1260, %broadcast_in_dim3A_1262 : vector<16xi1>, vector<16xi32>
      %convert_element_type3A_1264 = arith.sitofp %select_n3A_1263 : vector<16xi32> to vector<16xf32>
      %swap3A_1265 = arith.constant 2 : i32
      %swap3A_1266 = arith.index_cast %swap3A_1265 : i32 to index
      %swap3A_1267 = arith.constant 48 : index
      %swap3A_1268 = tpu.vector_load %arg13[%swap3A_1266, %swap3A_1267] {strides = array<i32>} : memref<4x128xf32, #tpu.memory_space<vmem>>, vector<1x16xf32>,
      %swap3A_1269 = vector.shape_cast %swap3A_1268 : vector<1x16xf32> to vector<16xf32>
      %swap3A_1270 = vector.shape_cast %convert_element_type3A_1264 : vector<16xf32> to vector<1x16xf32>
      tpu.vector_store %arg13[%swap3A_1266, %swap3A_1267], %swap3A_1270 {strides = array<i32>} : memref<4x128xf32, #tpu.memory_space<vmem>>, vector<1x16xf32>,
      %shift_right_arithmetic3A_1271 = arith.constant 16 : i32
      %shift_right_arithmetic3A_1272 = vector.broadcast %shift_right_arithmetic3A_1271 : i32 to vector<16xi32>
      %shift_right_arithmetic3A_1273 = arith.shrsi %get3A_1254, %shift_right_arithmetic3A_1272 : vector<16xi32>
      %jit3A_1274 = arith.constant 0 : i32
      %broadcast_in_dim3A_1275 = vector.broadcast %jit3A_1274 : i32 to vector<16xi32>
      %select_n3A_1276 = arith.select %ne3A_1257, %shift_right_arithmetic3A_1273, %broadcast_in_dim3A_1275 : vector<16xi1>, vector<16xi32>
      %convert_element_type3A_1277 = arith.sitofp %select_n3A_1276 : vector<16xi32> to vector<16xf32>
      %swap3A_1278 = arith.constant 2 : i32
      %swap3A_1279 = arith.index_cast %swap3A_1278 : i32 to index
      %swap3A_1280 = arith.constant 48 : index
      %swap3A_1281 = tpu.vector_load %arg14[%swap3A_1279, %swap3A_1280] {strides = array<i32>} : memref<4x128xf32, #tpu.memory_space<vmem>>, vector<1x16xf32>,
      %swap3A_1282 = vector.shape_cast %swap3A_1281 : vector<1x16xf32> to vector<16xf32>
      %swap3A_1283 = vector.shape_cast %convert_element_type3A_1277 : vector<16xf32> to vector<1x16xf32>
      tpu.vector_store %arg14[%swap3A_1279, %swap3A_1280], %swap3A_1283 {strides = array<i32>} : memref<4x128xf32, #tpu.memory_space<vmem>>, vector<1x16xf32>,
      %get3A_1284 = arith.constant 2 : i32
      %get3A_1285 = arith.index_cast %get3A_1284 : i32 to index
      %get3A_1286 = arith.constant 64 : index
      %get3A_1287 = tpu.vector_load %arg8[%get3A_1285, %get3A_1286] {strides = array<i32>} : memref<4x128xi32, #tpu.memory_space<vmem>>, vector<1x16xi32>,
      %get3A_1288 = vector.shape_cast %get3A_1287 : vector<1x16xi32> to vector<16xi32>
      %get3A_1289 = arith.constant 2 : i32
      %get3A_1290 = arith.index_cast %get3A_1289 : i32 to index
      %get3A_1291 = arith.constant 64 : index
      %get3A_1292 = tpu.vector_load %arg12[%get3A_1290, %get3A_1291] {strides = array<i32>} : memref<4x128xi32, #tpu.memory_space<vmem>>, vector<1x16xi32>,
      %get3A_1293 = vector.shape_cast %get3A_1292 : vector<1x16xi32> to vector<16xi32>
      %ne3A_1294 = arith.constant 0 : i32
      %ne3A_1295 = vector.broadcast %ne3A_1294 : i32 to vector<16xi32>
      %ne3A_1296 = arith.cmpi ne, %get3A_1288, %ne3A_1295 : vector<16xi32>
      %and3A_1297 = arith.constant 65535 : i32
      %and3A_1298 = vector.broadcast %and3A_1297 : i32 to vector<16xi32>
      %and3A_1299 = arith.andi %get3A_1293, %and3A_1298 : vector<16xi32>
      %jit3A_1300 = arith.constant 0 : i32
      %broadcast_in_dim3A_1301 = vector.broadcast %jit3A_1300 : i32 to vector<16xi32>
      %select_n3A_1302 = arith.select %ne3A_1296, %and3A_1299, %broadcast_in_dim3A_1301 : vector<16xi1>, vector<16xi32>
      %convert_element_type3A_1303 = arith.sitofp %select_n3A_1302 : vector<16xi32> to vector<16xf32>
      %swap3A_1304 = arith.constant 2 : i32
      %swap3A_1305 = arith.index_cast %swap3A_1304 : i32 to index
      %swap3A_1306 = arith.constant 64 : index
      %swap3A_1307 = tpu.vector_load %arg13[%swap3A_1305, %swap3A_1306] {strides = array<i32>} : memref<4x128xf32, #tpu.memory_space<vmem>>, vector<1x16xf32>,
      %swap3A_1308 = vector.shape_cast %swap3A_1307 : vector<1x16xf32> to vector<16xf32>
      %swap3A_1309 = vector.shape_cast %convert_element_type3A_1303 : vector<16xf32> to vector<1x16xf32>
      tpu.vector_store %arg13[%swap3A_1305, %swap3A_1306], %swap3A_1309 {strides = array<i32>} : memref<4x128xf32, #tpu.memory_space<vmem>>, vector<1x16xf32>,
      %shift_right_arithmetic3A_1310 = arith.constant 16 : i32
      %shift_right_arithmetic3A_1311 = vector.broadcast %shift_right_arithmetic3A_1310 : i32 to vector<16xi32>
      %shift_right_arithmetic3A_1312 = arith.shrsi %get3A_1293, %shift_right_arithmetic3A_1311 : vector<16xi32>
      %jit3A_1313 = arith.constant 0 : i32
      %broadcast_in_dim3A_1314 = vector.broadcast %jit3A_1313 : i32 to vector<16xi32>
      %select_n3A_1315 = arith.select %ne3A_1296, %shift_right_arithmetic3A_1312, %broadcast_in_dim3A_1314 : vector<16xi1>, vector<16xi32>
      %convert_element_type3A_1316 = arith.sitofp %select_n3A_1315 : vector<16xi32> to vector<16xf32>
      %swap3A_1317 = arith.constant 2 : i32
      %swap3A_1318 = arith.index_cast %swap3A_1317 : i32 to index
      %swap3A_1319 = arith.constant 64 : index
      %swap3A_1320 = tpu.vector_load %arg14[%swap3A_1318, %swap3A_1319] {strides = array<i32>} : memref<4x128xf32, #tpu.memory_space<vmem>>, vector<1x16xf32>,
      %swap3A_1321 = vector.shape_cast %swap3A_1320 : vector<1x16xf32> to vector<16xf32>
      %swap3A_1322 = vector.shape_cast %convert_element_type3A_1316 : vector<16xf32> to vector<1x16xf32>
      tpu.vector_store %arg14[%swap3A_1318, %swap3A_1319], %swap3A_1322 {strides = array<i32>} : memref<4x128xf32, #tpu.memory_space<vmem>>, vector<1x16xf32>,
      %get3A_1323 = arith.constant 2 : i32
      %get3A_1324 = arith.index_cast %get3A_1323 : i32 to index
      %get3A_1325 = arith.constant 80 : index
      %get3A_1326 = tpu.vector_load %arg8[%get3A_1324, %get3A_1325] {strides = array<i32>} : memref<4x128xi32, #tpu.memory_space<vmem>>, vector<1x16xi32>,
      %get3A_1327 = vector.shape_cast %get3A_1326 : vector<1x16xi32> to vector<16xi32>
      %get3A_1328 = arith.constant 2 : i32
      %get3A_1329 = arith.index_cast %get3A_1328 : i32 to index
      %get3A_1330 = arith.constant 80 : index
      %get3A_1331 = tpu.vector_load %arg12[%get3A_1329, %get3A_1330] {strides = array<i32>} : memref<4x128xi32, #tpu.memory_space<vmem>>, vector<1x16xi32>,
      %get3A_1332 = vector.shape_cast %get3A_1331 : vector<1x16xi32> to vector<16xi32>
      %ne3A_1333 = arith.constant 0 : i32
      %ne3A_1334 = vector.broadcast %ne3A_1333 : i32 to vector<16xi32>
      %ne3A_1335 = arith.cmpi ne, %get3A_1327, %ne3A_1334 : vector<16xi32>
      %and3A_1336 = arith.constant 65535 : i32
      %and3A_1337 = vector.broadcast %and3A_1336 : i32 to vector<16xi32>
      %and3A_1338 = arith.andi %get3A_1332, %and3A_1337 : vector<16xi32>
      %jit3A_1339 = arith.constant 0 : i32
      %broadcast_in_dim3A_1340 = vector.broadcast %jit3A_1339 : i32 to vector<16xi32>
      %select_n3A_1341 = arith.select %ne3A_1335, %and3A_1338, %broadcast_in_dim3A_1340 : vector<16xi1>, vector<16xi32>
      %convert_element_type3A_1342 = arith.sitofp %select_n3A_1341 : vector<16xi32> to vector<16xf32>
      %swap3A_1343 = arith.constant 2 : i32
      %swap3A_1344 = arith.index_cast %swap3A_1343 : i32 to index
      %swap3A_1345 = arith.constant 80 : index
      %swap3A_1346 = tpu.vector_load %arg13[%swap3A_1344, %swap3A_1345] {strides = array<i32>} : memref<4x128xf32, #tpu.memory_space<vmem>>, vector<1x16xf32>,
      %swap3A_1347 = vector.shape_cast %swap3A_1346 : vector<1x16xf32> to vector<16xf32>
      %swap3A_1348 = vector.shape_cast %convert_element_type3A_1342 : vector<16xf32> to vector<1x16xf32>
      tpu.vector_store %arg13[%swap3A_1344, %swap3A_1345], %swap3A_1348 {strides = array<i32>} : memref<4x128xf32, #tpu.memory_space<vmem>>, vector<1x16xf32>,
      %shift_right_arithmetic3A_1349 = arith.constant 16 : i32
      %shift_right_arithmetic3A_1350 = vector.broadcast %shift_right_arithmetic3A_1349 : i32 to vector<16xi32>
      %shift_right_arithmetic3A_1351 = arith.shrsi %get3A_1332, %shift_right_arithmetic3A_1350 : vector<16xi32>
      %jit3A_1352 = arith.constant 0 : i32
      %broadcast_in_dim3A_1353 = vector.broadcast %jit3A_1352 : i32 to vector<16xi32>
      %select_n3A_1354 = arith.select %ne3A_1335, %shift_right_arithmetic3A_1351, %broadcast_in_dim3A_1353 : vector<16xi1>, vector<16xi32>
      %convert_element_type3A_1355 = arith.sitofp %select_n3A_1354 : vector<16xi32> to vector<16xf32>
      %swap3A_1356 = arith.constant 2 : i32
      %swap3A_1357 = arith.index_cast %swap3A_1356 : i32 to index
      %swap3A_1358 = arith.constant 80 : index
      %swap3A_1359 = tpu.vector_load %arg14[%swap3A_1357, %swap3A_1358] {strides = array<i32>} : memref<4x128xf32, #tpu.memory_space<vmem>>, vector<1x16xf32>,
      %swap3A_1360 = vector.shape_cast %swap3A_1359 : vector<1x16xf32> to vector<16xf32>
      %swap3A_1361 = vector.shape_cast %convert_element_type3A_1355 : vector<16xf32> to vector<1x16xf32>
      tpu.vector_store %arg14[%swap3A_1357, %swap3A_1358], %swap3A_1361 {strides = array<i32>} : memref<4x128xf32, #tpu.memory_space<vmem>>, vector<1x16xf32>,
      %get3A_1362 = arith.constant 2 : i32
      %get3A_1363 = arith.index_cast %get3A_1362 : i32 to index
      %get3A_1364 = arith.constant 96 : index
      %get3A_1365 = tpu.vector_load %arg8[%get3A_1363, %get3A_1364] {strides = array<i32>} : memref<4x128xi32, #tpu.memory_space<vmem>>, vector<1x16xi32>,
      %get3A_1366 = vector.shape_cast %get3A_1365 : vector<1x16xi32> to vector<16xi32>
      %get3A_1367 = arith.constant 2 : i32
      %get3A_1368 = arith.index_cast %get3A_1367 : i32 to index
      %get3A_1369 = arith.constant 96 : index
      %get3A_1370 = tpu.vector_load %arg12[%get3A_1368, %get3A_1369] {strides = array<i32>} : memref<4x128xi32, #tpu.memory_space<vmem>>, vector<1x16xi32>,
      %get3A_1371 = vector.shape_cast %get3A_1370 : vector<1x16xi32> to vector<16xi32>
      %ne3A_1372 = arith.constant 0 : i32
      %ne3A_1373 = vector.broadcast %ne3A_1372 : i32 to vector<16xi32>
      %ne3A_1374 = arith.cmpi ne, %get3A_1366, %ne3A_1373 : vector<16xi32>
      %and3A_1375 = arith.constant 65535 : i32
      %and3A_1376 = vector.broadcast %and3A_1375 : i32 to vector<16xi32>
      %and3A_1377 = arith.andi %get3A_1371, %and3A_1376 : vector<16xi32>
      %jit3A_1378 = arith.constant 0 : i32
      %broadcast_in_dim3A_1379 = vector.broadcast %jit3A_1378 : i32 to vector<16xi32>
      %select_n3A_1380 = arith.select %ne3A_1374, %and3A_1377, %broadcast_in_dim3A_1379 : vector<16xi1>, vector<16xi32>
      %convert_element_type3A_1381 = arith.sitofp %select_n3A_1380 : vector<16xi32> to vector<16xf32>
      %swap3A_1382 = arith.constant 2 : i32
      %swap3A_1383 = arith.index_cast %swap3A_1382 : i32 to index
      %swap3A_1384 = arith.constant 96 : index
      %swap3A_1385 = tpu.vector_load %arg13[%swap3A_1383, %swap3A_1384] {strides = array<i32>} : memref<4x128xf32, #tpu.memory_space<vmem>>, vector<1x16xf32>,
      %swap3A_1386 = vector.shape_cast %swap3A_1385 : vector<1x16xf32> to vector<16xf32>
      %swap3A_1387 = vector.shape_cast %convert_element_type3A_1381 : vector<16xf32> to vector<1x16xf32>
      tpu.vector_store %arg13[%swap3A_1383, %swap3A_1384], %swap3A_1387 {strides = array<i32>} : memref<4x128xf32, #tpu.memory_space<vmem>>, vector<1x16xf32>,
      %shift_right_arithmetic3A_1388 = arith.constant 16 : i32
      %shift_right_arithmetic3A_1389 = vector.broadcast %shift_right_arithmetic3A_1388 : i32 to vector<16xi32>
      %shift_right_arithmetic3A_1390 = arith.shrsi %get3A_1371, %shift_right_arithmetic3A_1389 : vector<16xi32>
      %jit3A_1391 = arith.constant 0 : i32
      %broadcast_in_dim3A_1392 = vector.broadcast %jit3A_1391 : i32 to vector<16xi32>
      %select_n3A_1393 = arith.select %ne3A_1374, %shift_right_arithmetic3A_1390, %broadcast_in_dim3A_1392 : vector<16xi1>, vector<16xi32>
      %convert_element_type3A_1394 = arith.sitofp %select_n3A_1393 : vector<16xi32> to vector<16xf32>
      %swap3A_1395 = arith.constant 2 : i32
      %swap3A_1396 = arith.index_cast %swap3A_1395 : i32 to index
      %swap3A_1397 = arith.constant 96 : index
      %swap3A_1398 = tpu.vector_load %arg14[%swap3A_1396, %swap3A_1397] {strides = array<i32>} : memref<4x128xf32, #tpu.memory_space<vmem>>, vector<1x16xf32>,
      %swap3A_1399 = vector.shape_cast %swap3A_1398 : vector<1x16xf32> to vector<16xf32>
      %swap3A_1400 = vector.shape_cast %convert_element_type3A_1394 : vector<16xf32> to vector<1x16xf32>
      tpu.vector_store %arg14[%swap3A_1396, %swap3A_1397], %swap3A_1400 {strides = array<i32>} : memref<4x128xf32, #tpu.memory_space<vmem>>, vector<1x16xf32>,
      %get3A_1401 = arith.constant 2 : i32
      %get3A_1402 = arith.index_cast %get3A_1401 : i32 to index
      %get3A_1403 = arith.constant 112 : index
      %get3A_1404 = tpu.vector_load %arg8[%get3A_1402, %get3A_1403] {strides = array<i32>} : memref<4x128xi32, #tpu.memory_space<vmem>>, vector<1x16xi32>,
      %get3A_1405 = vector.shape_cast %get3A_1404 : vector<1x16xi32> to vector<16xi32>
      %get3A_1406 = arith.constant 2 : i32
      %get3A_1407 = arith.index_cast %get3A_1406 : i32 to index
      %get3A_1408 = arith.constant 112 : index
      %get3A_1409 = tpu.vector_load %arg12[%get3A_1407, %get3A_1408] {strides = array<i32>} : memref<4x128xi32, #tpu.memory_space<vmem>>, vector<1x16xi32>,
      %get3A_1410 = vector.shape_cast %get3A_1409 : vector<1x16xi32> to vector<16xi32>
      %ne3A_1411 = arith.constant 0 : i32
      %ne3A_1412 = vector.broadcast %ne3A_1411 : i32 to vector<16xi32>
      %ne3A_1413 = arith.cmpi ne, %get3A_1405, %ne3A_1412 : vector<16xi32>
      %and3A_1414 = arith.constant 65535 : i32
      %and3A_1415 = vector.broadcast %and3A_1414 : i32 to vector<16xi32>
      %and3A_1416 = arith.andi %get3A_1410, %and3A_1415 : vector<16xi32>
      %jit3A_1417 = arith.constant 0 : i32
      %broadcast_in_dim3A_1418 = vector.broadcast %jit3A_1417 : i32 to vector<16xi32>
      %select_n3A_1419 = arith.select %ne3A_1413, %and3A_1416, %broadcast_in_dim3A_1418 : vector<16xi1>, vector<16xi32>
      %convert_element_type3A_1420 = arith.sitofp %select_n3A_1419 : vector<16xi32> to vector<16xf32>
      %swap3A_1421 = arith.constant 2 : i32
      %swap3A_1422 = arith.index_cast %swap3A_1421 : i32 to index
      %swap3A_1423 = arith.constant 112 : index
      %swap3A_1424 = tpu.vector_load %arg13[%swap3A_1422, %swap3A_1423] {strides = array<i32>} : memref<4x128xf32, #tpu.memory_space<vmem>>, vector<1x16xf32>,
      %swap3A_1425 = vector.shape_cast %swap3A_1424 : vector<1x16xf32> to vector<16xf32>
      %swap3A_1426 = vector.shape_cast %convert_element_type3A_1420 : vector<16xf32> to vector<1x16xf32>
      tpu.vector_store %arg13[%swap3A_1422, %swap3A_1423], %swap3A_1426 {strides = array<i32>} : memref<4x128xf32, #tpu.memory_space<vmem>>, vector<1x16xf32>,
      %shift_right_arithmetic3A_1427 = arith.constant 16 : i32
      %shift_right_arithmetic3A_1428 = vector.broadcast %shift_right_arithmetic3A_1427 : i32 to vector<16xi32>
      %shift_right_arithmetic3A_1429 = arith.shrsi %get3A_1410, %shift_right_arithmetic3A_1428 : vector<16xi32>
      %jit3A_1430 = arith.constant 0 : i32
      %broadcast_in_dim3A_1431 = vector.broadcast %jit3A_1430 : i32 to vector<16xi32>
      %select_n3A_1432 = arith.select %ne3A_1413, %shift_right_arithmetic3A_1429, %broadcast_in_dim3A_1431 : vector<16xi1>, vector<16xi32>
      %convert_element_type3A_1433 = arith.sitofp %select_n3A_1432 : vector<16xi32> to vector<16xf32>
      %swap3A_1434 = arith.constant 2 : i32
      %swap3A_1435 = arith.index_cast %swap3A_1434 : i32 to index
      %swap3A_1436 = arith.constant 112 : index
      %swap3A_1437 = tpu.vector_load %arg14[%swap3A_1435, %swap3A_1436] {strides = array<i32>} : memref<4x128xf32, #tpu.memory_space<vmem>>, vector<1x16xf32>,
      %swap3A_1438 = vector.shape_cast %swap3A_1437 : vector<1x16xf32> to vector<16xf32>
      %swap3A_1439 = vector.shape_cast %convert_element_type3A_1433 : vector<16xf32> to vector<1x16xf32>
      tpu.vector_store %arg14[%swap3A_1435, %swap3A_1436], %swap3A_1439 {strides = array<i32>} : memref<4x128xf32, #tpu.memory_space<vmem>>, vector<1x16xf32>,
      %get3A_1440 = arith.constant 3 : i32
      %get3A_1441 = arith.index_cast %get3A_1440 : i32 to index
      %get3A_1442 = arith.constant 0 : index
      %get3A_1443 = tpu.vector_load %arg8[%get3A_1441, %get3A_1442] {strides = array<i32>} : memref<4x128xi32, #tpu.memory_space<vmem>>, vector<1x16xi32>,
      %get3A_1444 = vector.shape_cast %get3A_1443 : vector<1x16xi32> to vector<16xi32>
      %get3A_1445 = arith.constant 3 : i32
      %get3A_1446 = arith.index_cast %get3A_1445 : i32 to index
      %get3A_1447 = arith.constant 0 : index
      %get3A_1448 = tpu.vector_load %arg12[%get3A_1446, %get3A_1447] {strides = array<i32>} : memref<4x128xi32, #tpu.memory_space<vmem>>, vector<1x16xi32>,
      %get3A_1449 = vector.shape_cast %get3A_1448 : vector<1x16xi32> to vector<16xi32>
      %ne3A_1450 = arith.constant 0 : i32
      %ne3A_1451 = vector.broadcast %ne3A_1450 : i32 to vector<16xi32>
      %ne3A_1452 = arith.cmpi ne, %get3A_1444, %ne3A_1451 : vector<16xi32>
      %and3A_1453 = arith.constant 65535 : i32
      %and3A_1454 = vector.broadcast %and3A_1453 : i32 to vector<16xi32>
      %and3A_1455 = arith.andi %get3A_1449, %and3A_1454 : vector<16xi32>
      %jit3A_1456 = arith.constant 0 : i32
      %broadcast_in_dim3A_1457 = vector.broadcast %jit3A_1456 : i32 to vector<16xi32>
      %select_n3A_1458 = arith.select %ne3A_1452, %and3A_1455, %broadcast_in_dim3A_1457 : vector<16xi1>, vector<16xi32>
      %convert_element_type3A_1459 = arith.sitofp %select_n3A_1458 : vector<16xi32> to vector<16xf32>
      %swap3A_1460 = arith.constant 3 : i32
      %swap3A_1461 = arith.index_cast %swap3A_1460 : i32 to index
      %swap3A_1462 = arith.constant 0 : index
      %swap3A_1463 = tpu.vector_load %arg13[%swap3A_1461, %swap3A_1462] {strides = array<i32>} : memref<4x128xf32, #tpu.memory_space<vmem>>, vector<1x16xf32>,
      %swap3A_1464 = vector.shape_cast %swap3A_1463 : vector<1x16xf32> to vector<16xf32>
      %swap3A_1465 = vector.shape_cast %convert_element_type3A_1459 : vector<16xf32> to vector<1x16xf32>
      tpu.vector_store %arg13[%swap3A_1461, %swap3A_1462], %swap3A_1465 {strides = array<i32>} : memref<4x128xf32, #tpu.memory_space<vmem>>, vector<1x16xf32>,
      %shift_right_arithmetic3A_1466 = arith.constant 16 : i32
      %shift_right_arithmetic3A_1467 = vector.broadcast %shift_right_arithmetic3A_1466 : i32 to vector<16xi32>
      %shift_right_arithmetic3A_1468 = arith.shrsi %get3A_1449, %shift_right_arithmetic3A_1467 : vector<16xi32>
      %jit3A_1469 = arith.constant 0 : i32
      %broadcast_in_dim3A_1470 = vector.broadcast %jit3A_1469 : i32 to vector<16xi32>
      %select_n3A_1471 = arith.select %ne3A_1452, %shift_right_arithmetic3A_1468, %broadcast_in_dim3A_1470 : vector<16xi1>, vector<16xi32>
      %convert_element_type3A_1472 = arith.sitofp %select_n3A_1471 : vector<16xi32> to vector<16xf32>
      %swap3A_1473 = arith.constant 3 : i32
      %swap3A_1474 = arith.index_cast %swap3A_1473 : i32 to index
      %swap3A_1475 = arith.constant 0 : index
      %swap3A_1476 = tpu.vector_load %arg14[%swap3A_1474, %swap3A_1475] {strides = array<i32>} : memref<4x128xf32, #tpu.memory_space<vmem>>, vector<1x16xf32>,
      %swap3A_1477 = vector.shape_cast %swap3A_1476 : vector<1x16xf32> to vector<16xf32>
      %swap3A_1478 = vector.shape_cast %convert_element_type3A_1472 : vector<16xf32> to vector<1x16xf32>
      tpu.vector_store %arg14[%swap3A_1474, %swap3A_1475], %swap3A_1478 {strides = array<i32>} : memref<4x128xf32, #tpu.memory_space<vmem>>, vector<1x16xf32>,
      %get3A_1479 = arith.constant 3 : i32
      %get3A_1480 = arith.index_cast %get3A_1479 : i32 to index
      %get3A_1481 = arith.constant 16 : index
      %get3A_1482 = tpu.vector_load %arg8[%get3A_1480, %get3A_1481] {strides = array<i32>} : memref<4x128xi32, #tpu.memory_space<vmem>>, vector<1x16xi32>,
      %get3A_1483 = vector.shape_cast %get3A_1482 : vector<1x16xi32> to vector<16xi32>
      %get3A_1484 = arith.constant 3 : i32
      %get3A_1485 = arith.index_cast %get3A_1484 : i32 to index
      %get3A_1486 = arith.constant 16 : index
      %get3A_1487 = tpu.vector_load %arg12[%get3A_1485, %get3A_1486] {strides = array<i32>} : memref<4x128xi32, #tpu.memory_space<vmem>>, vector<1x16xi32>,
      %get3A_1488 = vector.shape_cast %get3A_1487 : vector<1x16xi32> to vector<16xi32>
      %ne3A_1489 = arith.constant 0 : i32
      %ne3A_1490 = vector.broadcast %ne3A_1489 : i32 to vector<16xi32>
      %ne3A_1491 = arith.cmpi ne, %get3A_1483, %ne3A_1490 : vector<16xi32>
      %and3A_1492 = arith.constant 65535 : i32
      %and3A_1493 = vector.broadcast %and3A_1492 : i32 to vector<16xi32>
      %and3A_1494 = arith.andi %get3A_1488, %and3A_1493 : vector<16xi32>
      %jit3A_1495 = arith.constant 0 : i32
      %broadcast_in_dim3A_1496 = vector.broadcast %jit3A_1495 : i32 to vector<16xi32>
      %select_n3A_1497 = arith.select %ne3A_1491, %and3A_1494, %broadcast_in_dim3A_1496 : vector<16xi1>, vector<16xi32>
      %convert_element_type3A_1498 = arith.sitofp %select_n3A_1497 : vector<16xi32> to vector<16xf32>
      %swap3A_1499 = arith.constant 3 : i32
      %swap3A_1500 = arith.index_cast %swap3A_1499 : i32 to index
      %swap3A_1501 = arith.constant 16 : index
      %swap3A_1502 = tpu.vector_load %arg13[%swap3A_1500, %swap3A_1501] {strides = array<i32>} : memref<4x128xf32, #tpu.memory_space<vmem>>, vector<1x16xf32>,
      %swap3A_1503 = vector.shape_cast %swap3A_1502 : vector<1x16xf32> to vector<16xf32>
      %swap3A_1504 = vector.shape_cast %convert_element_type3A_1498 : vector<16xf32> to vector<1x16xf32>
      tpu.vector_store %arg13[%swap3A_1500, %swap3A_1501], %swap3A_1504 {strides = array<i32>} : memref<4x128xf32, #tpu.memory_space<vmem>>, vector<1x16xf32>,
      %shift_right_arithmetic3A_1505 = arith.constant 16 : i32
      %shift_right_arithmetic3A_1506 = vector.broadcast %shift_right_arithmetic3A_1505 : i32 to vector<16xi32>
      %shift_right_arithmetic3A_1507 = arith.shrsi %get3A_1488, %shift_right_arithmetic3A_1506 : vector<16xi32>
      %jit3A_1508 = arith.constant 0 : i32
      %broadcast_in_dim3A_1509 = vector.broadcast %jit3A_1508 : i32 to vector<16xi32>
      %select_n3A_1510 = arith.select %ne3A_1491, %shift_right_arithmetic3A_1507, %broadcast_in_dim3A_1509 : vector<16xi1>, vector<16xi32>
      %convert_element_type3A_1511 = arith.sitofp %select_n3A_1510 : vector<16xi32> to vector<16xf32>
      %swap3A_1512 = arith.constant 3 : i32
      %swap3A_1513 = arith.index_cast %swap3A_1512 : i32 to index
      %swap3A_1514 = arith.constant 16 : index
      %swap3A_1515 = tpu.vector_load %arg14[%swap3A_1513, %swap3A_1514] {strides = array<i32>} : memref<4x128xf32, #tpu.memory_space<vmem>>, vector<1x16xf32>,
      %swap3A_1516 = vector.shape_cast %swap3A_1515 : vector<1x16xf32> to vector<16xf32>
      %swap3A_1517 = vector.shape_cast %convert_element_type3A_1511 : vector<16xf32> to vector<1x16xf32>
      tpu.vector_store %arg14[%swap3A_1513, %swap3A_1514], %swap3A_1517 {strides = array<i32>} : memref<4x128xf32, #tpu.memory_space<vmem>>, vector<1x16xf32>,
      %get3A_1518 = arith.constant 3 : i32
      %get3A_1519 = arith.index_cast %get3A_1518 : i32 to index
      %get3A_1520 = arith.constant 32 : index
      %get3A_1521 = tpu.vector_load %arg8[%get3A_1519, %get3A_1520] {strides = array<i32>} : memref<4x128xi32, #tpu.memory_space<vmem>>, vector<1x16xi32>,
      %get3A_1522 = vector.shape_cast %get3A_1521 : vector<1x16xi32> to vector<16xi32>
      %get3A_1523 = arith.constant 3 : i32
      %get3A_1524 = arith.index_cast %get3A_1523 : i32 to index
      %get3A_1525 = arith.constant 32 : index
      %get3A_1526 = tpu.vector_load %arg12[%get3A_1524, %get3A_1525] {strides = array<i32>} : memref<4x128xi32, #tpu.memory_space<vmem>>, vector<1x16xi32>,
      %get3A_1527 = vector.shape_cast %get3A_1526 : vector<1x16xi32> to vector<16xi32>
      %ne3A_1528 = arith.constant 0 : i32
      %ne3A_1529 = vector.broadcast %ne3A_1528 : i32 to vector<16xi32>
      %ne3A_1530 = arith.cmpi ne, %get3A_1522, %ne3A_1529 : vector<16xi32>
      %and3A_1531 = arith.constant 65535 : i32
      %and3A_1532 = vector.broadcast %and3A_1531 : i32 to vector<16xi32>
      %and3A_1533 = arith.andi %get3A_1527, %and3A_1532 : vector<16xi32>
      %jit3A_1534 = arith.constant 0 : i32
      %broadcast_in_dim3A_1535 = vector.broadcast %jit3A_1534 : i32 to vector<16xi32>
      %select_n3A_1536 = arith.select %ne3A_1530, %and3A_1533, %broadcast_in_dim3A_1535 : vector<16xi1>, vector<16xi32>
      %convert_element_type3A_1537 = arith.sitofp %select_n3A_1536 : vector<16xi32> to vector<16xf32>
      %swap3A_1538 = arith.constant 3 : i32
      %swap3A_1539 = arith.index_cast %swap3A_1538 : i32 to index
      %swap3A_1540 = arith.constant 32 : index
      %swap3A_1541 = tpu.vector_load %arg13[%swap3A_1539, %swap3A_1540] {strides = array<i32>} : memref<4x128xf32, #tpu.memory_space<vmem>>, vector<1x16xf32>,
      %swap3A_1542 = vector.shape_cast %swap3A_1541 : vector<1x16xf32> to vector<16xf32>
      %swap3A_1543 = vector.shape_cast %convert_element_type3A_1537 : vector<16xf32> to vector<1x16xf32>
      tpu.vector_store %arg13[%swap3A_1539, %swap3A_1540], %swap3A_1543 {strides = array<i32>} : memref<4x128xf32, #tpu.memory_space<vmem>>, vector<1x16xf32>,
      %shift_right_arithmetic3A_1544 = arith.constant 16 : i32
      %shift_right_arithmetic3A_1545 = vector.broadcast %shift_right_arithmetic3A_1544 : i32 to vector<16xi32>
      %shift_right_arithmetic3A_1546 = arith.shrsi %get3A_1527, %shift_right_arithmetic3A_1545 : vector<16xi32>
      %jit3A_1547 = arith.constant 0 : i32
      %broadcast_in_dim3A_1548 = vector.broadcast %jit3A_1547 : i32 to vector<16xi32>
      %select_n3A_1549 = arith.select %ne3A_1530, %shift_right_arithmetic3A_1546, %broadcast_in_dim3A_1548 : vector<16xi1>, vector<16xi32>
      %convert_element_type3A_1550 = arith.sitofp %select_n3A_1549 : vector<16xi32> to vector<16xf32>
      %swap3A_1551 = arith.constant 3 : i32
      %swap3A_1552 = arith.index_cast %swap3A_1551 : i32 to index
      %swap3A_1553 = arith.constant 32 : index
      %swap3A_1554 = tpu.vector_load %arg14[%swap3A_1552, %swap3A_1553] {strides = array<i32>} : memref<4x128xf32, #tpu.memory_space<vmem>>, vector<1x16xf32>,
      %swap3A_1555 = vector.shape_cast %swap3A_1554 : vector<1x16xf32> to vector<16xf32>
      %swap3A_1556 = vector.shape_cast %convert_element_type3A_1550 : vector<16xf32> to vector<1x16xf32>
      tpu.vector_store %arg14[%swap3A_1552, %swap3A_1553], %swap3A_1556 {strides = array<i32>} : memref<4x128xf32, #tpu.memory_space<vmem>>, vector<1x16xf32>,
      %get3A_1557 = arith.constant 3 : i32
      %get3A_1558 = arith.index_cast %get3A_1557 : i32 to index
      %get3A_1559 = arith.constant 48 : index
      %get3A_1560 = tpu.vector_load %arg8[%get3A_1558, %get3A_1559] {strides = array<i32>} : memref<4x128xi32, #tpu.memory_space<vmem>>, vector<1x16xi32>,
      %get3A_1561 = vector.shape_cast %get3A_1560 : vector<1x16xi32> to vector<16xi32>
      %get3A_1562 = arith.constant 3 : i32
      %get3A_1563 = arith.index_cast %get3A_1562 : i32 to index
      %get3A_1564 = arith.constant 48 : index
      %get3A_1565 = tpu.vector_load %arg12[%get3A_1563, %get3A_1564] {strides = array<i32>} : memref<4x128xi32, #tpu.memory_space<vmem>>, vector<1x16xi32>,
      %get3A_1566 = vector.shape_cast %get3A_1565 : vector<1x16xi32> to vector<16xi32>
      %ne3A_1567 = arith.constant 0 : i32
      %ne3A_1568 = vector.broadcast %ne3A_1567 : i32 to vector<16xi32>
      %ne3A_1569 = arith.cmpi ne, %get3A_1561, %ne3A_1568 : vector<16xi32>
      %and3A_1570 = arith.constant 65535 : i32
      %and3A_1571 = vector.broadcast %and3A_1570 : i32 to vector<16xi32>
      %and3A_1572 = arith.andi %get3A_1566, %and3A_1571 : vector<16xi32>
      %jit3A_1573 = arith.constant 0 : i32
      %broadcast_in_dim3A_1574 = vector.broadcast %jit3A_1573 : i32 to vector<16xi32>
      %select_n3A_1575 = arith.select %ne3A_1569, %and3A_1572, %broadcast_in_dim3A_1574 : vector<16xi1>, vector<16xi32>
      %convert_element_type3A_1576 = arith.sitofp %select_n3A_1575 : vector<16xi32> to vector<16xf32>
      %swap3A_1577 = arith.constant 3 : i32
      %swap3A_1578 = arith.index_cast %swap3A_1577 : i32 to index
      %swap3A_1579 = arith.constant 48 : index
      %swap3A_1580 = tpu.vector_load %arg13[%swap3A_1578, %swap3A_1579] {strides = array<i32>} : memref<4x128xf32, #tpu.memory_space<vmem>>, vector<1x16xf32>,
      %swap3A_1581 = vector.shape_cast %swap3A_1580 : vector<1x16xf32> to vector<16xf32>
      %swap3A_1582 = vector.shape_cast %convert_element_type3A_1576 : vector<16xf32> to vector<1x16xf32>
      tpu.vector_store %arg13[%swap3A_1578, %swap3A_1579], %swap3A_1582 {strides = array<i32>} : memref<4x128xf32, #tpu.memory_space<vmem>>, vector<1x16xf32>,
      %shift_right_arithmetic3A_1583 = arith.constant 16 : i32
      %shift_right_arithmetic3A_1584 = vector.broadcast %shift_right_arithmetic3A_1583 : i32 to vector<16xi32>
      %shift_right_arithmetic3A_1585 = arith.shrsi %get3A_1566, %shift_right_arithmetic3A_1584 : vector<16xi32>
      %jit3A_1586 = arith.constant 0 : i32
      %broadcast_in_dim3A_1587 = vector.broadcast %jit3A_1586 : i32 to vector<16xi32>
      %select_n3A_1588 = arith.select %ne3A_1569, %shift_right_arithmetic3A_1585, %broadcast_in_dim3A_1587 : vector<16xi1>, vector<16xi32>
      %convert_element_type3A_1589 = arith.sitofp %select_n3A_1588 : vector<16xi32> to vector<16xf32>
      %swap3A_1590 = arith.constant 3 : i32
      %swap3A_1591 = arith.index_cast %swap3A_1590 : i32 to index
      %swap3A_1592 = arith.constant 48 : index
      %swap3A_1593 = tpu.vector_load %arg14[%swap3A_1591, %swap3A_1592] {strides = array<i32>} : memref<4x128xf32, #tpu.memory_space<vmem>>, vector<1x16xf32>,
      %swap3A_1594 = vector.shape_cast %swap3A_1593 : vector<1x16xf32> to vector<16xf32>
      %swap3A_1595 = vector.shape_cast %convert_element_type3A_1589 : vector<16xf32> to vector<1x16xf32>
      tpu.vector_store %arg14[%swap3A_1591, %swap3A_1592], %swap3A_1595 {strides = array<i32>} : memref<4x128xf32, #tpu.memory_space<vmem>>, vector<1x16xf32>,
      %get3A_1596 = arith.constant 3 : i32
      %get3A_1597 = arith.index_cast %get3A_1596 : i32 to index
      %get3A_1598 = arith.constant 64 : index
      %get3A_1599 = tpu.vector_load %arg8[%get3A_1597, %get3A_1598] {strides = array<i32>} : memref<4x128xi32, #tpu.memory_space<vmem>>, vector<1x16xi32>,
      %get3A_1600 = vector.shape_cast %get3A_1599 : vector<1x16xi32> to vector<16xi32>
      %get3A_1601 = arith.constant 3 : i32
      %get3A_1602 = arith.index_cast %get3A_1601 : i32 to index
      %get3A_1603 = arith.constant 64 : index
      %get3A_1604 = tpu.vector_load %arg12[%get3A_1602, %get3A_1603] {strides = array<i32>} : memref<4x128xi32, #tpu.memory_space<vmem>>, vector<1x16xi32>,
      %get3A_1605 = vector.shape_cast %get3A_1604 : vector<1x16xi32> to vector<16xi32>
      %ne3A_1606 = arith.constant 0 : i32
      %ne3A_1607 = vector.broadcast %ne3A_1606 : i32 to vector<16xi32>
      %ne3A_1608 = arith.cmpi ne, %get3A_1600, %ne3A_1607 : vector<16xi32>
      %and3A_1609 = arith.constant 65535 : i32
      %and3A_1610 = vector.broadcast %and3A_1609 : i32 to vector<16xi32>
      %and3A_1611 = arith.andi %get3A_1605, %and3A_1610 : vector<16xi32>
      %jit3A_1612 = arith.constant 0 : i32
      %broadcast_in_dim3A_1613 = vector.broadcast %jit3A_1612 : i32 to vector<16xi32>
      %select_n3A_1614 = arith.select %ne3A_1608, %and3A_1611, %broadcast_in_dim3A_1613 : vector<16xi1>, vector<16xi32>
      %convert_element_type3A_1615 = arith.sitofp %select_n3A_1614 : vector<16xi32> to vector<16xf32>
      %swap3A_1616 = arith.constant 3 : i32
      %swap3A_1617 = arith.index_cast %swap3A_1616 : i32 to index
      %swap3A_1618 = arith.constant 64 : index
      %swap3A_1619 = tpu.vector_load %arg13[%swap3A_1617, %swap3A_1618] {strides = array<i32>} : memref<4x128xf32, #tpu.memory_space<vmem>>, vector<1x16xf32>,
      %swap3A_1620 = vector.shape_cast %swap3A_1619 : vector<1x16xf32> to vector<16xf32>
      %swap3A_1621 = vector.shape_cast %convert_element_type3A_1615 : vector<16xf32> to vector<1x16xf32>
      tpu.vector_store %arg13[%swap3A_1617, %swap3A_1618], %swap3A_1621 {strides = array<i32>} : memref<4x128xf32, #tpu.memory_space<vmem>>, vector<1x16xf32>,
      %shift_right_arithmetic3A_1622 = arith.constant 16 : i32
      %shift_right_arithmetic3A_1623 = vector.broadcast %shift_right_arithmetic3A_1622 : i32 to vector<16xi32>
      %shift_right_arithmetic3A_1624 = arith.shrsi %get3A_1605, %shift_right_arithmetic3A_1623 : vector<16xi32>
      %jit3A_1625 = arith.constant 0 : i32
      %broadcast_in_dim3A_1626 = vector.broadcast %jit3A_1625 : i32 to vector<16xi32>
      %select_n3A_1627 = arith.select %ne3A_1608, %shift_right_arithmetic3A_1624, %broadcast_in_dim3A_1626 : vector<16xi1>, vector<16xi32>
      %convert_element_type3A_1628 = arith.sitofp %select_n3A_1627 : vector<16xi32> to vector<16xf32>
      %swap3A_1629 = arith.constant 3 : i32
      %swap3A_1630 = arith.index_cast %swap3A_1629 : i32 to index
      %swap3A_1631 = arith.constant 64 : index
      %swap3A_1632 = tpu.vector_load %arg14[%swap3A_1630, %swap3A_1631] {strides = array<i32>} : memref<4x128xf32, #tpu.memory_space<vmem>>, vector<1x16xf32>,
      %swap3A_1633 = vector.shape_cast %swap3A_1632 : vector<1x16xf32> to vector<16xf32>
      %swap3A_1634 = vector.shape_cast %convert_element_type3A_1628 : vector<16xf32> to vector<1x16xf32>
      tpu.vector_store %arg14[%swap3A_1630, %swap3A_1631], %swap3A_1634 {strides = array<i32>} : memref<4x128xf32, #tpu.memory_space<vmem>>, vector<1x16xf32>,
      %get3A_1635 = arith.constant 3 : i32
      %get3A_1636 = arith.index_cast %get3A_1635 : i32 to index
      %get3A_1637 = arith.constant 80 : index
      %get3A_1638 = tpu.vector_load %arg8[%get3A_1636, %get3A_1637] {strides = array<i32>} : memref<4x128xi32, #tpu.memory_space<vmem>>, vector<1x16xi32>,
      %get3A_1639 = vector.shape_cast %get3A_1638 : vector<1x16xi32> to vector<16xi32>
      %get3A_1640 = arith.constant 3 : i32
      %get3A_1641 = arith.index_cast %get3A_1640 : i32 to index
      %get3A_1642 = arith.constant 80 : index
      %get3A_1643 = tpu.vector_load %arg12[%get3A_1641, %get3A_1642] {strides = array<i32>} : memref<4x128xi32, #tpu.memory_space<vmem>>, vector<1x16xi32>,
      %get3A_1644 = vector.shape_cast %get3A_1643 : vector<1x16xi32> to vector<16xi32>
      %ne3A_1645 = arith.constant 0 : i32
      %ne3A_1646 = vector.broadcast %ne3A_1645 : i32 to vector<16xi32>
      %ne3A_1647 = arith.cmpi ne, %get3A_1639, %ne3A_1646 : vector<16xi32>
      %and3A_1648 = arith.constant 65535 : i32
      %and3A_1649 = vector.broadcast %and3A_1648 : i32 to vector<16xi32>
      %and3A_1650 = arith.andi %get3A_1644, %and3A_1649 : vector<16xi32>
      %jit3A_1651 = arith.constant 0 : i32
      %broadcast_in_dim3A_1652 = vector.broadcast %jit3A_1651 : i32 to vector<16xi32>
      %select_n3A_1653 = arith.select %ne3A_1647, %and3A_1650, %broadcast_in_dim3A_1652 : vector<16xi1>, vector<16xi32>
      %convert_element_type3A_1654 = arith.sitofp %select_n3A_1653 : vector<16xi32> to vector<16xf32>
      %swap3A_1655 = arith.constant 3 : i32
      %swap3A_1656 = arith.index_cast %swap3A_1655 : i32 to index
      %swap3A_1657 = arith.constant 80 : index
      %swap3A_1658 = tpu.vector_load %arg13[%swap3A_1656, %swap3A_1657] {strides = array<i32>} : memref<4x128xf32, #tpu.memory_space<vmem>>, vector<1x16xf32>,
      %swap3A_1659 = vector.shape_cast %swap3A_1658 : vector<1x16xf32> to vector<16xf32>
      %swap3A_1660 = vector.shape_cast %convert_element_type3A_1654 : vector<16xf32> to vector<1x16xf32>
      tpu.vector_store %arg13[%swap3A_1656, %swap3A_1657], %swap3A_1660 {strides = array<i32>} : memref<4x128xf32, #tpu.memory_space<vmem>>, vector<1x16xf32>,
      %shift_right_arithmetic3A_1661 = arith.constant 16 : i32
      %shift_right_arithmetic3A_1662 = vector.broadcast %shift_right_arithmetic3A_1661 : i32 to vector<16xi32>
      %shift_right_arithmetic3A_1663 = arith.shrsi %get3A_1644, %shift_right_arithmetic3A_1662 : vector<16xi32>
      %jit3A_1664 = arith.constant 0 : i32
      %broadcast_in_dim3A_1665 = vector.broadcast %jit3A_1664 : i32 to vector<16xi32>
      %select_n3A_1666 = arith.select %ne3A_1647, %shift_right_arithmetic3A_1663, %broadcast_in_dim3A_1665 : vector<16xi1>, vector<16xi32>
      %convert_element_type3A_1667 = arith.sitofp %select_n3A_1666 : vector<16xi32> to vector<16xf32>
      %swap3A_1668 = arith.constant 3 : i32
      %swap3A_1669 = arith.index_cast %swap3A_1668 : i32 to index
      %swap3A_1670 = arith.constant 80 : index
      %swap3A_1671 = tpu.vector_load %arg14[%swap3A_1669, %swap3A_1670] {strides = array<i32>} : memref<4x128xf32, #tpu.memory_space<vmem>>, vector<1x16xf32>,
      %swap3A_1672 = vector.shape_cast %swap3A_1671 : vector<1x16xf32> to vector<16xf32>
      %swap3A_1673 = vector.shape_cast %convert_element_type3A_1667 : vector<16xf32> to vector<1x16xf32>
      tpu.vector_store %arg14[%swap3A_1669, %swap3A_1670], %swap3A_1673 {strides = array<i32>} : memref<4x128xf32, #tpu.memory_space<vmem>>, vector<1x16xf32>,
      %get3A_1674 = arith.constant 3 : i32
      %get3A_1675 = arith.index_cast %get3A_1674 : i32 to index
      %get3A_1676 = arith.constant 96 : index
      %get3A_1677 = tpu.vector_load %arg8[%get3A_1675, %get3A_1676] {strides = array<i32>} : memref<4x128xi32, #tpu.memory_space<vmem>>, vector<1x16xi32>,
      %get3A_1678 = vector.shape_cast %get3A_1677 : vector<1x16xi32> to vector<16xi32>
      %get3A_1679 = arith.constant 3 : i32
      %get3A_1680 = arith.index_cast %get3A_1679 : i32 to index
      %get3A_1681 = arith.constant 96 : index
      %get3A_1682 = tpu.vector_load %arg12[%get3A_1680, %get3A_1681] {strides = array<i32>} : memref<4x128xi32, #tpu.memory_space<vmem>>, vector<1x16xi32>,
      %get3A_1683 = vector.shape_cast %get3A_1682 : vector<1x16xi32> to vector<16xi32>
      %ne3A_1684 = arith.constant 0 : i32
      %ne3A_1685 = vector.broadcast %ne3A_1684 : i32 to vector<16xi32>
      %ne3A_1686 = arith.cmpi ne, %get3A_1678, %ne3A_1685 : vector<16xi32>
      %and3A_1687 = arith.constant 65535 : i32
      %and3A_1688 = vector.broadcast %and3A_1687 : i32 to vector<16xi32>
      %and3A_1689 = arith.andi %get3A_1683, %and3A_1688 : vector<16xi32>
      %jit3A_1690 = arith.constant 0 : i32
      %broadcast_in_dim3A_1691 = vector.broadcast %jit3A_1690 : i32 to vector<16xi32>
      %select_n3A_1692 = arith.select %ne3A_1686, %and3A_1689, %broadcast_in_dim3A_1691 : vector<16xi1>, vector<16xi32>
      %convert_element_type3A_1693 = arith.sitofp %select_n3A_1692 : vector<16xi32> to vector<16xf32>
      %swap3A_1694 = arith.constant 3 : i32
      %swap3A_1695 = arith.index_cast %swap3A_1694 : i32 to index
      %swap3A_1696 = arith.constant 96 : index
      %swap3A_1697 = tpu.vector_load %arg13[%swap3A_1695, %swap3A_1696] {strides = array<i32>} : memref<4x128xf32, #tpu.memory_space<vmem>>, vector<1x16xf32>,
      %swap3A_1698 = vector.shape_cast %swap3A_1697 : vector<1x16xf32> to vector<16xf32>
      %swap3A_1699 = vector.shape_cast %convert_element_type3A_1693 : vector<16xf32> to vector<1x16xf32>
      tpu.vector_store %arg13[%swap3A_1695, %swap3A_1696], %swap3A_1699 {strides = array<i32>} : memref<4x128xf32, #tpu.memory_space<vmem>>, vector<1x16xf32>,
      %shift_right_arithmetic3A_1700 = arith.constant 16 : i32
      %shift_right_arithmetic3A_1701 = vector.broadcast %shift_right_arithmetic3A_1700 : i32 to vector<16xi32>
      %shift_right_arithmetic3A_1702 = arith.shrsi %get3A_1683, %shift_right_arithmetic3A_1701 : vector<16xi32>
      %jit3A_1703 = arith.constant 0 : i32
      %broadcast_in_dim3A_1704 = vector.broadcast %jit3A_1703 : i32 to vector<16xi32>
      %select_n3A_1705 = arith.select %ne3A_1686, %shift_right_arithmetic3A_1702, %broadcast_in_dim3A_1704 : vector<16xi1>, vector<16xi32>
      %convert_element_type3A_1706 = arith.sitofp %select_n3A_1705 : vector<16xi32> to vector<16xf32>
      %swap3A_1707 = arith.constant 3 : i32
      %swap3A_1708 = arith.index_cast %swap3A_1707 : i32 to index
      %swap3A_1709 = arith.constant 96 : index
      %swap3A_1710 = tpu.vector_load %arg14[%swap3A_1708, %swap3A_1709] {strides = array<i32>} : memref<4x128xf32, #tpu.memory_space<vmem>>, vector<1x16xf32>,
      %swap3A_1711 = vector.shape_cast %swap3A_1710 : vector<1x16xf32> to vector<16xf32>
      %swap3A_1712 = vector.shape_cast %convert_element_type3A_1706 : vector<16xf32> to vector<1x16xf32>
      tpu.vector_store %arg14[%swap3A_1708, %swap3A_1709], %swap3A_1712 {strides = array<i32>} : memref<4x128xf32, #tpu.memory_space<vmem>>, vector<1x16xf32>,
      %get3A_1713 = arith.constant 3 : i32
      %get3A_1714 = arith.index_cast %get3A_1713 : i32 to index
      %get3A_1715 = arith.constant 112 : index
      %get3A_1716 = tpu.vector_load %arg8[%get3A_1714, %get3A_1715] {strides = array<i32>} : memref<4x128xi32, #tpu.memory_space<vmem>>, vector<1x16xi32>,
      %get3A_1717 = vector.shape_cast %get3A_1716 : vector<1x16xi32> to vector<16xi32>
      %get3A_1718 = arith.constant 3 : i32
      %get3A_1719 = arith.index_cast %get3A_1718 : i32 to index
      %get3A_1720 = arith.constant 112 : index
      %get3A_1721 = tpu.vector_load %arg12[%get3A_1719, %get3A_1720] {strides = array<i32>} : memref<4x128xi32, #tpu.memory_space<vmem>>, vector<1x16xi32>,
      %get3A_1722 = vector.shape_cast %get3A_1721 : vector<1x16xi32> to vector<16xi32>
      %ne3A_1723 = arith.constant 0 : i32
      %ne3A_1724 = vector.broadcast %ne3A_1723 : i32 to vector<16xi32>
      %ne3A_1725 = arith.cmpi ne, %get3A_1717, %ne3A_1724 : vector<16xi32>
      %and3A_1726 = arith.constant 65535 : i32
      %and3A_1727 = vector.broadcast %and3A_1726 : i32 to vector<16xi32>
      %and3A_1728 = arith.andi %get3A_1722, %and3A_1727 : vector<16xi32>
      %jit3A_1729 = arith.constant 0 : i32
      %broadcast_in_dim3A_1730 = vector.broadcast %jit3A_1729 : i32 to vector<16xi32>
      %select_n3A_1731 = arith.select %ne3A_1725, %and3A_1728, %broadcast_in_dim3A_1730 : vector<16xi1>, vector<16xi32>
      %convert_element_type3A_1732 = arith.sitofp %select_n3A_1731 : vector<16xi32> to vector<16xf32>
      %swap3A_1733 = arith.constant 3 : i32
      %swap3A_1734 = arith.index_cast %swap3A_1733 : i32 to index
      %swap3A_1735 = arith.constant 112 : index
      %swap3A_1736 = tpu.vector_load %arg13[%swap3A_1734, %swap3A_1735] {strides = array<i32>} : memref<4x128xf32, #tpu.memory_space<vmem>>, vector<1x16xf32>,
      %swap3A_1737 = vector.shape_cast %swap3A_1736 : vector<1x16xf32> to vector<16xf32>
      %swap3A_1738 = vector.shape_cast %convert_element_type3A_1732 : vector<16xf32> to vector<1x16xf32>
      tpu.vector_store %arg13[%swap3A_1734, %swap3A_1735], %swap3A_1738 {strides = array<i32>} : memref<4x128xf32, #tpu.memory_space<vmem>>, vector<1x16xf32>,
      %shift_right_arithmetic3A_1739 = arith.constant 16 : i32
      %shift_right_arithmetic3A_1740 = vector.broadcast %shift_right_arithmetic3A_1739 : i32 to vector<16xi32>
      %shift_right_arithmetic3A_1741 = arith.shrsi %get3A_1722, %shift_right_arithmetic3A_1740 : vector<16xi32>
      %jit3A_1742 = arith.constant 0 : i32
      %broadcast_in_dim3A_1743 = vector.broadcast %jit3A_1742 : i32 to vector<16xi32>
      %select_n3A_1744 = arith.select %ne3A_1725, %shift_right_arithmetic3A_1741, %broadcast_in_dim3A_1743 : vector<16xi1>, vector<16xi32>
      %convert_element_type3A_1745 = arith.sitofp %select_n3A_1744 : vector<16xi32> to vector<16xf32>
      %swap3A_1746 = arith.constant 3 : i32
      %swap3A_1747 = arith.index_cast %swap3A_1746 : i32 to index
      %swap3A_1748 = arith.constant 112 : index
      %swap3A_1749 = tpu.vector_load %arg14[%swap3A_1747, %swap3A_1748] {strides = array<i32>} : memref<4x128xf32, #tpu.memory_space<vmem>>, vector<1x16xf32>,
      %swap3A_1750 = vector.shape_cast %swap3A_1749 : vector<1x16xf32> to vector<16xf32>
      %swap3A_1751 = vector.shape_cast %convert_element_type3A_1745 : vector<16xf32> to vector<1x16xf32>
      tpu.vector_store %arg14[%swap3A_1747, %swap3A_1748], %swap3A_1751 {strides = array<i32>} : memref<4x128xf32, #tpu.memory_space<vmem>>, vector<1x16xf32>,
      "tpu.region"() ({
        %run_scoped3A_1752 = tpu.sem_alloc : memref<!tpu.dma_semaphore, #tpu.memory_space<semaphore_mem>>
        %dma_start3A = arith.constant 0 : i32
        %dma_start3A_1753 = arith.constant 0 : i32
        %dma_start3A_1754 = tpu.memref_slice %arg5[%add3A_9, %dma_start3A, %dma_start3A_1753] : memref<1024x4x128xf32, #tpu.memory_space<hbm>> -> memref<1x4x128xf32, #tpu.memory_space<hbm>>
        %dma_start3A_1755 = tpu.memref_squeeze %dma_start3A_1754 : memref<1x4x128xf32, #tpu.memory_space<hbm>> -> memref<4x128xf32, #tpu.memory_space<hbm>>
        %dma_start3A_1756 = arith.constant 0 : i32
        %dma_start3A_1757 = arith.constant 0 : i32
        %dma_start3A_1758 = tpu.memref_slice %arg5[%add3A_9, %dma_start3A_1756, %dma_start3A_1757] : memref<1024x4x128xf32, #tpu.memory_space<hbm>> -> memref<1x4x128xf32, #tpu.memory_space<hbm>>
        %dma_start3A_1759 = tpu.memref_squeeze %dma_start3A_1758 : memref<1x4x128xf32, #tpu.memory_space<hbm>> -> memref<4x128xf32, #tpu.memory_space<hbm>>
        tpu.enqueue_dma source(%arg13 : memref<4x128xf32, #tpu.memory_space<vmem>>) target(%dma_start3A_1759 : memref<4x128xf32, #tpu.memory_space<hbm>>) target_semaphore(%run_scoped3A_1752 : memref<!tpu.dma_semaphore, #tpu.memory_space<semaphore_mem>>)
        %dma_wait3A = arith.constant 0 : i32
        %dma_wait3A_1760 = arith.constant 0 : i32
        %dma_wait3A_1761 = tpu.memref_slice %arg5[%add3A_9, %dma_wait3A, %dma_wait3A_1760] : memref<1024x4x128xf32, #tpu.memory_space<hbm>> -> memref<1x4x128xf32, #tpu.memory_space<hbm>>
        %dma_wait3A_1762 = tpu.memref_squeeze %dma_wait3A_1761 : memref<1x4x128xf32, #tpu.memory_space<hbm>> -> memref<4x128xf32, #tpu.memory_space<hbm>>
        %dma_wait3A_1763 = arith.constant 0 : i32
        %dma_wait3A_1764 = arith.constant 0 : i32
        %dma_wait3A_1765 = tpu.memref_slice %arg5[%add3A_9, %dma_wait3A_1763, %dma_wait3A_1764] : memref<1024x4x128xf32, #tpu.memory_space<hbm>> -> memref<1x4x128xf32, #tpu.memory_space<hbm>>
        %dma_wait3A_1766 = tpu.memref_squeeze %dma_wait3A_1765 : memref<1x4x128xf32, #tpu.memory_space<hbm>> -> memref<4x128xf32, #tpu.memory_space<hbm>>
        tpu.wait_dma2 semaphore(%run_scoped3A_1752 : memref<!tpu.dma_semaphore, #tpu.memory_space<semaphore_mem>>) src(%arg13 : memref<4x128xf32, #tpu.memory_space<vmem>>) dst(%dma_wait3A_1766 : memref<4x128xf32, #tpu.memory_space<hbm>>)
        tpu.yield
      }) : () -> ()
      "tpu.region"() ({
        %run_scoped3A_1752 = tpu.sem_alloc : memref<!tpu.dma_semaphore, #tpu.memory_space<semaphore_mem>>
        %dma_start3A = arith.constant 0 : i32
        %dma_start3A_1753 = arith.constant 0 : i32
        %dma_start3A_1754 = tpu.memref_slice %arg6[%add3A_9, %dma_start3A, %dma_start3A_1753] : memref<1024x4x128xf32, #tpu.memory_space<hbm>> -> memref<1x4x128xf32, #tpu.memory_space<hbm>>
        %dma_start3A_1755 = tpu.memref_squeeze %dma_start3A_1754 : memref<1x4x128xf32, #tpu.memory_space<hbm>> -> memref<4x128xf32, #tpu.memory_space<hbm>>
        %dma_start3A_1756 = arith.constant 0 : i32
        %dma_start3A_1757 = arith.constant 0 : i32
        %dma_start3A_1758 = tpu.memref_slice %arg6[%add3A_9, %dma_start3A_1756, %dma_start3A_1757] : memref<1024x4x128xf32, #tpu.memory_space<hbm>> -> memref<1x4x128xf32, #tpu.memory_space<hbm>>
        %dma_start3A_1759 = tpu.memref_squeeze %dma_start3A_1758 : memref<1x4x128xf32, #tpu.memory_space<hbm>> -> memref<4x128xf32, #tpu.memory_space<hbm>>
        tpu.enqueue_dma source(%arg14 : memref<4x128xf32, #tpu.memory_space<vmem>>) target(%dma_start3A_1759 : memref<4x128xf32, #tpu.memory_space<hbm>>) target_semaphore(%run_scoped3A_1752 : memref<!tpu.dma_semaphore, #tpu.memory_space<semaphore_mem>>)
        %dma_wait3A = arith.constant 0 : i32
        %dma_wait3A_1760 = arith.constant 0 : i32
        %dma_wait3A_1761 = tpu.memref_slice %arg6[%add3A_9, %dma_wait3A, %dma_wait3A_1760] : memref<1024x4x128xf32, #tpu.memory_space<hbm>> -> memref<1x4x128xf32, #tpu.memory_space<hbm>>
        %dma_wait3A_1762 = tpu.memref_squeeze %dma_wait3A_1761 : memref<1x4x128xf32, #tpu.memory_space<hbm>> -> memref<4x128xf32, #tpu.memory_space<hbm>>
        %dma_wait3A_1763 = arith.constant 0 : i32
        %dma_wait3A_1764 = arith.constant 0 : i32
        %dma_wait3A_1765 = tpu.memref_slice %arg6[%add3A_9, %dma_wait3A_1763, %dma_wait3A_1764] : memref<1024x4x128xf32, #tpu.memory_space<hbm>> -> memref<1x4x128xf32, #tpu.memory_space<hbm>>
        %dma_wait3A_1766 = tpu.memref_squeeze %dma_wait3A_1765 : memref<1x4x128xf32, #tpu.memory_space<hbm>> -> memref<4x128xf32, #tpu.memory_space<hbm>>
        tpu.wait_dma2 semaphore(%run_scoped3A_1752 : memref<!tpu.dma_semaphore, #tpu.memory_space<semaphore_mem>>) src(%arg14 : memref<4x128xf32, #tpu.memory_space<vmem>>) dst(%dma_wait3A_1766 : memref<4x128xf32, #tpu.memory_space<hbm>>)
        tpu.yield
      }) : () -> ()
    }
    %scan3A_5 = arith.constant 32 : i32
    return
  }
}

module attributes {stable_mosaic.version = 14 : i64} {
  func.func @_tc_encode_body(%arg0: i32, %arg1: memref<16x512xf32, #tpu.memory_space<vmem>>, %arg2: memref<16x512xf32, #tpu.memory_space<vmem>>, %arg3: memref<64x2xf32, #tpu.memory_space<vmem>>, %arg4: memref<64x64xf32, #tpu.memory_space<vmem>>, %arg5: memref<1x128xf32, #tpu.memory_space<vmem>>, %arg6: memref<1600x128xf32, #tpu.memory_space<vmem>>, %arg7: memref<1600x128xf32, #tpu.memory_space<vmem>>) attributes {dimension_semantics = [#tpu.dimension_semantics<parallel>], iteration_bounds = array<i64: 64>, scalar_prefetch = 0 : i64, scratch_operands = 0 : i64, tpu.core_type = #tpu.core_type<tc>, window_params = [{transform_indices = @transform_0, window_bounds = array<i64: 16, 512>}, {transform_indices = @transform_1, window_bounds = array<i64: 16, 512>}, {pipeline_mode = #tpu.pipeline_mode<synchronous>, transform_indices = @transform_2, window_bounds = array<i64: 64, 2>}, {pipeline_mode = #tpu.pipeline_mode<synchronous>, transform_indices = @transform_3, window_bounds = array<i64: 64, 64>}, {pipeline_mode = #tpu.pipeline_mode<synchronous>, transform_indices = @transform_4, window_bounds = array<i64: 1, 128>}, {transform_indices = @transform_5, window_bounds = array<i64: 1600, 128>}, {transform_indices = @transform_6, window_bounds = array<i64: 1600, 128>}]} {
    %get3A = arith.constant 0 : index
    %get3A_0 = arith.constant 0 : index
    %get3A_1 = vector.load %arg3[%get3A, %get3A_0] : memref<64x2xf32, #tpu.memory_space<vmem>>, vector<64x2xf32>
    %get3A_2 = arith.constant 0 : index
    %get3A_3 = arith.constant 0 : index
    %get3A_4 = vector.load %arg4[%get3A_2, %get3A_3] : memref<64x64xf32, #tpu.memory_space<vmem>>, vector<64x64xf32>
    %get3A_5 = arith.constant 0 : index
    %get3A_6 = arith.constant 0 : index
    %get3A_7 = vector.load %arg5[%get3A_5, %get3A_6] : memref<1x128xf32, #tpu.memory_space<vmem>>, vector<1x128xf32>
    %broadcast_in_dim3A = arith.constant 1.000000e+00 : f32
    %broadcast_in_dim3A_8 = vector.broadcast %broadcast_in_dim3A : f32 to vector<1x512xf32>
    %get3A_9 = arith.constant 0 : index
    %get3A_10 = arith.constant 0 : index
    %get3A_11 = vector.load %arg1[%get3A_9, %get3A_10] : memref<16x512xf32, #tpu.memory_space<vmem>>, vector<1x512xf32>
    %concatenate3A = tpu.concatenate %get3A_11, %broadcast_in_dim3A_8 in 0 : vector<1x512xf32>, vector<1x512xf32> -> vector<2x512xf32>
    %get3A_12 = arith.constant 0 : index
    %get3A_13 = arith.constant 0 : index
    %get3A_14 = vector.load %arg2[%get3A_12, %get3A_13] : memref<16x512xf32, #tpu.memory_space<vmem>>, vector<1x512xf32>
    %concatenate3A_15 = tpu.concatenate %get3A_14, %broadcast_in_dim3A_8 in 0 : vector<1x512xf32>, vector<1x512xf32> -> vector<2x512xf32>
    %dot_general3A = arith.constant dense<0.000000e+00> : vector<64x512xf32>
    %dot_general3A_16 = tpu.matmul %get3A_1, %concatenate3A, %dot_general3A {dimension_numbers = #tpu.dot_dimension_numbers<[1], [0], [0], [1], [0, 0, 1, 1], [], []>, transpose_lhs_hint = false} : vector<64x2xf32>, vector<2x512xf32>, vector<64x512xf32> -> vector<64x512xf32>
    %dot_general3A_17 = arith.constant dense<0.000000e+00> : vector<64x512xf32>
    %dot_general3A_18 = tpu.matmul %get3A_1, %concatenate3A_15, %dot_general3A_17 {dimension_numbers = #tpu.dot_dimension_numbers<[1], [0], [0], [1], [0, 0, 1, 1], [], []>, transpose_lhs_hint = false} : vector<64x2xf32>, vector<2x512xf32>, vector<64x512xf32> -> vector<64x512xf32>
    %max3A = arith.constant 0.000000e+00 : f32
    %max3A_19 = vector.broadcast %max3A : f32 to vector<64x512xf32>
    %max3A_20 = arith.maximumf %dot_general3A_16, %max3A_19 : vector<64x512xf32>
    %max3A_21 = arith.constant 0.000000e+00 : f32
    %max3A_22 = vector.broadcast %max3A_21 : f32 to vector<64x512xf32>
    %max3A_23 = arith.maximumf %dot_general3A_18, %max3A_22 : vector<64x512xf32>
    %add3A = arith.addf %max3A_20, %max3A_23 : vector<64x512xf32>
    %dot_general3A_24 = arith.constant dense<0.000000e+00> : vector<512x64xf32>
    %dot_general3A_25 = tpu.matmul %add3A, %get3A_4, %dot_general3A_24 {dimension_numbers = #tpu.dot_dimension_numbers<[0], [0], [1], [1], [0, 1, 1, 1], [], []>, transpose_lhs_hint = false} : vector<64x512xf32>, vector<64x64xf32>, vector<512x64xf32> -> vector<512x64xf32>
    %slice3A = vector.extract_strided_slice %dot_general3A_25 {offsets = [0, 0], sizes = [256, 64], strides = [1, 1]} : vector<512x64xf32> to vector<256x64xf32>
    %slice3A_26 = vector.extract_strided_slice %dot_general3A_25 {offsets = [256, 0], sizes = [256, 64], strides = [1, 1]} : vector<512x64xf32> to vector<256x64xf32>
    %concatenate3A_27 = tpu.concatenate %slice3A, %slice3A_26 in 1 : vector<256x64xf32>, vector<256x64xf32> -> vector<256x128xf32>
    %add3A_28 = vector.broadcast %get3A_7 : vector<1x128xf32> to vector<256x128xf32>
    %add3A_29 = arith.addf %concatenate3A_27, %add3A_28 : vector<256x128xf32>
    %slice3A_30 = vector.extract_strided_slice %add3A_29 {offsets = [0, 0], sizes = [100, 128], strides = [1, 1]} : vector<256x128xf32> to vector<100x128xf32>
    %swap3A = arith.constant 0 : index
    %swap3A_31 = arith.constant 0 : index
    %swap3A_32 = vector.load %arg6[%swap3A, %swap3A_31] : memref<1600x128xf32, #tpu.memory_space<vmem>>, vector<100x128xf32>
    tpu.vector_store %arg6[%swap3A, %swap3A_31], %slice3A_30 {strides = array<i32>} : memref<1600x128xf32, #tpu.memory_space<vmem>>, vector<100x128xf32>,
    %slice3A_33 = vector.extract_strided_slice %add3A_29 {offsets = [100, 0], sizes = [100, 128], strides = [1, 1]} : vector<256x128xf32> to vector<100x128xf32>
    %swap3A_34 = arith.constant 0 : index
    %swap3A_35 = arith.constant 0 : index
    %swap3A_36 = vector.load %arg7[%swap3A_34, %swap3A_35] : memref<1600x128xf32, #tpu.memory_space<vmem>>, vector<100x128xf32>
    tpu.vector_store %arg7[%swap3A_34, %swap3A_35], %slice3A_33 {strides = array<i32>} : memref<1600x128xf32, #tpu.memory_space<vmem>>, vector<100x128xf32>,
    %get3A_37 = arith.constant 1 : index
    %get3A_38 = arith.constant 0 : index
    %get3A_39 = vector.load %arg1[%get3A_37, %get3A_38] : memref<16x512xf32, #tpu.memory_space<vmem>>, vector<1x512xf32>
    %concatenate3A_40 = tpu.concatenate %get3A_39, %broadcast_in_dim3A_8 in 0 : vector<1x512xf32>, vector<1x512xf32> -> vector<2x512xf32>
    %get3A_41 = arith.constant 1 : index
    %get3A_42 = arith.constant 0 : index
    %get3A_43 = vector.load %arg2[%get3A_41, %get3A_42] : memref<16x512xf32, #tpu.memory_space<vmem>>, vector<1x512xf32>
    %concatenate3A_44 = tpu.concatenate %get3A_43, %broadcast_in_dim3A_8 in 0 : vector<1x512xf32>, vector<1x512xf32> -> vector<2x512xf32>
    %dot_general3A_45 = arith.constant dense<0.000000e+00> : vector<64x512xf32>
    %dot_general3A_46 = tpu.matmul %get3A_1, %concatenate3A_40, %dot_general3A_45 {dimension_numbers = #tpu.dot_dimension_numbers<[1], [0], [0], [1], [0, 0, 1, 1], [], []>, transpose_lhs_hint = false} : vector<64x2xf32>, vector<2x512xf32>, vector<64x512xf32> -> vector<64x512xf32>
    %dot_general3A_47 = arith.constant dense<0.000000e+00> : vector<64x512xf32>
    %dot_general3A_48 = tpu.matmul %get3A_1, %concatenate3A_44, %dot_general3A_47 {dimension_numbers = #tpu.dot_dimension_numbers<[1], [0], [0], [1], [0, 0, 1, 1], [], []>, transpose_lhs_hint = false} : vector<64x2xf32>, vector<2x512xf32>, vector<64x512xf32> -> vector<64x512xf32>
    %max3A_49 = arith.constant 0.000000e+00 : f32
    %max3A_50 = vector.broadcast %max3A_49 : f32 to vector<64x512xf32>
    %max3A_51 = arith.maximumf %dot_general3A_46, %max3A_50 : vector<64x512xf32>
    %max3A_52 = arith.constant 0.000000e+00 : f32
    %max3A_53 = vector.broadcast %max3A_52 : f32 to vector<64x512xf32>
    %max3A_54 = arith.maximumf %dot_general3A_48, %max3A_53 : vector<64x512xf32>
    %add3A_55 = arith.addf %max3A_51, %max3A_54 : vector<64x512xf32>
    %dot_general3A_56 = arith.constant dense<0.000000e+00> : vector<512x64xf32>
    %dot_general3A_57 = tpu.matmul %add3A_55, %get3A_4, %dot_general3A_56 {dimension_numbers = #tpu.dot_dimension_numbers<[0], [0], [1], [1], [0, 1, 1, 1], [], []>, transpose_lhs_hint = false} : vector<64x512xf32>, vector<64x64xf32>, vector<512x64xf32> -> vector<512x64xf32>
    %slice3A_58 = vector.extract_strided_slice %dot_general3A_57 {offsets = [0, 0], sizes = [256, 64], strides = [1, 1]} : vector<512x64xf32> to vector<256x64xf32>
    %slice3A_59 = vector.extract_strided_slice %dot_general3A_57 {offsets = [256, 0], sizes = [256, 64], strides = [1, 1]} : vector<512x64xf32> to vector<256x64xf32>
    %concatenate3A_60 = tpu.concatenate %slice3A_58, %slice3A_59 in 1 : vector<256x64xf32>, vector<256x64xf32> -> vector<256x128xf32>
    %add3A_61 = vector.broadcast %get3A_7 : vector<1x128xf32> to vector<256x128xf32>
    %add3A_62 = arith.addf %concatenate3A_60, %add3A_61 : vector<256x128xf32>
    %slice3A_63 = vector.extract_strided_slice %add3A_62 {offsets = [0, 0], sizes = [100, 128], strides = [1, 1]} : vector<256x128xf32> to vector<100x128xf32>
    %swap3A_64 = arith.constant 100 : index
    %swap3A_65 = arith.constant 0 : index
    %swap3A_66 = vector.load %arg6[%swap3A_64, %swap3A_65] : memref<1600x128xf32, #tpu.memory_space<vmem>>, vector<100x128xf32>
    tpu.vector_store %arg6[%swap3A_64, %swap3A_65], %slice3A_63 {strides = array<i32>} : memref<1600x128xf32, #tpu.memory_space<vmem>>, vector<100x128xf32>,
    %slice3A_67 = vector.extract_strided_slice %add3A_62 {offsets = [100, 0], sizes = [100, 128], strides = [1, 1]} : vector<256x128xf32> to vector<100x128xf32>
    %swap3A_68 = arith.constant 100 : index
    %swap3A_69 = arith.constant 0 : index
    %swap3A_70 = vector.load %arg7[%swap3A_68, %swap3A_69] : memref<1600x128xf32, #tpu.memory_space<vmem>>, vector<100x128xf32>
    tpu.vector_store %arg7[%swap3A_68, %swap3A_69], %slice3A_67 {strides = array<i32>} : memref<1600x128xf32, #tpu.memory_space<vmem>>, vector<100x128xf32>,
    %get3A_71 = arith.constant 2 : index
    %get3A_72 = arith.constant 0 : index
    %get3A_73 = vector.load %arg1[%get3A_71, %get3A_72] : memref<16x512xf32, #tpu.memory_space<vmem>>, vector<1x512xf32>
    %concatenate3A_74 = tpu.concatenate %get3A_73, %broadcast_in_dim3A_8 in 0 : vector<1x512xf32>, vector<1x512xf32> -> vector<2x512xf32>
    %get3A_75 = arith.constant 2 : index
    %get3A_76 = arith.constant 0 : index
    %get3A_77 = vector.load %arg2[%get3A_75, %get3A_76] : memref<16x512xf32, #tpu.memory_space<vmem>>, vector<1x512xf32>
    %concatenate3A_78 = tpu.concatenate %get3A_77, %broadcast_in_dim3A_8 in 0 : vector<1x512xf32>, vector<1x512xf32> -> vector<2x512xf32>
    %dot_general3A_79 = arith.constant dense<0.000000e+00> : vector<64x512xf32>
    %dot_general3A_80 = tpu.matmul %get3A_1, %concatenate3A_74, %dot_general3A_79 {dimension_numbers = #tpu.dot_dimension_numbers<[1], [0], [0], [1], [0, 0, 1, 1], [], []>, transpose_lhs_hint = false} : vector<64x2xf32>, vector<2x512xf32>, vector<64x512xf32> -> vector<64x512xf32>
    %dot_general3A_81 = arith.constant dense<0.000000e+00> : vector<64x512xf32>
    %dot_general3A_82 = tpu.matmul %get3A_1, %concatenate3A_78, %dot_general3A_81 {dimension_numbers = #tpu.dot_dimension_numbers<[1], [0], [0], [1], [0, 0, 1, 1], [], []>, transpose_lhs_hint = false} : vector<64x2xf32>, vector<2x512xf32>, vector<64x512xf32> -> vector<64x512xf32>
    %max3A_83 = arith.constant 0.000000e+00 : f32
    %max3A_84 = vector.broadcast %max3A_83 : f32 to vector<64x512xf32>
    %max3A_85 = arith.maximumf %dot_general3A_80, %max3A_84 : vector<64x512xf32>
    %max3A_86 = arith.constant 0.000000e+00 : f32
    %max3A_87 = vector.broadcast %max3A_86 : f32 to vector<64x512xf32>
    %max3A_88 = arith.maximumf %dot_general3A_82, %max3A_87 : vector<64x512xf32>
    %add3A_89 = arith.addf %max3A_85, %max3A_88 : vector<64x512xf32>
    %dot_general3A_90 = arith.constant dense<0.000000e+00> : vector<512x64xf32>
    %dot_general3A_91 = tpu.matmul %add3A_89, %get3A_4, %dot_general3A_90 {dimension_numbers = #tpu.dot_dimension_numbers<[0], [0], [1], [1], [0, 1, 1, 1], [], []>, transpose_lhs_hint = false} : vector<64x512xf32>, vector<64x64xf32>, vector<512x64xf32> -> vector<512x64xf32>
    %slice3A_92 = vector.extract_strided_slice %dot_general3A_91 {offsets = [0, 0], sizes = [256, 64], strides = [1, 1]} : vector<512x64xf32> to vector<256x64xf32>
    %slice3A_93 = vector.extract_strided_slice %dot_general3A_91 {offsets = [256, 0], sizes = [256, 64], strides = [1, 1]} : vector<512x64xf32> to vector<256x64xf32>
    %concatenate3A_94 = tpu.concatenate %slice3A_92, %slice3A_93 in 1 : vector<256x64xf32>, vector<256x64xf32> -> vector<256x128xf32>
    %add3A_95 = vector.broadcast %get3A_7 : vector<1x128xf32> to vector<256x128xf32>
    %add3A_96 = arith.addf %concatenate3A_94, %add3A_95 : vector<256x128xf32>
    %slice3A_97 = vector.extract_strided_slice %add3A_96 {offsets = [0, 0], sizes = [100, 128], strides = [1, 1]} : vector<256x128xf32> to vector<100x128xf32>
    %swap3A_98 = arith.constant 200 : index
    %swap3A_99 = arith.constant 0 : index
    %swap3A_100 = vector.load %arg6[%swap3A_98, %swap3A_99] : memref<1600x128xf32, #tpu.memory_space<vmem>>, vector<100x128xf32>
    tpu.vector_store %arg6[%swap3A_98, %swap3A_99], %slice3A_97 {strides = array<i32>} : memref<1600x128xf32, #tpu.memory_space<vmem>>, vector<100x128xf32>,
    %slice3A_101 = vector.extract_strided_slice %add3A_96 {offsets = [100, 0], sizes = [100, 128], strides = [1, 1]} : vector<256x128xf32> to vector<100x128xf32>
    %swap3A_102 = arith.constant 200 : index
    %swap3A_103 = arith.constant 0 : index
    %swap3A_104 = vector.load %arg7[%swap3A_102, %swap3A_103] : memref<1600x128xf32, #tpu.memory_space<vmem>>, vector<100x128xf32>
    tpu.vector_store %arg7[%swap3A_102, %swap3A_103], %slice3A_101 {strides = array<i32>} : memref<1600x128xf32, #tpu.memory_space<vmem>>, vector<100x128xf32>,
    %get3A_105 = arith.constant 3 : index
    %get3A_106 = arith.constant 0 : index
    %get3A_107 = vector.load %arg1[%get3A_105, %get3A_106] : memref<16x512xf32, #tpu.memory_space<vmem>>, vector<1x512xf32>
    %concatenate3A_108 = tpu.concatenate %get3A_107, %broadcast_in_dim3A_8 in 0 : vector<1x512xf32>, vector<1x512xf32> -> vector<2x512xf32>
    %get3A_109 = arith.constant 3 : index
    %get3A_110 = arith.constant 0 : index
    %get3A_111 = vector.load %arg2[%get3A_109, %get3A_110] : memref<16x512xf32, #tpu.memory_space<vmem>>, vector<1x512xf32>
    %concatenate3A_112 = tpu.concatenate %get3A_111, %broadcast_in_dim3A_8 in 0 : vector<1x512xf32>, vector<1x512xf32> -> vector<2x512xf32>
    %dot_general3A_113 = arith.constant dense<0.000000e+00> : vector<64x512xf32>
    %dot_general3A_114 = tpu.matmul %get3A_1, %concatenate3A_108, %dot_general3A_113 {dimension_numbers = #tpu.dot_dimension_numbers<[1], [0], [0], [1], [0, 0, 1, 1], [], []>, transpose_lhs_hint = false} : vector<64x2xf32>, vector<2x512xf32>, vector<64x512xf32> -> vector<64x512xf32>
    %dot_general3A_115 = arith.constant dense<0.000000e+00> : vector<64x512xf32>
    %dot_general3A_116 = tpu.matmul %get3A_1, %concatenate3A_112, %dot_general3A_115 {dimension_numbers = #tpu.dot_dimension_numbers<[1], [0], [0], [1], [0, 0, 1, 1], [], []>, transpose_lhs_hint = false} : vector<64x2xf32>, vector<2x512xf32>, vector<64x512xf32> -> vector<64x512xf32>
    %max3A_117 = arith.constant 0.000000e+00 : f32
    %max3A_118 = vector.broadcast %max3A_117 : f32 to vector<64x512xf32>
    %max3A_119 = arith.maximumf %dot_general3A_114, %max3A_118 : vector<64x512xf32>
    %max3A_120 = arith.constant 0.000000e+00 : f32
    %max3A_121 = vector.broadcast %max3A_120 : f32 to vector<64x512xf32>
    %max3A_122 = arith.maximumf %dot_general3A_116, %max3A_121 : vector<64x512xf32>
    %add3A_123 = arith.addf %max3A_119, %max3A_122 : vector<64x512xf32>
    %dot_general3A_124 = arith.constant dense<0.000000e+00> : vector<512x64xf32>
    %dot_general3A_125 = tpu.matmul %add3A_123, %get3A_4, %dot_general3A_124 {dimension_numbers = #tpu.dot_dimension_numbers<[0], [0], [1], [1], [0, 1, 1, 1], [], []>, transpose_lhs_hint = false} : vector<64x512xf32>, vector<64x64xf32>, vector<512x64xf32> -> vector<512x64xf32>
    %slice3A_126 = vector.extract_strided_slice %dot_general3A_125 {offsets = [0, 0], sizes = [256, 64], strides = [1, 1]} : vector<512x64xf32> to vector<256x64xf32>
    %slice3A_127 = vector.extract_strided_slice %dot_general3A_125 {offsets = [256, 0], sizes = [256, 64], strides = [1, 1]} : vector<512x64xf32> to vector<256x64xf32>
    %concatenate3A_128 = tpu.concatenate %slice3A_126, %slice3A_127 in 1 : vector<256x64xf32>, vector<256x64xf32> -> vector<256x128xf32>
    %add3A_129 = vector.broadcast %get3A_7 : vector<1x128xf32> to vector<256x128xf32>
    %add3A_130 = arith.addf %concatenate3A_128, %add3A_129 : vector<256x128xf32>
    %slice3A_131 = vector.extract_strided_slice %add3A_130 {offsets = [0, 0], sizes = [100, 128], strides = [1, 1]} : vector<256x128xf32> to vector<100x128xf32>
    %swap3A_132 = arith.constant 300 : index
    %swap3A_133 = arith.constant 0 : index
    %swap3A_134 = vector.load %arg6[%swap3A_132, %swap3A_133] : memref<1600x128xf32, #tpu.memory_space<vmem>>, vector<100x128xf32>
    tpu.vector_store %arg6[%swap3A_132, %swap3A_133], %slice3A_131 {strides = array<i32>} : memref<1600x128xf32, #tpu.memory_space<vmem>>, vector<100x128xf32>,
    %slice3A_135 = vector.extract_strided_slice %add3A_130 {offsets = [100, 0], sizes = [100, 128], strides = [1, 1]} : vector<256x128xf32> to vector<100x128xf32>
    %swap3A_136 = arith.constant 300 : index
    %swap3A_137 = arith.constant 0 : index
    %swap3A_138 = vector.load %arg7[%swap3A_136, %swap3A_137] : memref<1600x128xf32, #tpu.memory_space<vmem>>, vector<100x128xf32>
    tpu.vector_store %arg7[%swap3A_136, %swap3A_137], %slice3A_135 {strides = array<i32>} : memref<1600x128xf32, #tpu.memory_space<vmem>>, vector<100x128xf32>,
    %get3A_139 = arith.constant 4 : index
    %get3A_140 = arith.constant 0 : index
    %get3A_141 = vector.load %arg1[%get3A_139, %get3A_140] : memref<16x512xf32, #tpu.memory_space<vmem>>, vector<1x512xf32>
    %concatenate3A_142 = tpu.concatenate %get3A_141, %broadcast_in_dim3A_8 in 0 : vector<1x512xf32>, vector<1x512xf32> -> vector<2x512xf32>
    %get3A_143 = arith.constant 4 : index
    %get3A_144 = arith.constant 0 : index
    %get3A_145 = vector.load %arg2[%get3A_143, %get3A_144] : memref<16x512xf32, #tpu.memory_space<vmem>>, vector<1x512xf32>
    %concatenate3A_146 = tpu.concatenate %get3A_145, %broadcast_in_dim3A_8 in 0 : vector<1x512xf32>, vector<1x512xf32> -> vector<2x512xf32>
    %dot_general3A_147 = arith.constant dense<0.000000e+00> : vector<64x512xf32>
    %dot_general3A_148 = tpu.matmul %get3A_1, %concatenate3A_142, %dot_general3A_147 {dimension_numbers = #tpu.dot_dimension_numbers<[1], [0], [0], [1], [0, 0, 1, 1], [], []>, transpose_lhs_hint = false} : vector<64x2xf32>, vector<2x512xf32>, vector<64x512xf32> -> vector<64x512xf32>
    %dot_general3A_149 = arith.constant dense<0.000000e+00> : vector<64x512xf32>
    %dot_general3A_150 = tpu.matmul %get3A_1, %concatenate3A_146, %dot_general3A_149 {dimension_numbers = #tpu.dot_dimension_numbers<[1], [0], [0], [1], [0, 0, 1, 1], [], []>, transpose_lhs_hint = false} : vector<64x2xf32>, vector<2x512xf32>, vector<64x512xf32> -> vector<64x512xf32>
    %max3A_151 = arith.constant 0.000000e+00 : f32
    %max3A_152 = vector.broadcast %max3A_151 : f32 to vector<64x512xf32>
    %max3A_153 = arith.maximumf %dot_general3A_148, %max3A_152 : vector<64x512xf32>
    %max3A_154 = arith.constant 0.000000e+00 : f32
    %max3A_155 = vector.broadcast %max3A_154 : f32 to vector<64x512xf32>
    %max3A_156 = arith.maximumf %dot_general3A_150, %max3A_155 : vector<64x512xf32>
    %add3A_157 = arith.addf %max3A_153, %max3A_156 : vector<64x512xf32>
    %dot_general3A_158 = arith.constant dense<0.000000e+00> : vector<512x64xf32>
    %dot_general3A_159 = tpu.matmul %add3A_157, %get3A_4, %dot_general3A_158 {dimension_numbers = #tpu.dot_dimension_numbers<[0], [0], [1], [1], [0, 1, 1, 1], [], []>, transpose_lhs_hint = false} : vector<64x512xf32>, vector<64x64xf32>, vector<512x64xf32> -> vector<512x64xf32>
    %slice3A_160 = vector.extract_strided_slice %dot_general3A_159 {offsets = [0, 0], sizes = [256, 64], strides = [1, 1]} : vector<512x64xf32> to vector<256x64xf32>
    %slice3A_161 = vector.extract_strided_slice %dot_general3A_159 {offsets = [256, 0], sizes = [256, 64], strides = [1, 1]} : vector<512x64xf32> to vector<256x64xf32>
    %concatenate3A_162 = tpu.concatenate %slice3A_160, %slice3A_161 in 1 : vector<256x64xf32>, vector<256x64xf32> -> vector<256x128xf32>
    %add3A_163 = vector.broadcast %get3A_7 : vector<1x128xf32> to vector<256x128xf32>
    %add3A_164 = arith.addf %concatenate3A_162, %add3A_163 : vector<256x128xf32>
    %slice3A_165 = vector.extract_strided_slice %add3A_164 {offsets = [0, 0], sizes = [100, 128], strides = [1, 1]} : vector<256x128xf32> to vector<100x128xf32>
    %swap3A_166 = arith.constant 400 : index
    %swap3A_167 = arith.constant 0 : index
    %swap3A_168 = vector.load %arg6[%swap3A_166, %swap3A_167] : memref<1600x128xf32, #tpu.memory_space<vmem>>, vector<100x128xf32>
    tpu.vector_store %arg6[%swap3A_166, %swap3A_167], %slice3A_165 {strides = array<i32>} : memref<1600x128xf32, #tpu.memory_space<vmem>>, vector<100x128xf32>,
    %slice3A_169 = vector.extract_strided_slice %add3A_164 {offsets = [100, 0], sizes = [100, 128], strides = [1, 1]} : vector<256x128xf32> to vector<100x128xf32>
    %swap3A_170 = arith.constant 400 : index
    %swap3A_171 = arith.constant 0 : index
    %swap3A_172 = vector.load %arg7[%swap3A_170, %swap3A_171] : memref<1600x128xf32, #tpu.memory_space<vmem>>, vector<100x128xf32>
    tpu.vector_store %arg7[%swap3A_170, %swap3A_171], %slice3A_169 {strides = array<i32>} : memref<1600x128xf32, #tpu.memory_space<vmem>>, vector<100x128xf32>,
    %get3A_173 = arith.constant 5 : index
    %get3A_174 = arith.constant 0 : index
    %get3A_175 = vector.load %arg1[%get3A_173, %get3A_174] : memref<16x512xf32, #tpu.memory_space<vmem>>, vector<1x512xf32>
    %concatenate3A_176 = tpu.concatenate %get3A_175, %broadcast_in_dim3A_8 in 0 : vector<1x512xf32>, vector<1x512xf32> -> vector<2x512xf32>
    %get3A_177 = arith.constant 5 : index
    %get3A_178 = arith.constant 0 : index
    %get3A_179 = vector.load %arg2[%get3A_177, %get3A_178] : memref<16x512xf32, #tpu.memory_space<vmem>>, vector<1x512xf32>
    %concatenate3A_180 = tpu.concatenate %get3A_179, %broadcast_in_dim3A_8 in 0 : vector<1x512xf32>, vector<1x512xf32> -> vector<2x512xf32>
    %dot_general3A_181 = arith.constant dense<0.000000e+00> : vector<64x512xf32>
    %dot_general3A_182 = tpu.matmul %get3A_1, %concatenate3A_176, %dot_general3A_181 {dimension_numbers = #tpu.dot_dimension_numbers<[1], [0], [0], [1], [0, 0, 1, 1], [], []>, transpose_lhs_hint = false} : vector<64x2xf32>, vector<2x512xf32>, vector<64x512xf32> -> vector<64x512xf32>
    %dot_general3A_183 = arith.constant dense<0.000000e+00> : vector<64x512xf32>
    %dot_general3A_184 = tpu.matmul %get3A_1, %concatenate3A_180, %dot_general3A_183 {dimension_numbers = #tpu.dot_dimension_numbers<[1], [0], [0], [1], [0, 0, 1, 1], [], []>, transpose_lhs_hint = false} : vector<64x2xf32>, vector<2x512xf32>, vector<64x512xf32> -> vector<64x512xf32>
    %max3A_185 = arith.constant 0.000000e+00 : f32
    %max3A_186 = vector.broadcast %max3A_185 : f32 to vector<64x512xf32>
    %max3A_187 = arith.maximumf %dot_general3A_182, %max3A_186 : vector<64x512xf32>
    %max3A_188 = arith.constant 0.000000e+00 : f32
    %max3A_189 = vector.broadcast %max3A_188 : f32 to vector<64x512xf32>
    %max3A_190 = arith.maximumf %dot_general3A_184, %max3A_189 : vector<64x512xf32>
    %add3A_191 = arith.addf %max3A_187, %max3A_190 : vector<64x512xf32>
    %dot_general3A_192 = arith.constant dense<0.000000e+00> : vector<512x64xf32>
    %dot_general3A_193 = tpu.matmul %add3A_191, %get3A_4, %dot_general3A_192 {dimension_numbers = #tpu.dot_dimension_numbers<[0], [0], [1], [1], [0, 1, 1, 1], [], []>, transpose_lhs_hint = false} : vector<64x512xf32>, vector<64x64xf32>, vector<512x64xf32> -> vector<512x64xf32>
    %slice3A_194 = vector.extract_strided_slice %dot_general3A_193 {offsets = [0, 0], sizes = [256, 64], strides = [1, 1]} : vector<512x64xf32> to vector<256x64xf32>
    %slice3A_195 = vector.extract_strided_slice %dot_general3A_193 {offsets = [256, 0], sizes = [256, 64], strides = [1, 1]} : vector<512x64xf32> to vector<256x64xf32>
    %concatenate3A_196 = tpu.concatenate %slice3A_194, %slice3A_195 in 1 : vector<256x64xf32>, vector<256x64xf32> -> vector<256x128xf32>
    %add3A_197 = vector.broadcast %get3A_7 : vector<1x128xf32> to vector<256x128xf32>
    %add3A_198 = arith.addf %concatenate3A_196, %add3A_197 : vector<256x128xf32>
    %slice3A_199 = vector.extract_strided_slice %add3A_198 {offsets = [0, 0], sizes = [100, 128], strides = [1, 1]} : vector<256x128xf32> to vector<100x128xf32>
    %swap3A_200 = arith.constant 500 : index
    %swap3A_201 = arith.constant 0 : index
    %swap3A_202 = vector.load %arg6[%swap3A_200, %swap3A_201] : memref<1600x128xf32, #tpu.memory_space<vmem>>, vector<100x128xf32>
    tpu.vector_store %arg6[%swap3A_200, %swap3A_201], %slice3A_199 {strides = array<i32>} : memref<1600x128xf32, #tpu.memory_space<vmem>>, vector<100x128xf32>,
    %slice3A_203 = vector.extract_strided_slice %add3A_198 {offsets = [100, 0], sizes = [100, 128], strides = [1, 1]} : vector<256x128xf32> to vector<100x128xf32>
    %swap3A_204 = arith.constant 500 : index
    %swap3A_205 = arith.constant 0 : index
    %swap3A_206 = vector.load %arg7[%swap3A_204, %swap3A_205] : memref<1600x128xf32, #tpu.memory_space<vmem>>, vector<100x128xf32>
    tpu.vector_store %arg7[%swap3A_204, %swap3A_205], %slice3A_203 {strides = array<i32>} : memref<1600x128xf32, #tpu.memory_space<vmem>>, vector<100x128xf32>,
    %get3A_207 = arith.constant 6 : index
    %get3A_208 = arith.constant 0 : index
    %get3A_209 = vector.load %arg1[%get3A_207, %get3A_208] : memref<16x512xf32, #tpu.memory_space<vmem>>, vector<1x512xf32>
    %concatenate3A_210 = tpu.concatenate %get3A_209, %broadcast_in_dim3A_8 in 0 : vector<1x512xf32>, vector<1x512xf32> -> vector<2x512xf32>
    %get3A_211 = arith.constant 6 : index
    %get3A_212 = arith.constant 0 : index
    %get3A_213 = vector.load %arg2[%get3A_211, %get3A_212] : memref<16x512xf32, #tpu.memory_space<vmem>>, vector<1x512xf32>
    %concatenate3A_214 = tpu.concatenate %get3A_213, %broadcast_in_dim3A_8 in 0 : vector<1x512xf32>, vector<1x512xf32> -> vector<2x512xf32>
    %dot_general3A_215 = arith.constant dense<0.000000e+00> : vector<64x512xf32>
    %dot_general3A_216 = tpu.matmul %get3A_1, %concatenate3A_210, %dot_general3A_215 {dimension_numbers = #tpu.dot_dimension_numbers<[1], [0], [0], [1], [0, 0, 1, 1], [], []>, transpose_lhs_hint = false} : vector<64x2xf32>, vector<2x512xf32>, vector<64x512xf32> -> vector<64x512xf32>
    %dot_general3A_217 = arith.constant dense<0.000000e+00> : vector<64x512xf32>
    %dot_general3A_218 = tpu.matmul %get3A_1, %concatenate3A_214, %dot_general3A_217 {dimension_numbers = #tpu.dot_dimension_numbers<[1], [0], [0], [1], [0, 0, 1, 1], [], []>, transpose_lhs_hint = false} : vector<64x2xf32>, vector<2x512xf32>, vector<64x512xf32> -> vector<64x512xf32>
    %max3A_219 = arith.constant 0.000000e+00 : f32
    %max3A_220 = vector.broadcast %max3A_219 : f32 to vector<64x512xf32>
    %max3A_221 = arith.maximumf %dot_general3A_216, %max3A_220 : vector<64x512xf32>
    %max3A_222 = arith.constant 0.000000e+00 : f32
    %max3A_223 = vector.broadcast %max3A_222 : f32 to vector<64x512xf32>
    %max3A_224 = arith.maximumf %dot_general3A_218, %max3A_223 : vector<64x512xf32>
    %add3A_225 = arith.addf %max3A_221, %max3A_224 : vector<64x512xf32>
    %dot_general3A_226 = arith.constant dense<0.000000e+00> : vector<512x64xf32>
    %dot_general3A_227 = tpu.matmul %add3A_225, %get3A_4, %dot_general3A_226 {dimension_numbers = #tpu.dot_dimension_numbers<[0], [0], [1], [1], [0, 1, 1, 1], [], []>, transpose_lhs_hint = false} : vector<64x512xf32>, vector<64x64xf32>, vector<512x64xf32> -> vector<512x64xf32>
    %slice3A_228 = vector.extract_strided_slice %dot_general3A_227 {offsets = [0, 0], sizes = [256, 64], strides = [1, 1]} : vector<512x64xf32> to vector<256x64xf32>
    %slice3A_229 = vector.extract_strided_slice %dot_general3A_227 {offsets = [256, 0], sizes = [256, 64], strides = [1, 1]} : vector<512x64xf32> to vector<256x64xf32>
    %concatenate3A_230 = tpu.concatenate %slice3A_228, %slice3A_229 in 1 : vector<256x64xf32>, vector<256x64xf32> -> vector<256x128xf32>
    %add3A_231 = vector.broadcast %get3A_7 : vector<1x128xf32> to vector<256x128xf32>
    %add3A_232 = arith.addf %concatenate3A_230, %add3A_231 : vector<256x128xf32>
    %slice3A_233 = vector.extract_strided_slice %add3A_232 {offsets = [0, 0], sizes = [100, 128], strides = [1, 1]} : vector<256x128xf32> to vector<100x128xf32>
    %swap3A_234 = arith.constant 600 : index
    %swap3A_235 = arith.constant 0 : index
    %swap3A_236 = vector.load %arg6[%swap3A_234, %swap3A_235] : memref<1600x128xf32, #tpu.memory_space<vmem>>, vector<100x128xf32>
    tpu.vector_store %arg6[%swap3A_234, %swap3A_235], %slice3A_233 {strides = array<i32>} : memref<1600x128xf32, #tpu.memory_space<vmem>>, vector<100x128xf32>,
    %slice3A_237 = vector.extract_strided_slice %add3A_232 {offsets = [100, 0], sizes = [100, 128], strides = [1, 1]} : vector<256x128xf32> to vector<100x128xf32>
    %swap3A_238 = arith.constant 600 : index
    %swap3A_239 = arith.constant 0 : index
    %swap3A_240 = vector.load %arg7[%swap3A_238, %swap3A_239] : memref<1600x128xf32, #tpu.memory_space<vmem>>, vector<100x128xf32>
    tpu.vector_store %arg7[%swap3A_238, %swap3A_239], %slice3A_237 {strides = array<i32>} : memref<1600x128xf32, #tpu.memory_space<vmem>>, vector<100x128xf32>,
    %get3A_241 = arith.constant 7 : index
    %get3A_242 = arith.constant 0 : index
    %get3A_243 = vector.load %arg1[%get3A_241, %get3A_242] : memref<16x512xf32, #tpu.memory_space<vmem>>, vector<1x512xf32>
    %concatenate3A_244 = tpu.concatenate %get3A_243, %broadcast_in_dim3A_8 in 0 : vector<1x512xf32>, vector<1x512xf32> -> vector<2x512xf32>
    %get3A_245 = arith.constant 7 : index
    %get3A_246 = arith.constant 0 : index
    %get3A_247 = vector.load %arg2[%get3A_245, %get3A_246] : memref<16x512xf32, #tpu.memory_space<vmem>>, vector<1x512xf32>
    %concatenate3A_248 = tpu.concatenate %get3A_247, %broadcast_in_dim3A_8 in 0 : vector<1x512xf32>, vector<1x512xf32> -> vector<2x512xf32>
    %dot_general3A_249 = arith.constant dense<0.000000e+00> : vector<64x512xf32>
    %dot_general3A_250 = tpu.matmul %get3A_1, %concatenate3A_244, %dot_general3A_249 {dimension_numbers = #tpu.dot_dimension_numbers<[1], [0], [0], [1], [0, 0, 1, 1], [], []>, transpose_lhs_hint = false} : vector<64x2xf32>, vector<2x512xf32>, vector<64x512xf32> -> vector<64x512xf32>
    %dot_general3A_251 = arith.constant dense<0.000000e+00> : vector<64x512xf32>
    %dot_general3A_252 = tpu.matmul %get3A_1, %concatenate3A_248, %dot_general3A_251 {dimension_numbers = #tpu.dot_dimension_numbers<[1], [0], [0], [1], [0, 0, 1, 1], [], []>, transpose_lhs_hint = false} : vector<64x2xf32>, vector<2x512xf32>, vector<64x512xf32> -> vector<64x512xf32>
    %max3A_253 = arith.constant 0.000000e+00 : f32
    %max3A_254 = vector.broadcast %max3A_253 : f32 to vector<64x512xf32>
    %max3A_255 = arith.maximumf %dot_general3A_250, %max3A_254 : vector<64x512xf32>
    %max3A_256 = arith.constant 0.000000e+00 : f32
    %max3A_257 = vector.broadcast %max3A_256 : f32 to vector<64x512xf32>
    %max3A_258 = arith.maximumf %dot_general3A_252, %max3A_257 : vector<64x512xf32>
    %add3A_259 = arith.addf %max3A_255, %max3A_258 : vector<64x512xf32>
    %dot_general3A_260 = arith.constant dense<0.000000e+00> : vector<512x64xf32>
    %dot_general3A_261 = tpu.matmul %add3A_259, %get3A_4, %dot_general3A_260 {dimension_numbers = #tpu.dot_dimension_numbers<[0], [0], [1], [1], [0, 1, 1, 1], [], []>, transpose_lhs_hint = false} : vector<64x512xf32>, vector<64x64xf32>, vector<512x64xf32> -> vector<512x64xf32>
    %slice3A_262 = vector.extract_strided_slice %dot_general3A_261 {offsets = [0, 0], sizes = [256, 64], strides = [1, 1]} : vector<512x64xf32> to vector<256x64xf32>
    %slice3A_263 = vector.extract_strided_slice %dot_general3A_261 {offsets = [256, 0], sizes = [256, 64], strides = [1, 1]} : vector<512x64xf32> to vector<256x64xf32>
    %concatenate3A_264 = tpu.concatenate %slice3A_262, %slice3A_263 in 1 : vector<256x64xf32>, vector<256x64xf32> -> vector<256x128xf32>
    %add3A_265 = vector.broadcast %get3A_7 : vector<1x128xf32> to vector<256x128xf32>
    %add3A_266 = arith.addf %concatenate3A_264, %add3A_265 : vector<256x128xf32>
    %slice3A_267 = vector.extract_strided_slice %add3A_266 {offsets = [0, 0], sizes = [100, 128], strides = [1, 1]} : vector<256x128xf32> to vector<100x128xf32>
    %swap3A_268 = arith.constant 700 : index
    %swap3A_269 = arith.constant 0 : index
    %swap3A_270 = vector.load %arg6[%swap3A_268, %swap3A_269] : memref<1600x128xf32, #tpu.memory_space<vmem>>, vector<100x128xf32>
    tpu.vector_store %arg6[%swap3A_268, %swap3A_269], %slice3A_267 {strides = array<i32>} : memref<1600x128xf32, #tpu.memory_space<vmem>>, vector<100x128xf32>,
    %slice3A_271 = vector.extract_strided_slice %add3A_266 {offsets = [100, 0], sizes = [100, 128], strides = [1, 1]} : vector<256x128xf32> to vector<100x128xf32>
    %swap3A_272 = arith.constant 700 : index
    %swap3A_273 = arith.constant 0 : index
    %swap3A_274 = vector.load %arg7[%swap3A_272, %swap3A_273] : memref<1600x128xf32, #tpu.memory_space<vmem>>, vector<100x128xf32>
    tpu.vector_store %arg7[%swap3A_272, %swap3A_273], %slice3A_271 {strides = array<i32>} : memref<1600x128xf32, #tpu.memory_space<vmem>>, vector<100x128xf32>,
    %get3A_275 = arith.constant 8 : index
    %get3A_276 = arith.constant 0 : index
    %get3A_277 = vector.load %arg1[%get3A_275, %get3A_276] : memref<16x512xf32, #tpu.memory_space<vmem>>, vector<1x512xf32>
    %concatenate3A_278 = tpu.concatenate %get3A_277, %broadcast_in_dim3A_8 in 0 : vector<1x512xf32>, vector<1x512xf32> -> vector<2x512xf32>
    %get3A_279 = arith.constant 8 : index
    %get3A_280 = arith.constant 0 : index
    %get3A_281 = vector.load %arg2[%get3A_279, %get3A_280] : memref<16x512xf32, #tpu.memory_space<vmem>>, vector<1x512xf32>
    %concatenate3A_282 = tpu.concatenate %get3A_281, %broadcast_in_dim3A_8 in 0 : vector<1x512xf32>, vector<1x512xf32> -> vector<2x512xf32>
    %dot_general3A_283 = arith.constant dense<0.000000e+00> : vector<64x512xf32>
    %dot_general3A_284 = tpu.matmul %get3A_1, %concatenate3A_278, %dot_general3A_283 {dimension_numbers = #tpu.dot_dimension_numbers<[1], [0], [0], [1], [0, 0, 1, 1], [], []>, transpose_lhs_hint = false} : vector<64x2xf32>, vector<2x512xf32>, vector<64x512xf32> -> vector<64x512xf32>
    %dot_general3A_285 = arith.constant dense<0.000000e+00> : vector<64x512xf32>
    %dot_general3A_286 = tpu.matmul %get3A_1, %concatenate3A_282, %dot_general3A_285 {dimension_numbers = #tpu.dot_dimension_numbers<[1], [0], [0], [1], [0, 0, 1, 1], [], []>, transpose_lhs_hint = false} : vector<64x2xf32>, vector<2x512xf32>, vector<64x512xf32> -> vector<64x512xf32>
    %max3A_287 = arith.constant 0.000000e+00 : f32
    %max3A_288 = vector.broadcast %max3A_287 : f32 to vector<64x512xf32>
    %max3A_289 = arith.maximumf %dot_general3A_284, %max3A_288 : vector<64x512xf32>
    %max3A_290 = arith.constant 0.000000e+00 : f32
    %max3A_291 = vector.broadcast %max3A_290 : f32 to vector<64x512xf32>
    %max3A_292 = arith.maximumf %dot_general3A_286, %max3A_291 : vector<64x512xf32>
    %add3A_293 = arith.addf %max3A_289, %max3A_292 : vector<64x512xf32>
    %dot_general3A_294 = arith.constant dense<0.000000e+00> : vector<512x64xf32>
    %dot_general3A_295 = tpu.matmul %add3A_293, %get3A_4, %dot_general3A_294 {dimension_numbers = #tpu.dot_dimension_numbers<[0], [0], [1], [1], [0, 1, 1, 1], [], []>, transpose_lhs_hint = false} : vector<64x512xf32>, vector<64x64xf32>, vector<512x64xf32> -> vector<512x64xf32>
    %slice3A_296 = vector.extract_strided_slice %dot_general3A_295 {offsets = [0, 0], sizes = [256, 64], strides = [1, 1]} : vector<512x64xf32> to vector<256x64xf32>
    %slice3A_297 = vector.extract_strided_slice %dot_general3A_295 {offsets = [256, 0], sizes = [256, 64], strides = [1, 1]} : vector<512x64xf32> to vector<256x64xf32>
    %concatenate3A_298 = tpu.concatenate %slice3A_296, %slice3A_297 in 1 : vector<256x64xf32>, vector<256x64xf32> -> vector<256x128xf32>
    %add3A_299 = vector.broadcast %get3A_7 : vector<1x128xf32> to vector<256x128xf32>
    %add3A_300 = arith.addf %concatenate3A_298, %add3A_299 : vector<256x128xf32>
    %slice3A_301 = vector.extract_strided_slice %add3A_300 {offsets = [0, 0], sizes = [100, 128], strides = [1, 1]} : vector<256x128xf32> to vector<100x128xf32>
    %swap3A_302 = arith.constant 800 : index
    %swap3A_303 = arith.constant 0 : index
    %swap3A_304 = vector.load %arg6[%swap3A_302, %swap3A_303] : memref<1600x128xf32, #tpu.memory_space<vmem>>, vector<100x128xf32>
    tpu.vector_store %arg6[%swap3A_302, %swap3A_303], %slice3A_301 {strides = array<i32>} : memref<1600x128xf32, #tpu.memory_space<vmem>>, vector<100x128xf32>,
    %slice3A_305 = vector.extract_strided_slice %add3A_300 {offsets = [100, 0], sizes = [100, 128], strides = [1, 1]} : vector<256x128xf32> to vector<100x128xf32>
    %swap3A_306 = arith.constant 800 : index
    %swap3A_307 = arith.constant 0 : index
    %swap3A_308 = vector.load %arg7[%swap3A_306, %swap3A_307] : memref<1600x128xf32, #tpu.memory_space<vmem>>, vector<100x128xf32>
    tpu.vector_store %arg7[%swap3A_306, %swap3A_307], %slice3A_305 {strides = array<i32>} : memref<1600x128xf32, #tpu.memory_space<vmem>>, vector<100x128xf32>,
    %get3A_309 = arith.constant 9 : index
    %get3A_310 = arith.constant 0 : index
    %get3A_311 = vector.load %arg1[%get3A_309, %get3A_310] : memref<16x512xf32, #tpu.memory_space<vmem>>, vector<1x512xf32>
    %concatenate3A_312 = tpu.concatenate %get3A_311, %broadcast_in_dim3A_8 in 0 : vector<1x512xf32>, vector<1x512xf32> -> vector<2x512xf32>
    %get3A_313 = arith.constant 9 : index
    %get3A_314 = arith.constant 0 : index
    %get3A_315 = vector.load %arg2[%get3A_313, %get3A_314] : memref<16x512xf32, #tpu.memory_space<vmem>>, vector<1x512xf32>
    %concatenate3A_316 = tpu.concatenate %get3A_315, %broadcast_in_dim3A_8 in 0 : vector<1x512xf32>, vector<1x512xf32> -> vector<2x512xf32>
    %dot_general3A_317 = arith.constant dense<0.000000e+00> : vector<64x512xf32>
    %dot_general3A_318 = tpu.matmul %get3A_1, %concatenate3A_312, %dot_general3A_317 {dimension_numbers = #tpu.dot_dimension_numbers<[1], [0], [0], [1], [0, 0, 1, 1], [], []>, transpose_lhs_hint = false} : vector<64x2xf32>, vector<2x512xf32>, vector<64x512xf32> -> vector<64x512xf32>
    %dot_general3A_319 = arith.constant dense<0.000000e+00> : vector<64x512xf32>
    %dot_general3A_320 = tpu.matmul %get3A_1, %concatenate3A_316, %dot_general3A_319 {dimension_numbers = #tpu.dot_dimension_numbers<[1], [0], [0], [1], [0, 0, 1, 1], [], []>, transpose_lhs_hint = false} : vector<64x2xf32>, vector<2x512xf32>, vector<64x512xf32> -> vector<64x512xf32>
    %max3A_321 = arith.constant 0.000000e+00 : f32
    %max3A_322 = vector.broadcast %max3A_321 : f32 to vector<64x512xf32>
    %max3A_323 = arith.maximumf %dot_general3A_318, %max3A_322 : vector<64x512xf32>
    %max3A_324 = arith.constant 0.000000e+00 : f32
    %max3A_325 = vector.broadcast %max3A_324 : f32 to vector<64x512xf32>
    %max3A_326 = arith.maximumf %dot_general3A_320, %max3A_325 : vector<64x512xf32>
    %add3A_327 = arith.addf %max3A_323, %max3A_326 : vector<64x512xf32>
    %dot_general3A_328 = arith.constant dense<0.000000e+00> : vector<512x64xf32>
    %dot_general3A_329 = tpu.matmul %add3A_327, %get3A_4, %dot_general3A_328 {dimension_numbers = #tpu.dot_dimension_numbers<[0], [0], [1], [1], [0, 1, 1, 1], [], []>, transpose_lhs_hint = false} : vector<64x512xf32>, vector<64x64xf32>, vector<512x64xf32> -> vector<512x64xf32>
    %slice3A_330 = vector.extract_strided_slice %dot_general3A_329 {offsets = [0, 0], sizes = [256, 64], strides = [1, 1]} : vector<512x64xf32> to vector<256x64xf32>
    %slice3A_331 = vector.extract_strided_slice %dot_general3A_329 {offsets = [256, 0], sizes = [256, 64], strides = [1, 1]} : vector<512x64xf32> to vector<256x64xf32>
    %concatenate3A_332 = tpu.concatenate %slice3A_330, %slice3A_331 in 1 : vector<256x64xf32>, vector<256x64xf32> -> vector<256x128xf32>
    %add3A_333 = vector.broadcast %get3A_7 : vector<1x128xf32> to vector<256x128xf32>
    %add3A_334 = arith.addf %concatenate3A_332, %add3A_333 : vector<256x128xf32>
    %slice3A_335 = vector.extract_strided_slice %add3A_334 {offsets = [0, 0], sizes = [100, 128], strides = [1, 1]} : vector<256x128xf32> to vector<100x128xf32>
    %swap3A_336 = arith.constant 900 : index
    %swap3A_337 = arith.constant 0 : index
    %swap3A_338 = vector.load %arg6[%swap3A_336, %swap3A_337] : memref<1600x128xf32, #tpu.memory_space<vmem>>, vector<100x128xf32>
    tpu.vector_store %arg6[%swap3A_336, %swap3A_337], %slice3A_335 {strides = array<i32>} : memref<1600x128xf32, #tpu.memory_space<vmem>>, vector<100x128xf32>,
    %slice3A_339 = vector.extract_strided_slice %add3A_334 {offsets = [100, 0], sizes = [100, 128], strides = [1, 1]} : vector<256x128xf32> to vector<100x128xf32>
    %swap3A_340 = arith.constant 900 : index
    %swap3A_341 = arith.constant 0 : index
    %swap3A_342 = vector.load %arg7[%swap3A_340, %swap3A_341] : memref<1600x128xf32, #tpu.memory_space<vmem>>, vector<100x128xf32>
    tpu.vector_store %arg7[%swap3A_340, %swap3A_341], %slice3A_339 {strides = array<i32>} : memref<1600x128xf32, #tpu.memory_space<vmem>>, vector<100x128xf32>,
    %get3A_343 = arith.constant 10 : index
    %get3A_344 = arith.constant 0 : index
    %get3A_345 = vector.load %arg1[%get3A_343, %get3A_344] : memref<16x512xf32, #tpu.memory_space<vmem>>, vector<1x512xf32>
    %concatenate3A_346 = tpu.concatenate %get3A_345, %broadcast_in_dim3A_8 in 0 : vector<1x512xf32>, vector<1x512xf32> -> vector<2x512xf32>
    %get3A_347 = arith.constant 10 : index
    %get3A_348 = arith.constant 0 : index
    %get3A_349 = vector.load %arg2[%get3A_347, %get3A_348] : memref<16x512xf32, #tpu.memory_space<vmem>>, vector<1x512xf32>
    %concatenate3A_350 = tpu.concatenate %get3A_349, %broadcast_in_dim3A_8 in 0 : vector<1x512xf32>, vector<1x512xf32> -> vector<2x512xf32>
    %dot_general3A_351 = arith.constant dense<0.000000e+00> : vector<64x512xf32>
    %dot_general3A_352 = tpu.matmul %get3A_1, %concatenate3A_346, %dot_general3A_351 {dimension_numbers = #tpu.dot_dimension_numbers<[1], [0], [0], [1], [0, 0, 1, 1], [], []>, transpose_lhs_hint = false} : vector<64x2xf32>, vector<2x512xf32>, vector<64x512xf32> -> vector<64x512xf32>
    %dot_general3A_353 = arith.constant dense<0.000000e+00> : vector<64x512xf32>
    %dot_general3A_354 = tpu.matmul %get3A_1, %concatenate3A_350, %dot_general3A_353 {dimension_numbers = #tpu.dot_dimension_numbers<[1], [0], [0], [1], [0, 0, 1, 1], [], []>, transpose_lhs_hint = false} : vector<64x2xf32>, vector<2x512xf32>, vector<64x512xf32> -> vector<64x512xf32>
    %max3A_355 = arith.constant 0.000000e+00 : f32
    %max3A_356 = vector.broadcast %max3A_355 : f32 to vector<64x512xf32>
    %max3A_357 = arith.maximumf %dot_general3A_352, %max3A_356 : vector<64x512xf32>
    %max3A_358 = arith.constant 0.000000e+00 : f32
    %max3A_359 = vector.broadcast %max3A_358 : f32 to vector<64x512xf32>
    %max3A_360 = arith.maximumf %dot_general3A_354, %max3A_359 : vector<64x512xf32>
    %add3A_361 = arith.addf %max3A_357, %max3A_360 : vector<64x512xf32>
    %dot_general3A_362 = arith.constant dense<0.000000e+00> : vector<512x64xf32>
    %dot_general3A_363 = tpu.matmul %add3A_361, %get3A_4, %dot_general3A_362 {dimension_numbers = #tpu.dot_dimension_numbers<[0], [0], [1], [1], [0, 1, 1, 1], [], []>, transpose_lhs_hint = false} : vector<64x512xf32>, vector<64x64xf32>, vector<512x64xf32> -> vector<512x64xf32>
    %slice3A_364 = vector.extract_strided_slice %dot_general3A_363 {offsets = [0, 0], sizes = [256, 64], strides = [1, 1]} : vector<512x64xf32> to vector<256x64xf32>
    %slice3A_365 = vector.extract_strided_slice %dot_general3A_363 {offsets = [256, 0], sizes = [256, 64], strides = [1, 1]} : vector<512x64xf32> to vector<256x64xf32>
    %concatenate3A_366 = tpu.concatenate %slice3A_364, %slice3A_365 in 1 : vector<256x64xf32>, vector<256x64xf32> -> vector<256x128xf32>
    %add3A_367 = vector.broadcast %get3A_7 : vector<1x128xf32> to vector<256x128xf32>
    %add3A_368 = arith.addf %concatenate3A_366, %add3A_367 : vector<256x128xf32>
    %slice3A_369 = vector.extract_strided_slice %add3A_368 {offsets = [0, 0], sizes = [100, 128], strides = [1, 1]} : vector<256x128xf32> to vector<100x128xf32>
    %swap3A_370 = arith.constant 1000 : index
    %swap3A_371 = arith.constant 0 : index
    %swap3A_372 = vector.load %arg6[%swap3A_370, %swap3A_371] : memref<1600x128xf32, #tpu.memory_space<vmem>>, vector<100x128xf32>
    tpu.vector_store %arg6[%swap3A_370, %swap3A_371], %slice3A_369 {strides = array<i32>} : memref<1600x128xf32, #tpu.memory_space<vmem>>, vector<100x128xf32>,
    %slice3A_373 = vector.extract_strided_slice %add3A_368 {offsets = [100, 0], sizes = [100, 128], strides = [1, 1]} : vector<256x128xf32> to vector<100x128xf32>
    %swap3A_374 = arith.constant 1000 : index
    %swap3A_375 = arith.constant 0 : index
    %swap3A_376 = vector.load %arg7[%swap3A_374, %swap3A_375] : memref<1600x128xf32, #tpu.memory_space<vmem>>, vector<100x128xf32>
    tpu.vector_store %arg7[%swap3A_374, %swap3A_375], %slice3A_373 {strides = array<i32>} : memref<1600x128xf32, #tpu.memory_space<vmem>>, vector<100x128xf32>,
    %get3A_377 = arith.constant 11 : index
    %get3A_378 = arith.constant 0 : index
    %get3A_379 = vector.load %arg1[%get3A_377, %get3A_378] : memref<16x512xf32, #tpu.memory_space<vmem>>, vector<1x512xf32>
    %concatenate3A_380 = tpu.concatenate %get3A_379, %broadcast_in_dim3A_8 in 0 : vector<1x512xf32>, vector<1x512xf32> -> vector<2x512xf32>
    %get3A_381 = arith.constant 11 : index
    %get3A_382 = arith.constant 0 : index
    %get3A_383 = vector.load %arg2[%get3A_381, %get3A_382] : memref<16x512xf32, #tpu.memory_space<vmem>>, vector<1x512xf32>
    %concatenate3A_384 = tpu.concatenate %get3A_383, %broadcast_in_dim3A_8 in 0 : vector<1x512xf32>, vector<1x512xf32> -> vector<2x512xf32>
    %dot_general3A_385 = arith.constant dense<0.000000e+00> : vector<64x512xf32>
    %dot_general3A_386 = tpu.matmul %get3A_1, %concatenate3A_380, %dot_general3A_385 {dimension_numbers = #tpu.dot_dimension_numbers<[1], [0], [0], [1], [0, 0, 1, 1], [], []>, transpose_lhs_hint = false} : vector<64x2xf32>, vector<2x512xf32>, vector<64x512xf32> -> vector<64x512xf32>
    %dot_general3A_387 = arith.constant dense<0.000000e+00> : vector<64x512xf32>
    %dot_general3A_388 = tpu.matmul %get3A_1, %concatenate3A_384, %dot_general3A_387 {dimension_numbers = #tpu.dot_dimension_numbers<[1], [0], [0], [1], [0, 0, 1, 1], [], []>, transpose_lhs_hint = false} : vector<64x2xf32>, vector<2x512xf32>, vector<64x512xf32> -> vector<64x512xf32>
    %max3A_389 = arith.constant 0.000000e+00 : f32
    %max3A_390 = vector.broadcast %max3A_389 : f32 to vector<64x512xf32>
    %max3A_391 = arith.maximumf %dot_general3A_386, %max3A_390 : vector<64x512xf32>
    %max3A_392 = arith.constant 0.000000e+00 : f32
    %max3A_393 = vector.broadcast %max3A_392 : f32 to vector<64x512xf32>
    %max3A_394 = arith.maximumf %dot_general3A_388, %max3A_393 : vector<64x512xf32>
    %add3A_395 = arith.addf %max3A_391, %max3A_394 : vector<64x512xf32>
    %dot_general3A_396 = arith.constant dense<0.000000e+00> : vector<512x64xf32>
    %dot_general3A_397 = tpu.matmul %add3A_395, %get3A_4, %dot_general3A_396 {dimension_numbers = #tpu.dot_dimension_numbers<[0], [0], [1], [1], [0, 1, 1, 1], [], []>, transpose_lhs_hint = false} : vector<64x512xf32>, vector<64x64xf32>, vector<512x64xf32> -> vector<512x64xf32>
    %slice3A_398 = vector.extract_strided_slice %dot_general3A_397 {offsets = [0, 0], sizes = [256, 64], strides = [1, 1]} : vector<512x64xf32> to vector<256x64xf32>
    %slice3A_399 = vector.extract_strided_slice %dot_general3A_397 {offsets = [256, 0], sizes = [256, 64], strides = [1, 1]} : vector<512x64xf32> to vector<256x64xf32>
    %concatenate3A_400 = tpu.concatenate %slice3A_398, %slice3A_399 in 1 : vector<256x64xf32>, vector<256x64xf32> -> vector<256x128xf32>
    %add3A_401 = vector.broadcast %get3A_7 : vector<1x128xf32> to vector<256x128xf32>
    %add3A_402 = arith.addf %concatenate3A_400, %add3A_401 : vector<256x128xf32>
    %slice3A_403 = vector.extract_strided_slice %add3A_402 {offsets = [0, 0], sizes = [100, 128], strides = [1, 1]} : vector<256x128xf32> to vector<100x128xf32>
    %swap3A_404 = arith.constant 1100 : index
    %swap3A_405 = arith.constant 0 : index
    %swap3A_406 = vector.load %arg6[%swap3A_404, %swap3A_405] : memref<1600x128xf32, #tpu.memory_space<vmem>>, vector<100x128xf32>
    tpu.vector_store %arg6[%swap3A_404, %swap3A_405], %slice3A_403 {strides = array<i32>} : memref<1600x128xf32, #tpu.memory_space<vmem>>, vector<100x128xf32>,
    %slice3A_407 = vector.extract_strided_slice %add3A_402 {offsets = [100, 0], sizes = [100, 128], strides = [1, 1]} : vector<256x128xf32> to vector<100x128xf32>
    %swap3A_408 = arith.constant 1100 : index
    %swap3A_409 = arith.constant 0 : index
    %swap3A_410 = vector.load %arg7[%swap3A_408, %swap3A_409] : memref<1600x128xf32, #tpu.memory_space<vmem>>, vector<100x128xf32>
    tpu.vector_store %arg7[%swap3A_408, %swap3A_409], %slice3A_407 {strides = array<i32>} : memref<1600x128xf32, #tpu.memory_space<vmem>>, vector<100x128xf32>,
    %get3A_411 = arith.constant 12 : index
    %get3A_412 = arith.constant 0 : index
    %get3A_413 = vector.load %arg1[%get3A_411, %get3A_412] : memref<16x512xf32, #tpu.memory_space<vmem>>, vector<1x512xf32>
    %concatenate3A_414 = tpu.concatenate %get3A_413, %broadcast_in_dim3A_8 in 0 : vector<1x512xf32>, vector<1x512xf32> -> vector<2x512xf32>
    %get3A_415 = arith.constant 12 : index
    %get3A_416 = arith.constant 0 : index
    %get3A_417 = vector.load %arg2[%get3A_415, %get3A_416] : memref<16x512xf32, #tpu.memory_space<vmem>>, vector<1x512xf32>
    %concatenate3A_418 = tpu.concatenate %get3A_417, %broadcast_in_dim3A_8 in 0 : vector<1x512xf32>, vector<1x512xf32> -> vector<2x512xf32>
    %dot_general3A_419 = arith.constant dense<0.000000e+00> : vector<64x512xf32>
    %dot_general3A_420 = tpu.matmul %get3A_1, %concatenate3A_414, %dot_general3A_419 {dimension_numbers = #tpu.dot_dimension_numbers<[1], [0], [0], [1], [0, 0, 1, 1], [], []>, transpose_lhs_hint = false} : vector<64x2xf32>, vector<2x512xf32>, vector<64x512xf32> -> vector<64x512xf32>
    %dot_general3A_421 = arith.constant dense<0.000000e+00> : vector<64x512xf32>
    %dot_general3A_422 = tpu.matmul %get3A_1, %concatenate3A_418, %dot_general3A_421 {dimension_numbers = #tpu.dot_dimension_numbers<[1], [0], [0], [1], [0, 0, 1, 1], [], []>, transpose_lhs_hint = false} : vector<64x2xf32>, vector<2x512xf32>, vector<64x512xf32> -> vector<64x512xf32>
    %max3A_423 = arith.constant 0.000000e+00 : f32
    %max3A_424 = vector.broadcast %max3A_423 : f32 to vector<64x512xf32>
    %max3A_425 = arith.maximumf %dot_general3A_420, %max3A_424 : vector<64x512xf32>
    %max3A_426 = arith.constant 0.000000e+00 : f32
    %max3A_427 = vector.broadcast %max3A_426 : f32 to vector<64x512xf32>
    %max3A_428 = arith.maximumf %dot_general3A_422, %max3A_427 : vector<64x512xf32>
    %add3A_429 = arith.addf %max3A_425, %max3A_428 : vector<64x512xf32>
    %dot_general3A_430 = arith.constant dense<0.000000e+00> : vector<512x64xf32>
    %dot_general3A_431 = tpu.matmul %add3A_429, %get3A_4, %dot_general3A_430 {dimension_numbers = #tpu.dot_dimension_numbers<[0], [0], [1], [1], [0, 1, 1, 1], [], []>, transpose_lhs_hint = false} : vector<64x512xf32>, vector<64x64xf32>, vector<512x64xf32> -> vector<512x64xf32>
    %slice3A_432 = vector.extract_strided_slice %dot_general3A_431 {offsets = [0, 0], sizes = [256, 64], strides = [1, 1]} : vector<512x64xf32> to vector<256x64xf32>
    %slice3A_433 = vector.extract_strided_slice %dot_general3A_431 {offsets = [256, 0], sizes = [256, 64], strides = [1, 1]} : vector<512x64xf32> to vector<256x64xf32>
    %concatenate3A_434 = tpu.concatenate %slice3A_432, %slice3A_433 in 1 : vector<256x64xf32>, vector<256x64xf32> -> vector<256x128xf32>
    %add3A_435 = vector.broadcast %get3A_7 : vector<1x128xf32> to vector<256x128xf32>
    %add3A_436 = arith.addf %concatenate3A_434, %add3A_435 : vector<256x128xf32>
    %slice3A_437 = vector.extract_strided_slice %add3A_436 {offsets = [0, 0], sizes = [100, 128], strides = [1, 1]} : vector<256x128xf32> to vector<100x128xf32>
    %swap3A_438 = arith.constant 1200 : index
    %swap3A_439 = arith.constant 0 : index
    %swap3A_440 = vector.load %arg6[%swap3A_438, %swap3A_439] : memref<1600x128xf32, #tpu.memory_space<vmem>>, vector<100x128xf32>
    tpu.vector_store %arg6[%swap3A_438, %swap3A_439], %slice3A_437 {strides = array<i32>} : memref<1600x128xf32, #tpu.memory_space<vmem>>, vector<100x128xf32>,
    %slice3A_441 = vector.extract_strided_slice %add3A_436 {offsets = [100, 0], sizes = [100, 128], strides = [1, 1]} : vector<256x128xf32> to vector<100x128xf32>
    %swap3A_442 = arith.constant 1200 : index
    %swap3A_443 = arith.constant 0 : index
    %swap3A_444 = vector.load %arg7[%swap3A_442, %swap3A_443] : memref<1600x128xf32, #tpu.memory_space<vmem>>, vector<100x128xf32>
    tpu.vector_store %arg7[%swap3A_442, %swap3A_443], %slice3A_441 {strides = array<i32>} : memref<1600x128xf32, #tpu.memory_space<vmem>>, vector<100x128xf32>,
    %get3A_445 = arith.constant 13 : index
    %get3A_446 = arith.constant 0 : index
    %get3A_447 = vector.load %arg1[%get3A_445, %get3A_446] : memref<16x512xf32, #tpu.memory_space<vmem>>, vector<1x512xf32>
    %concatenate3A_448 = tpu.concatenate %get3A_447, %broadcast_in_dim3A_8 in 0 : vector<1x512xf32>, vector<1x512xf32> -> vector<2x512xf32>
    %get3A_449 = arith.constant 13 : index
    %get3A_450 = arith.constant 0 : index
    %get3A_451 = vector.load %arg2[%get3A_449, %get3A_450] : memref<16x512xf32, #tpu.memory_space<vmem>>, vector<1x512xf32>
    %concatenate3A_452 = tpu.concatenate %get3A_451, %broadcast_in_dim3A_8 in 0 : vector<1x512xf32>, vector<1x512xf32> -> vector<2x512xf32>
    %dot_general3A_453 = arith.constant dense<0.000000e+00> : vector<64x512xf32>
    %dot_general3A_454 = tpu.matmul %get3A_1, %concatenate3A_448, %dot_general3A_453 {dimension_numbers = #tpu.dot_dimension_numbers<[1], [0], [0], [1], [0, 0, 1, 1], [], []>, transpose_lhs_hint = false} : vector<64x2xf32>, vector<2x512xf32>, vector<64x512xf32> -> vector<64x512xf32>
    %dot_general3A_455 = arith.constant dense<0.000000e+00> : vector<64x512xf32>
    %dot_general3A_456 = tpu.matmul %get3A_1, %concatenate3A_452, %dot_general3A_455 {dimension_numbers = #tpu.dot_dimension_numbers<[1], [0], [0], [1], [0, 0, 1, 1], [], []>, transpose_lhs_hint = false} : vector<64x2xf32>, vector<2x512xf32>, vector<64x512xf32> -> vector<64x512xf32>
    %max3A_457 = arith.constant 0.000000e+00 : f32
    %max3A_458 = vector.broadcast %max3A_457 : f32 to vector<64x512xf32>
    %max3A_459 = arith.maximumf %dot_general3A_454, %max3A_458 : vector<64x512xf32>
    %max3A_460 = arith.constant 0.000000e+00 : f32
    %max3A_461 = vector.broadcast %max3A_460 : f32 to vector<64x512xf32>
    %max3A_462 = arith.maximumf %dot_general3A_456, %max3A_461 : vector<64x512xf32>
    %add3A_463 = arith.addf %max3A_459, %max3A_462 : vector<64x512xf32>
    %dot_general3A_464 = arith.constant dense<0.000000e+00> : vector<512x64xf32>
    %dot_general3A_465 = tpu.matmul %add3A_463, %get3A_4, %dot_general3A_464 {dimension_numbers = #tpu.dot_dimension_numbers<[0], [0], [1], [1], [0, 1, 1, 1], [], []>, transpose_lhs_hint = false} : vector<64x512xf32>, vector<64x64xf32>, vector<512x64xf32> -> vector<512x64xf32>
    %slice3A_466 = vector.extract_strided_slice %dot_general3A_465 {offsets = [0, 0], sizes = [256, 64], strides = [1, 1]} : vector<512x64xf32> to vector<256x64xf32>
    %slice3A_467 = vector.extract_strided_slice %dot_general3A_465 {offsets = [256, 0], sizes = [256, 64], strides = [1, 1]} : vector<512x64xf32> to vector<256x64xf32>
    %concatenate3A_468 = tpu.concatenate %slice3A_466, %slice3A_467 in 1 : vector<256x64xf32>, vector<256x64xf32> -> vector<256x128xf32>
    %add3A_469 = vector.broadcast %get3A_7 : vector<1x128xf32> to vector<256x128xf32>
    %add3A_470 = arith.addf %concatenate3A_468, %add3A_469 : vector<256x128xf32>
    %slice3A_471 = vector.extract_strided_slice %add3A_470 {offsets = [0, 0], sizes = [100, 128], strides = [1, 1]} : vector<256x128xf32> to vector<100x128xf32>
    %swap3A_472 = arith.constant 1300 : index
    %swap3A_473 = arith.constant 0 : index
    %swap3A_474 = vector.load %arg6[%swap3A_472, %swap3A_473] : memref<1600x128xf32, #tpu.memory_space<vmem>>, vector<100x128xf32>
    tpu.vector_store %arg6[%swap3A_472, %swap3A_473], %slice3A_471 {strides = array<i32>} : memref<1600x128xf32, #tpu.memory_space<vmem>>, vector<100x128xf32>,
    %slice3A_475 = vector.extract_strided_slice %add3A_470 {offsets = [100, 0], sizes = [100, 128], strides = [1, 1]} : vector<256x128xf32> to vector<100x128xf32>
    %swap3A_476 = arith.constant 1300 : index
    %swap3A_477 = arith.constant 0 : index
    %swap3A_478 = vector.load %arg7[%swap3A_476, %swap3A_477] : memref<1600x128xf32, #tpu.memory_space<vmem>>, vector<100x128xf32>
    tpu.vector_store %arg7[%swap3A_476, %swap3A_477], %slice3A_475 {strides = array<i32>} : memref<1600x128xf32, #tpu.memory_space<vmem>>, vector<100x128xf32>,
    %get3A_479 = arith.constant 14 : index
    %get3A_480 = arith.constant 0 : index
    %get3A_481 = vector.load %arg1[%get3A_479, %get3A_480] : memref<16x512xf32, #tpu.memory_space<vmem>>, vector<1x512xf32>
    %concatenate3A_482 = tpu.concatenate %get3A_481, %broadcast_in_dim3A_8 in 0 : vector<1x512xf32>, vector<1x512xf32> -> vector<2x512xf32>
    %get3A_483 = arith.constant 14 : index
    %get3A_484 = arith.constant 0 : index
    %get3A_485 = vector.load %arg2[%get3A_483, %get3A_484] : memref<16x512xf32, #tpu.memory_space<vmem>>, vector<1x512xf32>
    %concatenate3A_486 = tpu.concatenate %get3A_485, %broadcast_in_dim3A_8 in 0 : vector<1x512xf32>, vector<1x512xf32> -> vector<2x512xf32>
    %dot_general3A_487 = arith.constant dense<0.000000e+00> : vector<64x512xf32>
    %dot_general3A_488 = tpu.matmul %get3A_1, %concatenate3A_482, %dot_general3A_487 {dimension_numbers = #tpu.dot_dimension_numbers<[1], [0], [0], [1], [0, 0, 1, 1], [], []>, transpose_lhs_hint = false} : vector<64x2xf32>, vector<2x512xf32>, vector<64x512xf32> -> vector<64x512xf32>
    %dot_general3A_489 = arith.constant dense<0.000000e+00> : vector<64x512xf32>
    %dot_general3A_490 = tpu.matmul %get3A_1, %concatenate3A_486, %dot_general3A_489 {dimension_numbers = #tpu.dot_dimension_numbers<[1], [0], [0], [1], [0, 0, 1, 1], [], []>, transpose_lhs_hint = false} : vector<64x2xf32>, vector<2x512xf32>, vector<64x512xf32> -> vector<64x512xf32>
    %max3A_491 = arith.constant 0.000000e+00 : f32
    %max3A_492 = vector.broadcast %max3A_491 : f32 to vector<64x512xf32>
    %max3A_493 = arith.maximumf %dot_general3A_488, %max3A_492 : vector<64x512xf32>
    %max3A_494 = arith.constant 0.000000e+00 : f32
    %max3A_495 = vector.broadcast %max3A_494 : f32 to vector<64x512xf32>
    %max3A_496 = arith.maximumf %dot_general3A_490, %max3A_495 : vector<64x512xf32>
    %add3A_497 = arith.addf %max3A_493, %max3A_496 : vector<64x512xf32>
    %dot_general3A_498 = arith.constant dense<0.000000e+00> : vector<512x64xf32>
    %dot_general3A_499 = tpu.matmul %add3A_497, %get3A_4, %dot_general3A_498 {dimension_numbers = #tpu.dot_dimension_numbers<[0], [0], [1], [1], [0, 1, 1, 1], [], []>, transpose_lhs_hint = false} : vector<64x512xf32>, vector<64x64xf32>, vector<512x64xf32> -> vector<512x64xf32>
    %slice3A_500 = vector.extract_strided_slice %dot_general3A_499 {offsets = [0, 0], sizes = [256, 64], strides = [1, 1]} : vector<512x64xf32> to vector<256x64xf32>
    %slice3A_501 = vector.extract_strided_slice %dot_general3A_499 {offsets = [256, 0], sizes = [256, 64], strides = [1, 1]} : vector<512x64xf32> to vector<256x64xf32>
    %concatenate3A_502 = tpu.concatenate %slice3A_500, %slice3A_501 in 1 : vector<256x64xf32>, vector<256x64xf32> -> vector<256x128xf32>
    %add3A_503 = vector.broadcast %get3A_7 : vector<1x128xf32> to vector<256x128xf32>
    %add3A_504 = arith.addf %concatenate3A_502, %add3A_503 : vector<256x128xf32>
    %slice3A_505 = vector.extract_strided_slice %add3A_504 {offsets = [0, 0], sizes = [100, 128], strides = [1, 1]} : vector<256x128xf32> to vector<100x128xf32>
    %swap3A_506 = arith.constant 1400 : index
    %swap3A_507 = arith.constant 0 : index
    %swap3A_508 = vector.load %arg6[%swap3A_506, %swap3A_507] : memref<1600x128xf32, #tpu.memory_space<vmem>>, vector<100x128xf32>
    tpu.vector_store %arg6[%swap3A_506, %swap3A_507], %slice3A_505 {strides = array<i32>} : memref<1600x128xf32, #tpu.memory_space<vmem>>, vector<100x128xf32>,
    %slice3A_509 = vector.extract_strided_slice %add3A_504 {offsets = [100, 0], sizes = [100, 128], strides = [1, 1]} : vector<256x128xf32> to vector<100x128xf32>
    %swap3A_510 = arith.constant 1400 : index
    %swap3A_511 = arith.constant 0 : index
    %swap3A_512 = vector.load %arg7[%swap3A_510, %swap3A_511] : memref<1600x128xf32, #tpu.memory_space<vmem>>, vector<100x128xf32>
    tpu.vector_store %arg7[%swap3A_510, %swap3A_511], %slice3A_509 {strides = array<i32>} : memref<1600x128xf32, #tpu.memory_space<vmem>>, vector<100x128xf32>,
    %get3A_513 = arith.constant 15 : index
    %get3A_514 = arith.constant 0 : index
    %get3A_515 = vector.load %arg1[%get3A_513, %get3A_514] : memref<16x512xf32, #tpu.memory_space<vmem>>, vector<1x512xf32>
    %concatenate3A_516 = tpu.concatenate %get3A_515, %broadcast_in_dim3A_8 in 0 : vector<1x512xf32>, vector<1x512xf32> -> vector<2x512xf32>
    %get3A_517 = arith.constant 15 : index
    %get3A_518 = arith.constant 0 : index
    %get3A_519 = vector.load %arg2[%get3A_517, %get3A_518] : memref<16x512xf32, #tpu.memory_space<vmem>>, vector<1x512xf32>
    %concatenate3A_520 = tpu.concatenate %get3A_519, %broadcast_in_dim3A_8 in 0 : vector<1x512xf32>, vector<1x512xf32> -> vector<2x512xf32>
    %dot_general3A_521 = arith.constant dense<0.000000e+00> : vector<64x512xf32>
    %dot_general3A_522 = tpu.matmul %get3A_1, %concatenate3A_516, %dot_general3A_521 {dimension_numbers = #tpu.dot_dimension_numbers<[1], [0], [0], [1], [0, 0, 1, 1], [], []>, transpose_lhs_hint = false} : vector<64x2xf32>, vector<2x512xf32>, vector<64x512xf32> -> vector<64x512xf32>
    %dot_general3A_523 = arith.constant dense<0.000000e+00> : vector<64x512xf32>
    %dot_general3A_524 = tpu.matmul %get3A_1, %concatenate3A_520, %dot_general3A_523 {dimension_numbers = #tpu.dot_dimension_numbers<[1], [0], [0], [1], [0, 0, 1, 1], [], []>, transpose_lhs_hint = false} : vector<64x2xf32>, vector<2x512xf32>, vector<64x512xf32> -> vector<64x512xf32>
    %max3A_525 = arith.constant 0.000000e+00 : f32
    %max3A_526 = vector.broadcast %max3A_525 : f32 to vector<64x512xf32>
    %max3A_527 = arith.maximumf %dot_general3A_522, %max3A_526 : vector<64x512xf32>
    %max3A_528 = arith.constant 0.000000e+00 : f32
    %max3A_529 = vector.broadcast %max3A_528 : f32 to vector<64x512xf32>
    %max3A_530 = arith.maximumf %dot_general3A_524, %max3A_529 : vector<64x512xf32>
    %add3A_531 = arith.addf %max3A_527, %max3A_530 : vector<64x512xf32>
    %dot_general3A_532 = arith.constant dense<0.000000e+00> : vector<512x64xf32>
    %dot_general3A_533 = tpu.matmul %add3A_531, %get3A_4, %dot_general3A_532 {dimension_numbers = #tpu.dot_dimension_numbers<[0], [0], [1], [1], [0, 1, 1, 1], [], []>, transpose_lhs_hint = false} : vector<64x512xf32>, vector<64x64xf32>, vector<512x64xf32> -> vector<512x64xf32>
    %slice3A_534 = vector.extract_strided_slice %dot_general3A_533 {offsets = [0, 0], sizes = [256, 64], strides = [1, 1]} : vector<512x64xf32> to vector<256x64xf32>
    %slice3A_535 = vector.extract_strided_slice %dot_general3A_533 {offsets = [256, 0], sizes = [256, 64], strides = [1, 1]} : vector<512x64xf32> to vector<256x64xf32>
    %concatenate3A_536 = tpu.concatenate %slice3A_534, %slice3A_535 in 1 : vector<256x64xf32>, vector<256x64xf32> -> vector<256x128xf32>
    %add3A_537 = vector.broadcast %get3A_7 : vector<1x128xf32> to vector<256x128xf32>
    %add3A_538 = arith.addf %concatenate3A_536, %add3A_537 : vector<256x128xf32>
    %slice3A_539 = vector.extract_strided_slice %add3A_538 {offsets = [0, 0], sizes = [100, 128], strides = [1, 1]} : vector<256x128xf32> to vector<100x128xf32>
    %swap3A_540 = arith.constant 1500 : index
    %swap3A_541 = arith.constant 0 : index
    %swap3A_542 = vector.load %arg6[%swap3A_540, %swap3A_541] : memref<1600x128xf32, #tpu.memory_space<vmem>>, vector<100x128xf32>
    tpu.vector_store %arg6[%swap3A_540, %swap3A_541], %slice3A_539 {strides = array<i32>} : memref<1600x128xf32, #tpu.memory_space<vmem>>, vector<100x128xf32>,
    %slice3A_543 = vector.extract_strided_slice %add3A_538 {offsets = [100, 0], sizes = [100, 128], strides = [1, 1]} : vector<256x128xf32> to vector<100x128xf32>
    %swap3A_544 = arith.constant 1500 : index
    %swap3A_545 = arith.constant 0 : index
    %swap3A_546 = vector.load %arg7[%swap3A_544, %swap3A_545] : memref<1600x128xf32, #tpu.memory_space<vmem>>, vector<100x128xf32>
    tpu.vector_store %arg7[%swap3A_544, %swap3A_545], %slice3A_543 {strides = array<i32>} : memref<1600x128xf32, #tpu.memory_space<vmem>>, vector<100x128xf32>,
    return
  }
  func.func @transform_0(%arg0: i32) -> (i32, i32) {
    %c0_i32 = arith.constant 0 : i32
    %c0_i32_0 = arith.constant 0 : i32
    return %arg0, %c0_i32 : i32, i32
  }
  func.func @transform_1(%arg0: i32) -> (i32, i32) {
    %c0_i32 = arith.constant 0 : i32
    %c0_i32_0 = arith.constant 0 : i32
    return %arg0, %c0_i32 : i32, i32
  }
  func.func @transform_2(%arg0: i32) -> (i32, i32) {
    %c0_i32 = arith.constant 0 : i32
    %c0_i32_0 = arith.constant 0 : i32
    %c0_i32_1 = arith.constant 0 : i32
    return %c0_i32, %c0_i32_0 : i32, i32
  }
  func.func @transform_3(%arg0: i32) -> (i32, i32) {
    %c0_i32 = arith.constant 0 : i32
    %c0_i32_0 = arith.constant 0 : i32
    %c0_i32_1 = arith.constant 0 : i32
    return %c0_i32, %c0_i32_0 : i32, i32
  }
  func.func @transform_4(%arg0: i32) -> (i32, i32) {
    %c0_i32 = arith.constant 0 : i32
    %c0_i32_0 = arith.constant 0 : i32
    %c0_i32_1 = arith.constant 0 : i32
    return %c0_i32, %c0_i32_0 : i32, i32
  }
  func.func @transform_5(%arg0: i32) -> (i32, i32) {
    %c0_i32 = arith.constant 0 : i32
    %c0_i32_0 = arith.constant 0 : i32
    return %arg0, %c0_i32 : i32, i32
  }
  func.func @transform_6(%arg0: i32) -> (i32, i32) {
    %c0_i32 = arith.constant 0 : i32
    %c0_i32_0 = arith.constant 0 : i32
    return %arg0, %c0_i32 : i32, i32
  }
}

</mosaic_0001>

<sc_bundles>
// kernel: kernel.4.cloned.1.call-start
scs
__scs_entry_jumppad:
0x0: {  	(pc) =	sbr.rel $0x88, $3  }
0x1: {  	(tag) =	ssettag $0x0;
	lr =	simm.s32 $0x1  }
0x2: {  	[smem:$0x3F9B] =	sst lr;
	_ =	strace $0xD0000000  }
0x3: {  	_ = 	snop  }
0x4: {  	_ = 	snop  }
0x5: {  	_ = 	snop  }
0x6: {  	_ = 	snop  }
0x7: {  	_ = 	snop  }
__scs_overlays_trampoline_lowered:
0x8: {  	[smem:$0x3FAA] =	sst s0  }
0x9: {  	[smem:$0x3FAB] =	sst s1  }
0xa: {  	[smem:$0x3FAC] =	sst s2  }
0xb: {  	[smem:$0x3FAD] =	sst s3  }
0xc: {  	[smem:$0x3FAE] =	sst s4  }
0xd: {  	[smem:$0x3FAF] =	sst s5  }
0xe: {  	[smem:$0x3FB0] =	sst s6  }
0xf: {  	[smem:$0x3FB1] =	sst s7  }
0x10: {  	[smem:$0x3FB2] =	sst s8  }
0x11: {  	[smem:$0x3FB3] =	sst s9;
	s0 =	simm.s32 @!p0 $0x0  }
0x12: {  	s1 =	sld [smem:$0x3F99];
	s0 =	simm.s32 @p0 $0x1  }
0x13: {  	[smem:$0x3FB4] =	sst s0;
	s0 =	simm.s32 @!p1 $0x0  }
0x14: {  	s2 =	sld [smem:$0x3F98];
	s0 =	simm.s32 @p1 $0x1  }
0x15: {  	[smem:$0x3FB5] =	sst s0;
	s0 =	simm.s32 @!p2 $0x0  }
0x16: {  	s3 =	sld [smem:$0x3FDB];
	s0 =	simm.s32 @p2 $0x1  }
0x17: {  	s4 =	simm.s32 $0x1BF5;
	[smem:$0x3FB7] =	sst s0  }
0x18: {  	s0 =	sld [smem:$0x3F9A];
	_ =	swait.ge [sflag:s4], $0x0  }
0x19: {  	s7 =	sld [smem:$0x3F9B]  }
0x1a: {  	s8 =	sadd.s32 $0xFFFFE003, lr  }
0x1b: {  	s9 =	sadd.s32 $0xFFFFFEF7, lr;
	s5 =	simm.s32 $0xFFFFFFFF;
	p2 =	slt.u32 s8, $0xFFFFF086  }
0x1c: {  	p1 =	slt.u32 s9, $0xF7A;
	s5 =	simm.s32 @!p2 $0x0  }
0x1d: {  	s5 =	simm.s32 @p1 $0x1;
	p0 =	seq.s32 s7, s2  }
0x1e: {  	s7 =	smul.u32 @!p0 $0xF7A, s2;
	p2 =	seq.s32 @!p0 s5, $0x0  }
0x1f: {  	s9 =	smul.u32 $0xF7A, s1;
	s8 =	simm.s32 @!p0 $0x1BF5;
	p2 =	por !p2, p0  }
0x20: {  	[sflag:s8] =	ssyncset.s32 @!p0 $0xFFFFF086;
	s6 =	sadd.s32 @!p0 s3, s7;
	s7 =	simm.s32 @!p0 $0x108  }
0x21: {  	s3 =	sadd.s32 s3, s9;
	s6 =	sadd.s32 @!p0 $0x88, s6;
	s7 =	simm.s32 @p2 $0x1082  }
0x22: {  	[simem:s7], [sflag:s8] =	dma.local @!p0 [hbm:s6], $0xF7A  }
0x23: {  	s9 =	sor.u32 $0xD0000000, s2;
	s6 =	simm.s32 $0x108;
	_ =	swait.ge @!p0 [sflag:s8], $0x0  }
0x24: {  	s3 =	sadd.s32 $0x88, s3;
	s6 =	simm.s32 @!p1 $0x1082;
	[sflag:s4] =	ssyncset.s32 $0xFFFFF086  }
0x25: {  	[simem:s6], [sflag:s4] =	dma.local [hbm:s3], $0xF7A  }
0x26: {  	[smem:$0x3F9B] =	sst s1;
	(tag) =	ssettag s2;
	_ =	strace s9  }
0x27: {  	s1 =	sld [smem:$0x3FAB]  }
0x28: {  	s2 =	sld [smem:$0x3FAC]  }
0x29: {  	s4 =	sld [smem:$0x3FAE]  }
0x2a: {  	p0 =	seq.s32 s5, $0x0;
	s5 =	sld [smem:$0x3FAF]  }
0x2b: {  	s6 =	sld [smem:$0x3FB0]  }
0x2c: {  	s7 =	sld [smem:$0x3FB1]  }
0x2d: {  	s3 =	simm.s32 $0x108;
	s8 =	sld [smem:$0x3FB2]  }
0x2e: {  	s3 =	simm.s32 @!p0 $0x1082;
	s9 =	sld [smem:$0x3FB3]  }
0x2f: {  	lr =	sadd.s32 s0, s3;
	s0 =	sld [smem:$0x3FAA]  }
0x30: {  	s3 =	sld [smem:$0x3FAD]  }
0x31: {  	[smem:$0x3FB6] =	sst s10  }
0x32: {  	s10 =	sld [smem:$0x3FB4];
	_ =	sdelay $0x3  }
0x33: {  	p0 =	seq.s32 s10, $0x1;
	s10 =	sld [smem:$0x3FB6];
	_ =	sdelay $0x3  }
0x34: {  	[smem:$0x3FB6] =	sst s10  }
0x35: {  	s10 =	sld [smem:$0x3FB5];
	_ =	sdelay $0x3  }
0x36: {  	p1 =	seq.s32 s10, $0x1;
	s10 =	sld [smem:$0x3FB6];
	_ =	sdelay $0x3  }
0x37: {  	[smem:$0x3FB6] =	sst s10  }
0x38: {  	s10 =	sld [smem:$0x3FB7]  }
0x39: {  	_ = 	snop;
	(pc) =	sbr.ind lr, $3  }
0x3a: {  	_ = 	snop  }
0x3b: {  	_ = 	snop  }
0x3c: {  	p2 =	seq.s32 s10, $0x1;
	s10 =	sld [smem:$0x3FB6]  }
0x3d: {  	_ =	shalt  }
0x3e: {  	_ =	shalt  }
0x3f: {  	_ =	shalt  }
0x40: {  	_ =	shalt  }
0x41: {  	_ =	shalt  }
0x42: {  	_ =	shalt  }
0x43: {  	_ =	shalt  }
0x44: {  	_ =	shalt  }
0x45: {  	_ =	shalt  }
0x46: {  	_ =	shalt  }
0x47: {  	_ =	shalt  }
0x48: {  	_ =	shalt  }
0x49: {  	_ =	shalt  }
0x4a: {  	_ =	shalt  }
0x4b: {  	_ =	shalt  }
0x4c: {  	_ =	shalt  }
0x4d: {  	_ =	shalt  }
0x4e: {  	_ =	shalt  }
0x4f: {  	_ =	shalt  }
0x50: {  	_ =	shalt  }
0x51: {  	_ =	shalt  }
0x52: {  	_ =	shalt  }
0x53: {  	_ =	shalt  }
0x54: {  	_ =	shalt  }
0x55: {  	_ =	shalt  }
0x56: {  	_ =	shalt  }
0x57: {  	_ =	shalt  }
0x58: {  	_ =	shalt  }
0x59: {  	_ =	shalt  }
0x5a: {  	_ =	shalt  }
0x5b: {  	_ =	shalt  }
0x5c: {  	_ =	shalt  }
0x5d: {  	_ =	shalt  }
0x5e: {  	_ =	shalt  }
0x5f: {  	_ =	shalt  }
0x60: {  	_ =	shalt  }
0x61: {  	_ =	shalt  }
0x62: {  	_ =	shalt  }
0x63: {  	_ =	shalt  }
0x64: {  	_ =	shalt  }
0x65: {  	_ =	shalt  }
0x66: {  	_ =	shalt  }
0x67: {  	_ =	shalt  }
0x68: {  	_ =	shalt  }
0x69: {  	_ =	shalt  }
0x6a: {  	_ =	shalt  }
0x6b: {  	_ =	shalt  }
0x6c: {  	_ =	shalt  }
0x6d: {  	_ =	shalt  }
0x6e: {  	_ =	shalt  }
0x6f: {  	_ =	shalt  }
0x70: {  	_ =	shalt  }
0x71: {  	_ =	shalt  }
0x72: {  	_ =	shalt  }
0x73: {  	_ =	shalt  }
0x74: {  	_ =	shalt  }
0x75: {  	_ =	shalt  }
0x76: {  	_ =	shalt  }
0x77: {  	_ =	shalt  }
0x78: {  	_ =	shalt  }
0x79: {  	_ =	shalt  }
0x7a: {  	_ =	shalt  }
0x7b: {  	_ =	shalt  }
0x7c: {  	_ =	shalt  }
0x7d: {  	_ =	shalt  }
0x7e: {  	_ =	shalt  }
0x7f: {  	_ =	shalt  }
0x80: {  	_ =	shalt  }
0x81: {  	_ =	shalt  }
0x82: {  	_ =	shalt  }
0x83: {  	_ =	shalt  }
0x84: {  	_ =	shalt  }
0x85: {  	_ =	shalt  }
0x86: {  	_ =	shalt  }
0x87: {  	_ =	shalt  }
.Lfunc_end0:
.L_simem_size_0:
called_computation.2_lowered:
.L_overlay_start_0:
0x88: {  	s2 =	sld [smem:$0x3FD9]  }
0x89: {  	s3 =	sld [smem:$0x3FFE];
	_ =	sdelay $0x1  }
0x8a: {  	s1 =	srdreg.scid  }
0x8b: {  	s0 =	sand.u32 $0x1, s1  }
0x8c: {  	s14 =	sshll.u32 s0, $0xA;
	s2 =	sadd.s32 s3, s2  }
0x8d: {  	s2 =	sadd.s32 s2, s14  }
0x8e: {  	[smem:$0x3FC2] =	sst s2  }
0x8f: {  	_ = 	snop  }
0x90: {  	s2 =	sld [smem:$0x3FD0];
	_ =	sdelay $0x2  }
0x91: {  	s15 =	simm.s32 $0xB;
	s4 =	simm.s32 $0x10  }
0x92: {  	[smem:s4], [sflag:s15] =	dma.local [hbm:s2], $0x1  }
0x93: {  	_ =	swait.eq [sflag:s15], $0x1  }
0x94: {  	[sflag:s15] =	ssyncset.done $0x0  }
0x95: {  	s16 =	sld [smem:$0x10];
	[sflag:s15] =	ssyncadd.s32 $0xFFFFFFFF  }
0x96: {  	s17 =	sld [smem:$0x11];
	(tm) =	ssettm $0x1  }
0x97: {  	s18 =	sld [smem:$0x3FFB];
	_ =	sdelay $0x3  }
0x98: {  	_ =	strace s18  }
0x99: {  	s4 =	sld [smem:$0x3FFC];
	_ =	sdelay $0x3  }
0x9a: {  	_ =	strace s4  }
0x9b: {  	s4 =	sld [smem:$0x3FFD];
	_ =	sdelay $0x3  }
0x9c: {  	_ =	strace s4  }
0x9d: {  	_ =	strace $0x8FFFFFFF  }
0x9e: {  	s19 =	sld [smem:$0x3FDB];
	_ =	sdelay $0x1  }
0x9f: {  	s5 =	simm.s32 $_scs_section_size  }
0xa0: {  	s6 =	simm.s32 $_size__tile_overlayer_lowered;
	s7 =	simm.s32 $_tile_overlayer_lowered  }
0xa1: {  	s22 =	simm.s32 $0x1BFF;
	s21 =	sshll.u32 s7, $0x1;
	s4 =	sadd.s32 s5, s19  }
0xa2: {  	s8 =	simm.s32 $0x0;
	s20 =	sshll.u32 s6, $0x1;
	s6 =	sadd.s32 s21, s4  }
0xa3: {  	[timem:s8], [sflag:s22] =	dma.local [hbm:s6], s20  }
0xa4: {  	_ =	swait.ge [sflag:s22], s20  }
0xa5: {  	s5 =	ssub.s32 $0x0, s20;
	[sflag:s22] =	ssyncset.done $0x0  }
0xa6: {  	[sflag:s22] =	ssyncadd.s32 s5;
	_ =	sdelay $0x1  }
0xa7: {  	s23 =	simm.s32 $0x1B8B  }
0xa8: {  	_ =	swait.ge [sflag:s23], $0x1  }
0xa9: {  	[sflag:s23] =	ssyncset.done $0x0  }
0xaa: {  	s25 =	simm.s32 $0x1B8E;
	s24 =	sld [smem:$0x3FFE];
	[sflag:s23] =	ssyncadd.s32 $0xFFFFFFFF  }
0xab: {  	s26 =	simm.s32 $execute0_lowered;
	[smem:$0x3FD2] =	sst s25  }
0xac: {  	s6 =	sshll.u32 s26, $0x1;
	_ =	strace $0x80000046;
	[dreg:$0x1] =	wrdreg $0xFFFFFFFF  }
0xad: {  	s28 =	simm.s32 $_size_execute0_lowered;
	s4 =	sadd.s32 s4, s6;
	[dreg:$0x0] =	wrdreg $0x0  }
0xae: {  	s6 =	sshll.u32 s28, $0x1;
	[dreg:$0x2] =	wrdreg s4  }
0xaf: {  	[dreg:$0x3] =	wrdreg s6  }
0xb0: {  	[dreg:$0x4] =	wrdreg $0xC0  }
0xb1: {  	_ =	task [dreg:s8], $0x5FFFF  }
0xb2: {  	[dreg:$0x1] =	wrdreg $0xFFFFFFFF  }
0xb3: {  	[dreg:$0x0] =	wrdreg $0x60  }
0xb4: {  	[dreg:$0x2] =	wrdreg s16  }
0xb5: {  	[dreg:$0x3] =	wrdreg s24  }
0xb6: {  	[dreg:$0x4] =	wrdreg s17  }
0xb7: {  	[dreg:$0x5] =	wrdreg $0x0  }
0xb8: {  	[dreg:$0x6] =	wrdreg $0x9  }
0xb9: {  	_ =	task.clear_ibuf [dreg:s8], $0x7FFFF;
	_ =	strace $0x90000046  }
0xba: {  	s29 =	simm.s32 $0x9;
	_ =	strace $0x80000048  }
0xbb: {  	_ =	swait.ge [sflag:s29], $0x1  }
0xbc: {  	[sflag:s29] =	ssyncadd.s32 $0xFFFFFFFF  }
0xbd: {  	_ =	strace $0x90000048  }
0xbe: {  	_ =	sfence  }
0xbf: {  	s30 =	sld [smem:$0x0];
	_ =	sdelay $0x2  }
0xc0: {  	s31 =	sshll.u32 s1, $0xD;
	s1 =	sshrl.u32 s1, $0x2  }
0xc1: {  	s3 =	sand.u32 $0x4000, s31;
	s1 =	sadd.s32 s1, s30  }
0xc2: {  	s0 =	sor.u32 s3, s0;
	s1 =	sshll.u32 s1, $0x11  }
0xc3: {  	s0 =	sor.u32 s1, s0  }
0xc4: {  	s0 =	sadd.s32 $0x8F2B, s0  }
0xc5: {  	[sflag:s0] =	ssyncadd.remote.s32 $0x1  }
0xc6: {  	_ =	sfence.sel $0xFFFF  }
0xc7: {  	[dreg:$0x0] =	wrdreg $0xFFFFFFFF;
	(pc) =	sbr.abs _section_cstart, $3  }
0xc8: {  	[dreg:$0x1] =	wrdreg $0xFFFFFFFF  }
0xc9: {  	_ =	task.clear_ibuf [dreg:s8], $0x2FFFF;
	_ =	strace $0x9FFFFFFF  }
0xca: {  	(tm) =	ssettm $0x7FFFFFFF  }
0xcb: {  	_ =	shalt  }
tec
execute0_lowered:
.L_overlay_start_1:
0x0: {  	(tag) =	ssettag $0x1  }
0x1: {  	s0 =	rddreg [dreg:$0x0]  }
0x2: {  	s5 =	rddreg [dreg:$0x1]  }
0x3: {  	s7 =	rddreg [dreg:$0x2]  }
0x4: {  	s1 =	rddreg [dreg:$0x3]  }
0x5: {  	s2 =	simm.s32 $0x0;
	s3 =	srdreg.scid;
	s26 =	stileid.u32  }
0x6: {  	s12 =	simm.s32 $0x186A0;
	s13 =	simm.s32 $0x80;
	s14 =	simm.s32 $0x18CA0  }
0x7: {  	s15 =	simm.s32 $0x18D20;
	s16 =	simm.s32 $0x18B20;
	s17 =	simm.s32 $0x18DA0  }
0x8: {  	s18 =	simm.s32 $0x18BA0;
	s19 =	simm.s32 $0x18E20;
	s20 =	simm.s32 $0x18C20  }
0x9: {  	s21 =	simm.s32 $0x18920;
	s22 =	simm.s32 $0x189A0;
	s23 =	simm.s32 $0x18A20  }
0xa: {  	s24 =	simm.s32 $0x18EA0;
	s25 =	simm.s32 $0x18F20;
	s28 =	simm.s32 $0x19020  }
0xb: {  	s30 =	simm.s32 $0x192A0;
	s31 =	simm.s32 $0x0;
	[smem:$0x7FF] =	sst s2  }
0xc: {  	s4 =	sadd.s32 $0x1E00, s5;
	s6 =	sand.u32 $0x1, s3;
	s11 =	sshll.u32 s26, $0xB  }
0xd: {  	s29 =	smul.u32 $0x186A0, s26;
	s26 =	simm.s32 $0x18FA0;
	s8 =	sshll.u32 s6, $0xF  }
0xe: {  	_ =	strace $0x80000047;
	s6 =	ssub.s32 $0x2, s6;
	s9 =	sadd.s32 s8, s5  }
0xf: {  	s10 =	sshrl.u32 s6, $0x1;
	s5 =	sadd.s32 $0x2000, s5;
	s7 =	sadd.s32 s8, s7  }
0x10: {  	s0 =	sadd.s32 s8, s0;
	v0 =	vmov s29;
	s29 =	simm.s32 $0x190A0;
	s6 =	ssub.s32 s6, s10  }
0x11: {  	s9 =	sadd.s32 s11, s9;
	s7 =	sadd.s32 s11, s7;
	s8 =	sadd.s32 s11, s0  }
0x12: {  	s10 =	simm.s32 $0x1;
	s11 =	simm.s32 $0x18AA0;
	s9 =	sadd.s32 $0x2200, s9  }
0x13: {  	s6 =	smax.u32 s6, $0x1;
	[dreg:$0x5] =	wrdreg s9;
	s9 =	simm.s32 $0x188A0  }
.LBB2_1:
0x14: {  	[tilespmem:s9], [sflag:$0x1] =	stream.linear.gather [hbm4b:s4+s2], $0x200, $0x38;
	[tilespmem:$0x194A0] =	vst v63  }
0x15: {  	_ =	swait.ge [sflag:s10], $0x200  }
0x16: {  	[sflag:s10] =	ssyncset.done $0x0  }
0x17: {  	[sflag:s10] =	ssyncadd.s32 $0xFFFFFE00  }
0x18: {  	[tilespmem:s11], [sflag:$0x1] =	stream.linear.gather [hbm4b:s5+s2], $0x200, $0x38;
	[tilespmem:$0x194A0] =	vst v63  }
0x19: {  	_ =	swait.ge [sflag:s10], $0x200  }
0x1a: {  	[sflag:s10] =	ssyncset.done $0x0  }
0x1b: {  	s0 =	simm.s32 $0x0;
	[sflag:s10] =	ssyncadd.s32 $0xFFFFFE00  }
.LBB2_2:
0x1c: {  	s3 =	sadd.s32 s0, s8  }
0x1d: {  	[tilespmem:s12], [sflag:$0x1] =	stream.linear.gather [hbm4b:s3+s2], $0x200, $0x38;
	[tilespmem:$0x194A0] =	vst v63  }
0x1e: {  	_ =	swait.ge [sflag:s10], $0x200  }
0x1f: {  	[sflag:s10] =	ssyncset.done $0x0  }
0x20: {  	[sflag:s10] =	ssyncadd.s32 $0xFFFFFE00  }
0x21: {  	v1 =	vld [tilespmem:$0x186A0]  }
0x22: {  	v2 =	vld [tilespmem:$0x186B0]  }
0x23: {  	v3 =	vld [tilespmem:$0x186C0]  }
0x24: {  	v4 =	vld [tilespmem:$0x186D0]  }
0x25: {  	v5 =	vld [tilespmem:$0x186E0]  }
0x26: {  	v6 =	vld [tilespmem:$0x186F0];
	v1 =	vadd.s32 v0, v1  }
0x27: {  	[tilespmem:$0x18CA0] =	vst v1;
	v1 =	vadd.s32 v0, v2;
	v2 =	vld [tilespmem:$0x18700]  }
0x28: {  	[tilespmem:$0x18CB0] =	vst v1;
	v1 =	vadd.s32 v0, v3;
	v3 =	vld [tilespmem:$0x18710]  }
0x29: {  	v40 =	vld [tilespmem:$0x18720];
	[tilespmem:$0x18CC0] =	vst v1;
	v1 =	vadd.s32 v0, v4  }
0x2a: {  	v41 =	vld [tilespmem:$0x18730];
	[tilespmem:$0x18CD0] =	vst v1;
	v1 =	vadd.s32 v0, v5  }
0x2b: {  	v42 =	vld [tilespmem:$0x18740];
	[tilespmem:$0x18CE0] =	vst v1;
	v1 =	vadd.s32 v0, v6  }
0x2c: {  	[tilespmem:$0x18CF0] =	vst v1;
	v1 =	vadd.s32 v0, v2;
	v2 =	vld [tilespmem:$0x18750]  }
0x2d: {  	[tilespmem:$0x18D00] =	vst v1;
	v1 =	vadd.s32 v0, v3;
	v3 =	vld [tilespmem:$0x18760]  }
0x2e: {  	v43 =	vld [tilespmem:$0x18770];
	[tilespmem:$0x18D10] =	vst v1;
	v1 =	vadd.s32 v0, v40  }
0x2f: {  	v44 =	vld [tilespmem:$0x18780];
	[tilespmem:$0x18D20] =	vst v1;
	v1 =	vadd.s32 v0, v41  }
0x30: {  	v45 =	vld [tilespmem:$0x18790];
	[tilespmem:$0x18D30] =	vst v1;
	v1 =	vadd.s32 v0, v42  }
0x31: {  	[tilespmem:$0x18D40] =	vst v1;
	v1 =	vadd.s32 v0, v2;
	v2 =	vld [tilespmem:$0x187A0]  }
0x32: {  	[tilespmem:$0x18D50] =	vst v1;
	v1 =	vadd.s32 v0, v3;
	v3 =	vld [tilespmem:$0x187B0]  }
0x33: {  	v46 =	vld [tilespmem:$0x187C0];
	[tilespmem:$0x18D60] =	vst v1;
	v1 =	vadd.s32 v0, v43  }
0x34: {  	v47 =	vld [tilespmem:$0x187D0];
	[tilespmem:$0x18D70] =	vst v1;
	v1 =	vadd.s32 v0, v44  }
0x35: {  	v48 =	vld [tilespmem:$0x187E0];
	[tilespmem:$0x18D80] =	vst v1;
	v1 =	vadd.s32 v0, v45  }
0x36: {  	[tilespmem:$0x18D90] =	vst v1;
	v1 =	vadd.s32 v0, v2;
	v2 =	vld [tilespmem:$0x187F0]  }
0x37: {  	[tilespmem:$0x18DA0] =	vst v1;
	v1 =	vadd.s32 v0, v3;
	v3 =	vld [tilespmem:$0x18800]  }
0x38: {  	v49 =	vld [tilespmem:$0x18810];
	[tilespmem:$0x18DB0] =	vst v1;
	v1 =	vadd.s32 v0, v46  }
0x39: {  	v50 =	vld [tilespmem:$0x18820];
	[tilespmem:$0x18DC0] =	vst v1;
	v1 =	vadd.s32 v0, v47  }
0x3a: {  	v51 =	vld [tilespmem:$0x18830];
	[tilespmem:$0x18DD0] =	vst v1;
	v1 =	vadd.s32 v0, v48  }
0x3b: {  	[tilespmem:$0x18DE0] =	vst v1;
	v1 =	vadd.s32 v0, v2;
	v2 =	vld [tilespmem:$0x18840]  }
0x3c: {  	[tilespmem:$0x18DF0] =	vst v1;
	v1 =	vadd.s32 v0, v3;
	v3 =	vld [tilespmem:$0x18850]  }
0x3d: {  	v52 =	vld [tilespmem:$0x18860];
	[tilespmem:$0x18E00] =	vst v1;
	v1 =	vadd.s32 v0, v49  }
0x3e: {  	v53 =	vld [tilespmem:$0x18870];
	[tilespmem:$0x18E10] =	vst v1;
	v1 =	vadd.s32 v0, v50  }
0x3f: {  	v54 =	vld [tilespmem:$0x18880];
	[tilespmem:$0x18E20] =	vst v1;
	v1 =	vadd.s32 v0, v51  }
0x40: {  	[tilespmem:$0x18E30] =	vst v1;
	v1 =	vadd.s32 v0, v2;
	v2 =	vld [tilespmem:$0x18890]  }
0x41: {  	[tilespmem:$0x18E40] =	vst v1;
	v1 =	vadd.s32 v0, v3  }
0x42: {  	[tilespmem:$0x18E50] =	vst v1;
	v1 =	vadd.s32 v0, v52  }
0x43: {  	[tilespmem:$0x18E60] =	vst v1;
	v1 =	vadd.s32 v0, v53  }
0x44: {  	[tilespmem:$0x18E70] =	vst v1;
	v1 =	vadd.s32 v0, v54  }
0x45: {  	[tilespmem:$0x18E80] =	vst v1;
	v1 =	vadd.s32 v0, v2  }
0x46: {  	[tilespmem:$0x18E90] =	vst v1  }
0x47: {  	[spmem:s1] =	stream.indirect.scatter [tilespmem:s11], [sflag:$0x1], $0x1, s14, s13, $0xb8;
	[tilespmem:$0x194A0] =	vst v63  }
0x48: {  	_ =	swait.ge [sflag:s10], $0x80  }
0x49: {  	[sflag:s10] =	ssyncset.done $0x0  }
0x4a: {  	[sflag:s10] =	ssyncadd.s32 $0xFFFFFF80  }
0x4b: {  	[spmem:s1] =	stream.indirect.scatter [tilespmem:s16], [sflag:$0x1], $0x1, s15, s13, $0xb8;
	[tilespmem:$0x194A0] =	vst v63  }
0x4c: {  	_ =	swait.ge [sflag:s10], $0x80  }
0x4d: {  	[sflag:s10] =	ssyncset.done $0x0  }
0x4e: {  	[sflag:s10] =	ssyncadd.s32 $0xFFFFFF80  }
0x4f: {  	[spmem:s1] =	stream.indirect.scatter [tilespmem:s18], [sflag:$0x1], $0x1, s17, s13, $0xb8;
	[tilespmem:$0x194A0] =	vst v63  }
0x50: {  	_ =	swait.ge [sflag:s10], $0x80  }
0x51: {  	[sflag:s10] =	ssyncset.done $0x0  }
0x52: {  	[sflag:s10] =	ssyncadd.s32 $0xFFFFFF80  }
0x53: {  	[spmem:s1] =	stream.indirect.scatter [tilespmem:s20], [sflag:$0x1], $0x1, s19, s13, $0xb8;
	[tilespmem:$0x194A0] =	vst v63  }
0x54: {  	_ =	swait.ge [sflag:s10], $0x80  }
0x55: {  	[sflag:s10] =	ssyncset.done $0x0  }
0x56: {  	[sflag:s10] =	ssyncadd.s32 $0xFFFFFF80  }
0x57: {  	[spmem:s1] =	stream.indirect.scatter.add.s32 [tilespmem:s9], [sflag:$0x1], $0x1, s14, s13, $0xb8;
	[tilespmem:$0x194A0] =	vst v63  }
0x58: {  	_ =	swait.ge [sflag:s10], $0x80  }
0x59: {  	[sflag:s10] =	ssyncset.done $0x0  }
0x5a: {  	[sflag:s10] =	ssyncadd.s32 $0xFFFFFF80  }
0x5b: {  	[spmem:s1] =	stream.indirect.scatter.add.s32 [tilespmem:s21], [sflag:$0x1], $0x1, s15, s13, $0xb8;
	[tilespmem:$0x194A0] =	vst v63  }
0x5c: {  	_ =	swait.ge [sflag:s10], $0x80  }
0x5d: {  	[sflag:s10] =	ssyncset.done $0x0  }
0x5e: {  	[sflag:s10] =	ssyncadd.s32 $0xFFFFFF80  }
0x5f: {  	[spmem:s1] =	stream.indirect.scatter.add.s32 [tilespmem:s22], [sflag:$0x1], $0x1, s17, s13, $0xb8;
	[tilespmem:$0x194A0] =	vst v63  }
0x60: {  	_ =	swait.ge [sflag:s10], $0x80  }
0x61: {  	[sflag:s10] =	ssyncset.done $0x0  }
0x62: {  	[sflag:s10] =	ssyncadd.s32 $0xFFFFFF80  }
0x63: {  	[spmem:s1] =	stream.indirect.scatter.add.s32 [tilespmem:s23], [sflag:$0x1], $0x1, s19, s13, $0xb8;
	[tilespmem:$0x194A0] =	vst v63  }
0x64: {  	_ =	swait.ge [sflag:s10], $0x80  }
0x65: {  	[sflag:s10] =	ssyncset.done $0x0  }
0x66: {  	[sflag:s10] =	ssyncadd.s32 $0xFFFFFF80  }
0x67: {  	[tilespmem:s24], [sflag:$0x1] =	stream.indirect.gather [spmem:s1], $0x1, s14, s13, $0xb8;
	[tilespmem:$0x194A0] =	vst v63  }
0x68: {  	_ =	swait.ge [sflag:s10], $0x80  }
0x69: {  	[sflag:s10] =	ssyncset.done $0x0  }
0x6a: {  	[sflag:s10] =	ssyncadd.s32 $0xFFFFFF80  }
0x6b: {  	[tilespmem:s25], [sflag:$0x1] =	stream.indirect.gather [spmem:s1], $0x1, s15, s13, $0xb8;
	[tilespmem:$0x194A0] =	vst v63  }
0x6c: {  	_ =	swait.ge [sflag:s10], $0x80  }
0x6d: {  	[sflag:s10] =	ssyncset.done $0x0  }
0x6e: {  	[sflag:s10] =	ssyncadd.s32 $0xFFFFFF80  }
0x6f: {  	[tilespmem:s26], [sflag:$0x1] =	stream.indirect.gather [spmem:s1], $0x1, s17, s13, $0xb8;
	[tilespmem:$0x194A0] =	vst v63  }
0x70: {  	_ =	swait.ge [sflag:s10], $0x80  }
0x71: {  	[sflag:s10] =	ssyncset.done $0x0  }
0x72: {  	[sflag:s10] =	ssyncadd.s32 $0xFFFFFF80  }
0x73: {  	[tilespmem:s28], [sflag:$0x1] =	stream.indirect.gather [spmem:s1], $0x1, s19, s13, $0xb8;
	[tilespmem:$0x194A0] =	vst v63  }
0x74: {  	_ =	swait.ge [sflag:s10], $0x80  }
0x75: {  	[sflag:s10] =	ssyncset.done $0x0  }
0x76: {  	[sflag:s10] =	ssyncadd.s32 $0xFFFFFF80  }
0x77: {  	v1 =	vld [tilespmem:$0x186A0]  }
0x78: {  	v2 =	vld [tilespmem:$0x18EA0]  }
0x79: {  	v3 =	vld [tilespmem:$0x186B0]  }
0x7a: {  	v55 =	vld [tilespmem:$0x18EB0]  }
0x7b: {  	v56 =	vld [tilespmem:$0x186C0]  }
0x7c: {  	v57 =	vld [tilespmem:$0x18EC0]  }
0x7d: {  	v7 =	vld [tilespmem:$0x186D0]  }
0x7e: {  	v8 =	vld [tilespmem:$0x18ED0]  }
0x7f: {  	v9 =	vld [tilespmem:$0x186E0]  }
0x80: {  	v10 =	vld [tilespmem:$0x18EE0]  }
0x81: {  	v11 =	vld [tilespmem:$0x186F0]  }
0x82: {  	v12 =	vld [tilespmem:$0x18EF0]  }
0x83: {  	v13 =	vld [tilespmem:$0x18700]  }
0x84: {  	v14 =	vld [tilespmem:$0x18F00]  }
0x85: {  	v15 =	vld [tilespmem:$0x18710]  }
0x86: {  	v16 =	vld [tilespmem:$0x18F10]  }
0x87: {  	v17 =	vld [tilespmem:$0x18720];
	vm0 =	veq.s32 v1, $0x0;
	v1 =	vand.u32 $0xFFFF, v2  }
0x88: {  	v18 =	vld [tilespmem:$0x18F20];
	v2 =	vshra.s32 v2, $0x10;
	vm10 =	veq.s32 v3, $0x0;
	v3 =	vand.u32 $0xFFFF, v55  }
0x89: {  	v20 =	vld [tilespmem:$0x18730];
	v4 =	vshra.s32 v55, $0x10;
	vm11 =	veq.s32 v56, $0x0;
	v58 =	vand.u32 $0xFFFF, v57  }
0x8a: {  	v23 =	vld [tilespmem:$0x18F30];
	v6 =	vshra.s32 v57, $0x10;
	vm1 =	veq.s32 v7, $0x0;
	v59 =	vand.u32 $0xFFFF, v8  }
0x8b: {  	v27 =	vld [tilespmem:$0x18740];
	v8 =	vshra.s32 v8, $0x10;
	vm12 =	veq.s32 v9, $0x0;
	v60 =	vand.u32 $0xFFFF, v10  }
0x8c: {  	v30 =	vld [tilespmem:$0x18F40];
	v10 =	vshra.s32 v10, $0x10;
	vm13 =	veq.s32 v11, $0x0;
	v61 =	vand.u32 $0xFFFF, v12  }
0x8d: {  	v32 =	vld [tilespmem:$0x18750];
	v12 =	vshra.s32 v12, $0x10;
	vm14 =	veq.s32 v13, $0x0;
	v62 =	vand.u32 $0xFFFF, v14  }
0x8e: {  	v35 =	vld [tilespmem:$0x18F50];
	v22 =	vshra.s32 v14, $0x10;
	vm15 =	veq.s32 v15, $0x0;
	v24 =	vand.u32 $0xFFFF, v16  }
0x8f: {  	v37 =	vld [tilespmem:$0x18760];
	v26 =	vshra.s32 v16, $0x10;
	vm4 =	veq.s32 v17, $0x0;
	v29 =	vand.u32 $0xFFFF, v18  }
0x90: {  	v39 =	vld [tilespmem:$0x18F60];
	v33 =	vshra.s32 v18, $0x10;
	vm5 =	veq.s32 v20, $0x0;
	v34 =	vand.u32 $0xFFFF, v23  }
0x91: {  	v38 =	vshra.s32 v23, $0x10;
	vm6 =	veq.s32 v27, $0x0;
	v40 =	vand.u32 $0xFFFF, v30  }
0x92: {  	v43 =	vld [tilespmem:$0x18770];
	v42 =	vshra.s32 v30, $0x10;
	vm7 =	veq.s32 v32, $0x0;
	v1 =	vsel vm0, $0x0, v1  }
0x93: {  	v45 =	vld [tilespmem:$0x18F70];
	v44 =	vand.u32 $0xFFFF, v35;
	v2 =	vsel vm0, $0x0, v2;
	v1 =	vcvt.s32.f32 v1  }
0x94: {  	v48 =	vld [tilespmem:$0x18F80];
	vm8 =	veq.s32 v37, $0x0;
	v3 =	vsel vm10, $0x0, v3;
	v2 =	vcvt.s32.f32 v2  }
0x95: {  	v47 =	vand.u32 $0xFFFF, v39;
	v4 =	vsel vm10, $0x0, v4;
	v3 =	vcvt.s32.f32 v3;
	[tilespmem:$0x190A0] =	vst v1  }
0x96: {  	v53 =	vshra.s32 v39, $0x10;
	v5 =	vsel vm11, $0x0, v58;
	v4 =	vcvt.s32.f32 v4;
	[tilespmem:$0x192A0] =	vst v2  }
0x97: {  	vm9 =	veq.s32 v43, $0x0;
	v6 =	vsel vm11, $0x0, v6;
	v5 =	vcvt.s32.f32 v5;
	[tilespmem:$0x190B0] =	vst v3  }
0x98: {  	v46 =	vld [tilespmem:$0x18780];
	v56 =	vand.u32 $0xFFFF, v45;
	v7 =	vsel vm1, $0x0, v59;
	v6 =	vcvt.s32.f32 v6;
	[tilespmem:$0x192B0] =	vst v4  }
0x99: {  	v20 =	vshra.s32 v48, $0x10;
	v8 =	vsel vm1, $0x0, v8;
	v7 =	vcvt.s32.f32 v7;
	[tilespmem:$0x190C0] =	vst v5  }
0x9a: {  	v9 =	vsel vm12, $0x0, v60;
	v10 =	vsel vm12, $0x0, v10;
	v8 =	vcvt.s32.f32 v8;
	[tilespmem:$0x192C0] =	vst v6  }
0x9b: {  	v11 =	vsel vm13, $0x0, v61;
	v63 =	vsel vm13, $0x0, v12;
	v9 =	vcvt.s32.f32 v9;
	[tilespmem:$0x190D0] =	vst v7  }
0x9c: {  	v19 =	vsel vm14, $0x0, v62;
	v25 =	vsel vm15, $0x0, v24;
	v10 =	vcvt.s32.f32 v10;
	[tilespmem:$0x192D0] =	vst v8  }
0x9d: {  	v51 =	vld [tilespmem:$0x18790];
	v50 =	vsel vm8, $0x0, v47;
	vm10 =	veq.s32 v46, $0x0;
	v21 =	vcvt.s32.f32 v19;
	[tilespmem:$0x190E0] =	vst v9  }
0x9e: {  	v28 =	vsel vm15, $0x0, v26;
	v52 =	vcvt.s32.f32 v50;
	v23 =	vsel vm10, $0x0, v20;
	[tilespmem:$0x192E0] =	vst v10  }
0x9f: {  	v31 =	vsel vm4, $0x0, v29;
	v36 =	vsel vm5, $0x0, v34;
	v26 =	vcvt.s32.f32 v23;
	[tilespmem:$0x19100] =	vst v21  }
0xa0: {  	v54 =	vld [tilespmem:$0x18F90];
	v41 =	vsel vm6, $0x0, v40;
	v55 =	vsel vm8, $0x0, v53;
	v1 =	vcvt.s32.f32 v11;
	[tilespmem:$0x19160] =	vst v52  }
0xa1: {  	v39 =	vld [tilespmem:$0x187E0];
	v57 =	vsel vm9, $0x0, v56;
	v58 =	vshra.s32 v45, $0x10;
	v2 =	vcvt.s32.f32 v63;
	[tilespmem:$0x19380] =	vst v26  }
0xa2: {  	v59 =	vld [tilespmem:$0x187A0];
	v61 =	vand.u32 $0xFFFF, v48;
	vm11 =	veq.s32 v51, $0x0;
	v4 =	vcvt.s32.f32 v25;
	[tilespmem:$0x190F0] =	vst v1  }
0xa3: {  	v62 =	vld [tilespmem:$0x18FA0];
	v60 =	vsel vm9, $0x0, v58;
	v18 =	vsel vm10, $0x0, v61;
	v5 =	vcvt.s32.f32 v28;
	[tilespmem:$0x192F0] =	vst v2  }
0xa4: {  	v29 =	vld [tilespmem:$0x18FC0];
	v3 =	vsel vm14, $0x0, v22;
	v6 =	vcvt.s32.f32 v31;
	v7 =	vsel vm4, $0x0, v33;
	[tilespmem:$0x19110] =	vst v4  }
0xa5: {  	v45 =	vld [tilespmem:$0x187F0];
	v8 =	vcvt.s32.f32 v36;
	v9 =	vsel vm5, $0x0, v38;
	v10 =	vsel vm7, $0x0, v44;
	[tilespmem:$0x19310] =	vst v5  }
0xa6: {  	v53 =	vld [tilespmem:$0x18800];
	v63 =	vcvt.s32.f32 v60;
	v21 =	vand.u32 $0xFFFF, v54;
	v3 =	vcvt.s32.f32 v3;
	[tilespmem:$0x19120] =	vst v6  }
0xa7: {  	v19 =	vld [tilespmem:$0x187B0];
	v28 =	vshra.s32 v54, $0x10;
	v7 =	vcvt.s32.f32 v7;
	v49 =	vcvt.s32.f32 v10;
	[tilespmem:$0x19130] =	vst v8  }
0xa8: {  	v58 =	vld [tilespmem:$0x18810];
	v24 =	vsel vm11, $0x0, v21;
	vm4 =	veq.s32 v39, $0x0;
	v1 =	vcvt.s32.f32 v9;
	[tilespmem:$0x19370] =	vst v63  }
0xa9: {  	v22 =	vld [tilespmem:$0x18FB0];
	v2 =	vsel vm6, $0x0, v42;
	v9 =	vcvt.s32.f32 v41;
	v6 =	vcvt.s32.f32 v55;
	[tilespmem:$0x19300] =	vst v3  }
0xaa: {  	v25 =	vld [tilespmem:$0x187C0];
	v27 =	vcvt.s32.f32 v24;
	vm12 =	veq.s32 v59, $0x0;
	v30 =	vand.u32 $0xFFFF, v62;
	[tilespmem:$0x19320] =	vst v7  }
0xab: {  	v33 =	vld [tilespmem:$0x187D0];
	v32 =	vshra.s32 v62, $0x10;
	v41 =	vand.u32 $0xFFFF, v29;
	v48 =	vshra.s32 v29, $0x10;
	[tilespmem:$0x19150] =	vst v49  }
0xac: {  	v36 =	vld [tilespmem:$0x18FD0];
	vm5 =	veq.s32 v45, $0x0;
	vm6 =	veq.s32 v53, $0x0;
	v2 =	vcvt.s32.f32 v2;
	[tilespmem:$0x19330] =	vst v1  }
0xad: {  	v60 =	vld [tilespmem:$0x19010];
	v3 =	vshra.s32 v35, $0x10;
	v31 =	vsel vm12, $0x0, v30;
	v34 =	vsel vm12, $0x0, v32;
	[tilespmem:$0x19140] =	vst v9  }
0xae: {  	vm13 =	veq.s32 v19, $0x0;
	v3 =	vsel vm7, $0x0, v3;
	v1 =	vcvt.s32.f32 v57;
	[tilespmem:$0x19360] =	vst v6  }
0xaf: {  	v37 =	vcvt.s32.f32 v34;
	[tilespmem:$0x19190] =	vst v27;
	vm7 =	veq.s32 v58, $0x0;
	v3 =	vcvt.s32.f32 v3  }
0xb0: {  	v42 =	vld [tilespmem:$0x18FE0];
	[tilespmem:$0x19340] =	vst v2;
	v2 =	vcvt.s32.f32 v18;
	v35 =	vand.u32 $0xFFFF, v22;
	v40 =	vshra.s32 v22, $0x10  }
0xb1: {  	v55 =	vld [tilespmem:$0x19000];
	vm14 =	veq.s32 v25, $0x0;
	vm15 =	veq.s32 v33, $0x0;
	v50 =	vand.u32 $0xFFFF, v36;
	[tilespmem:$0x19170] =	vst v1  }
0xb2: {  	v63 =	vld [tilespmem:$0x18820];
	v52 =	vshra.s32 v36, $0x10;
	v23 =	vand.u32 $0xFFFF, v60;
	v1 =	vcvt.s32.f32 v31;
	[tilespmem:$0x193A0] =	vst v37  }
0xb3: {  	v24 =	vld [tilespmem:$0x19030];
	v38 =	vsel vm13, $0x0, v35;
	v43 =	vsel vm13, $0x0, v40;
	v44 =	vsel vm14, $0x0, v41;
	[tilespmem:$0x19350] =	vst v3  }
0xb4: {  	v29 =	vld [tilespmem:$0x19040];
	v7 =	vsel vm14, $0x0, v48;
	v51 =	vsel vm15, $0x0, v50;
	[tilespmem:$0x19180] =	vst v2;
	v2 =	vcvt.s32.f32 v38  }
0xb5: {  	v49 =	vld [tilespmem:$0x18FF0];
	v26 =	vsel vm7, $0x0, v23;
	v3 =	vsel vm11, $0x0, v28;
	v46 =	vcvt.s32.f32 v43;
	[tilespmem:$0x191A0] =	vst v1  }
0xb6: {  	v47 =	vcvt.s32.f32 v44;
	v54 =	vand.u32 $0xFFFF, v42;
	v56 =	vcvt.s32.f32 v51;
	[tilespmem:$0x191B0] =	vst v2  }
0xb7: {  	v19 =	vand.u32 $0xFFFF, v55;
	v21 =	vshra.s32 v55, $0x10;
	vm8 =	veq.s32 v63, $0x0;
	[tilespmem:$0x193B0] =	vst v46  }
0xb8: {  	v27 =	vld [tilespmem:$0x18840];
	v5 =	vcvt.s32.f32 v26;
	v35 =	vand.u32 $0xFFFF, v24;
	v37 =	vshra.s32 v24, $0x10;
	[tilespmem:$0x191C0] =	vst v47  }
0xb9: {  	v18 =	vld [tilespmem:$0x19020];
	v40 =	vand.u32 $0xFFFF, v29;
	v3 =	vcvt.s32.f32 v3;
	v1 =	vsel vm15, $0x0, v52;
	[tilespmem:$0x191D0] =	vst v56  }
0xba: {  	v22 =	vld [tilespmem:$0x18830];
	v57 =	vsel vm4, $0x0, v54;
	v59 =	vand.u32 $0xFFFF, v49;
	v1 =	vcvt.s32.f32 v1;
	[tilespmem:$0x19210] =	vst v5  }
0xbb: {  	v17 =	vshra.s32 v49, $0x10;
	v20 =	vsel vm6, $0x0, v19;
	v61 =	vcvt.s32.f32 v57;
	[tilespmem:$0x19390] =	vst v3  }
0xbc: {  	v2 =	vshra.s32 v42, $0x10;
	v62 =	vsel vm5, $0x0, v59;
	v25 =	vcvt.s32.f32 v20;
	[tilespmem:$0x193D0] =	vst v1  }
0xbd: {  	v33 =	vld [tilespmem:$0x19050];
	vm10 =	veq.s32 v27, $0x0;
	v3 =	vcvt.s32.f32 v7;
	v2 =	vsel vm4, $0x0, v2;
	[tilespmem:$0x191E0] =	vst v61  }
0xbe: {  	v16 =	vcvt.s32.f32 v62;
	v28 =	vand.u32 $0xFFFF, v18;
	v32 =	vshra.s32 v18, $0x10;
	[tilespmem:$0x19200] =	vst v25  }
0xbf: {  	v31 =	vld [tilespmem:$0x18850];
	vm9 =	veq.s32 v22, $0x0;
	v2 =	vcvt.s32.f32 v2;
	v1 =	vsel vm6, $0x0, v21;
	[tilespmem:$0x193C0] =	vst v3  }
0xc0: {  	v41 =	vld [tilespmem:$0x19060];
	v43 =	vsel vm10, $0x0, v40;
	v39 =	vsel vm9, $0x0, v37;
	v1 =	vcvt.s32.f32 v1;
	[tilespmem:$0x191F0] =	vst v16  }
0xc1: {  	v3 =	vsel vm5, $0x0, v17;
	v42 =	vcvt.s32.f32 v39;
	[tilespmem:$0x193E0] =	vst v2;
	v2 =	vshra.s32 v60, $0x10  }
0xc2: {  	v48 =	vld [tilespmem:$0x18880];
	v45 =	vand.u32 $0xFFFF, v33;
	v3 =	vcvt.s32.f32 v3;
	v2 =	vsel vm7, $0x0, v2;
	[tilespmem:$0x19400] =	vst v1  }
0xc3: {  	v50 =	vld [tilespmem:$0x19080];
	v49 =	vshra.s32 v33, $0x10;
	v30 =	vsel vm8, $0x0, v28;
	[tilespmem:$0x19430] =	vst v42;
	v2 =	vcvt.s32.f32 v2  }
0xc4: {  	v38 =	vld [tilespmem:$0x18860];
	v34 =	vsel vm8, $0x0, v32;
	v36 =	vsel vm9, $0x0, v35;
	[tilespmem:$0x193F0] =	vst v3;
	v3 =	vcvt.s32.f32 v30  }
0xc5: {  	v44 =	vld [tilespmem:$0x18870];
	vm11 =	veq.s32 v31, $0x0;
	v52 =	vand.u32 $0xFFFF, v41;
	v1 =	vcvt.s32.f32 v34;
	[tilespmem:$0x19410] =	vst v2  }
0xc6: {  	v46 =	vld [tilespmem:$0x19070];
	v54 =	vshra.s32 v41, $0x10;
	v2 =	vcvt.s32.f32 v36;
	[tilespmem:$0x19220] =	vst v3;
	v3 =	vshra.s32 v29, $0x10  }
0xc7: {  	vm14 =	veq.s32 v48, $0x0;
	[tilespmem:$0x19420] =	vst v1;
	v1 =	vcvt.s32.f32 v43;
	v3 =	vsel vm10, $0x0, v3  }
0xc8: {  	v59 =	vand.u32 $0xFFFF, v50;
	v47 =	vsel vm11, $0x0, v45;
	[tilespmem:$0x19230] =	vst v2;
	v2 =	vcvt.s32.f32 v3  }
0xc9: {  	v55 =	vld [tilespmem:$0x18890];
	v51 =	vsel vm11, $0x0, v49;
	vm12 =	veq.s32 v38, $0x0;
	[tilespmem:$0x19240] =	vst v1;
	v3 =	vcvt.s32.f32 v47  }
0xca: {  	v57 =	vld [tilespmem:$0x19090];
	vm13 =	veq.s32 v44, $0x0;
	v53 =	vsel vm12, $0x0, v52;
	v1 =	vcvt.s32.f32 v51;
	[tilespmem:$0x19440] =	vst v2  }
0xcb: {  	v56 =	vand.u32 $0xFFFF, v46;
	v2 =	vsel vm12, $0x0, v54;
	[tilespmem:$0x19250] =	vst v3;
	v3 =	vcvt.s32.f32 v53  }
0xcc: {  	v58 =	vsel vm13, $0x0, v56;
	[tilespmem:$0x19450] =	vst v1;
	v1 =	vshra.s32 v46, $0x10;
	v2 =	vcvt.s32.f32 v2  }
0xcd: {  	v61 =	vshra.s32 v50, $0x10;
	v1 =	vsel vm13, $0x0, v1;
	[tilespmem:$0x19260] =	vst v3;
	v3 =	vcvt.s32.f32 v58  }
0xce: {  	vm15 =	veq.s32 v55, $0x0;
	v60 =	vsel vm14, $0x0, v59;
	v1 =	vcvt.s32.f32 v1;
	[tilespmem:$0x19460] =	vst v2  }
0xcf: {  	v62 =	vand.u32 $0xFFFF, v57;
	v2 =	vcvt.s32.f32 v60;
	[tilespmem:$0x19270] =	vst v3;
	v3 =	vsel vm14, $0x0, v61  }
0xd0: {  	v63 =	vshra.s32 v57, $0x10;
	[tilespmem:$0x19470] =	vst v1;
	v1 =	vcvt.s32.f32 v3;
	v3 =	vsel vm15, $0x0, v62  }
0xd1: {  	[tilespmem:$0x19280] =	vst v2;
	v2 =	vsel vm15, $0x0, v63;
	v3 =	vcvt.s32.f32 v3  }
0xd2: {  	[tilespmem:$0x19480] =	vst v1;
	v1 =	vcvt.s32.f32 v2  }
0xd3: {  	[tilespmem:$0x19290] =	vst v3  }
0xd4: {  	s3 =	sadd.s32 s0, s7;
	[tilespmem:$0x19490] =	vst v1  }
0xd5: {  	[hbm4b:s3+s2] =	stream.linear.scatter [tilespmem:s29], [sflag:$0x1], $0x200, $0x38;
	[tilespmem:$0x194A0] =	vst v63  }
0xd6: {  	_ =	swait.ge [sflag:s10], $0x200  }
0xd7: {  	p0 =	sne.s32 s0, $0x7C0;
	s3 =	rddreg [dreg:$0x5];
	[sflag:s10] =	ssyncset.done $0x0  }
.Ltmp0:
0xd8: {  	[sflag:s10] =	ssyncadd.s32 $0xFFFFFE00;
	s3 =	sadd.s32 s0, s3;
	(pc) =	sbr.rel @p0 .LBB2_2-.Ltmp0, $4  }
0xd9: {  	[hbm4b:s3+s2] =	stream.linear.scatter [tilespmem:s30], [sflag:$0x1], $0x200, $0x38;
	[tilespmem:$0x194A0] =	vst v63  }
0xda: {  	_ =	swait.ge [sflag:s10], $0x200  }
0xdb: {  	[sflag:s10] =	ssyncset.done $0x0  }
0xdc: {  	s0 =	sadd.s32 $0x40, s0;
	[sflag:s10] =	ssyncadd.s32 $0xFFFFFE00  }
0xdd: {  	s31 =	sadd.s32 $0x1, s31  }
0xde: {  	p0 =	sne.s32 s31, s6  }
.Ltmp1:
0xdf: {  	_ = 	snop;
	(pc) =	sbr.rel @p0 .LBB2_1-.Ltmp1, $1  }
0xe0: {  	_ =	sdelay $0x3  }
0xe1: {  	_ =	sfence.sel $0x180000  }
0xe2: {  	[bflag:$0x0] =	sbarrier.arrive $0xFFFF  }
0xe3: {  	_ =	strace $0x90000047  }
0xe4: {  	s0 =	stileid.u32;
	[bflag:$0x2] =	sbarrier.arrive $0xFFFF  }
0xe5: {  	p0 =	sne.s32 s0, $0x0;
	s0 =	rddreg [dreg:$0x4]  }
0xe6: {  	s0 =	sadd.s32 @!p0 $0x100000, s0  }
0xe7: {  	[sflag:s0] =	ssyncadd.tile.s32 @!p0 $0x1;
	_ =	shalt  }
.Lfunc_end2:
_tile_overlayer_lowered:
.L_overlay_start_2:
0xe8: {  	(tag) =	ssettag $0x2  }
0xe9: {  	s0 =	rddreg [dreg:$0x0];
	s2 =	stileid.u32  }
0xea: {  	s1 =	rddreg [dreg:$0x1];
	p0 =	sne.s32 s2, $0x0  }
0xeb: {  	s3 =	rddreg [dreg:$0x2];
	[bflag:$0x3] =	sbarrier.arrive $0xFFFF;
	s2 =	simm.s32 @!p0 $0x1C01  }
0xec: {  	[timem:s3], [sflag:s2] =	dma.local @!p0 [hbm:s0], s1  }
0xed: {  	s0 =	simm.s32 @!p0 $0x1  }
0xee: {  	_ =	swait.ge @!p0 [sflag:s0], s1  }
0xef: {  	s1 =	ssub.s32 @!p0 $0x0, s1;
	[sflag:s0] =	ssyncset.done @!p0 $0x0  }
0xf0: {  	[sflag:s0] =	ssyncadd.s32 @!p0 s1  }
0xf1: {  	[bflag:$0x3] =	sbarrier.arrive $0xFFFF  }
0xf2: {  	_ =	shalt  }

// kernel: sparse-core-data-format-call.1.cloned.1.call-start
scs
called_computation.1_lowered:
.L_overlay_start_0:
0x0: {  	s2 =	sld [smem:$0x3FD9]  }
0x1: {  	s3 =	sld [smem:$0x3FFE];
	_ =	sdelay $0x1  }
0x2: {  	s1 =	srdreg.scid  }
0x3: {  	s0 =	sand.u32 $0x1, s1  }
0x4: {  	s15 =	sshll.u32 s0, $0xA;
	s2 =	sadd.s32 s3, s2  }
0x5: {  	s2 =	sadd.s32 s2, s15  }
0x6: {  	[smem:$0x3FC2] =	sst s2  }
0x7: {  	_ = 	snop  }
0x8: {  	s2 =	sld [smem:$0x3FD0];
	_ =	sdelay $0x2  }
0x9: {  	s16 =	simm.s32 $0xB;
	s4 =	simm.s32 $0x10  }
0xa: {  	[smem:s4], [sflag:s16] =	dma.local [hbm:s2], $0x1  }
0xb: {  	_ =	swait.eq [sflag:s16], $0x1  }
0xc: {  	[sflag:s16] =	ssyncset.done $0x0  }
0xd: {  	[sflag:s16] =	ssyncadd.s32 $0xFFFFFFFF  }
0xe: {  	s17 =	sld [smem:$0x10];
	(tm) =	ssettm $0x1  }
0xf: {  	s18 =	sld [smem:$0x3FFB];
	_ =	sdelay $0x3  }
0x10: {  	_ =	strace s18  }
0x11: {  	s3 =	sld [smem:$0x3FFC];
	_ =	sdelay $0x3  }
0x12: {  	_ =	strace s3  }
0x13: {  	s3 =	sld [smem:$0x3FFD];
	_ =	sdelay $0x3  }
0x14: {  	_ =	strace s3  }
0x15: {  	_ =	strace $0x8FFFFFFF  }
0x16: {  	s19 =	sld [smem:$0x3FDB];
	_ =	sdelay $0x1  }
0x17: {  	s20 =	simm.s32 $_scs_section_size  }
0x18: {  	s5 =	simm.s32 $_size__tile_overlayer_lowered;
	s6 =	simm.s32 $_tile_overlayer_lowered  }
0x19: {  	s23 =	simm.s32 $0x1BFF;
	s22 =	sshll.u32 s6, $0x1;
	s3 =	sadd.s32 s20, s19  }
0x1a: {  	s7 =	simm.s32 $0x0;
	s21 =	sshll.u32 s5, $0x1;
	s5 =	sadd.s32 s22, s3  }
0x1b: {  	[timem:s7], [sflag:s23] =	dma.local [hbm:s5], s21  }
0x1c: {  	_ =	swait.ge [sflag:s23], s21  }
0x1d: {  	s4 =	ssub.s32 $0x0, s21;
	[sflag:s23] =	ssyncset.done $0x0  }
0x1e: {  	[sflag:s23] =	ssyncadd.s32 s4;
	_ =	sdelay $0x1  }
0x1f: {  	s24 =	simm.s32 $0x1B8B  }
0x20: {  	_ =	swait.ge [sflag:s24], $0x1  }
0x21: {  	[sflag:s24] =	ssyncset.done $0x0  }
0x22: {  	s26 =	simm.s32 $0x1B8E;
	s25 =	sld [smem:$0x3FFE];
	[sflag:s24] =	ssyncadd.s32 $0xFFFFFFFF  }
0x23: {  	s27 =	simm.s32 $execute0_lowered;
	[smem:$0x3FD2] =	sst s26  }
0x24: {  	s5 =	sshll.u32 s27, $0x1;
	_ =	strace $0x80000049;
	[dreg:$0x1] =	wrdreg $0xFFFFFFFF  }
0x25: {  	s28 =	simm.s32 $_size_execute0_lowered;
	s3 =	sadd.s32 s3, s5;
	[dreg:$0x0] =	wrdreg $0x0  }
0x26: {  	s5 =	sshll.u32 s28, $0x1;
	[dreg:$0x2] =	wrdreg s3  }
0x27: {  	[dreg:$0x3] =	wrdreg s5  }
0x28: {  	[dreg:$0x4] =	wrdreg $0xC0  }
0x29: {  	_ =	task [dreg:s7], $0x5FFFF  }
0x2a: {  	[dreg:$0x1] =	wrdreg $0xFFFFFFFF  }
0x2b: {  	[dreg:$0x0] =	wrdreg $0x60  }
0x2c: {  	[dreg:$0x2] =	wrdreg s25  }
0x2d: {  	[dreg:$0x3] =	wrdreg s17  }
0x2e: {  	[dreg:$0x4] =	wrdreg $0xA  }
0x2f: {  	_ =	task.clear_ibuf [dreg:s7], $0x5FFFF;
	_ =	strace $0x90000049  }
0x30: {  	s29 =	simm.s32 $0xA;
	_ =	strace $0x8000004B  }
0x31: {  	_ =	swait.ge [sflag:s29], $0x1  }
0x32: {  	[sflag:s29] =	ssyncadd.s32 $0xFFFFFFFF  }
0x33: {  	_ =	strace $0x9000004B  }
0x34: {  	_ =	sfence  }
0x35: {  	s30 =	sld [smem:$0x0];
	_ =	sdelay $0x2  }
0x36: {  	s31 =	sshll.u32 s1, $0xD;
	s1 =	sshrl.u32 s1, $0x2  }
0x37: {  	s3 =	sand.u32 $0x4000, s31;
	s1 =	sadd.s32 s1, s30  }
0x38: {  	s0 =	sor.u32 s3, s0;
	s1 =	sshll.u32 s1, $0x11  }
0x39: {  	s0 =	sor.u32 s1, s0  }
0x3a: {  	s0 =	sadd.s32 $0x8F2B, s0  }
0x3b: {  	[sflag:s0] =	ssyncadd.remote.s32 $0x1  }
0x3c: {  	_ =	sfence.sel $0xFFFF  }
0x3d: {  	[dreg:$0x0] =	wrdreg $0xFFFFFFFF;
	(pc) =	sbr.abs _section_cstart, $3  }
0x3e: {  	[dreg:$0x1] =	wrdreg $0xFFFFFFFF  }
0x3f: {  	_ =	task.clear_ibuf [dreg:s7], $0x2FFFF;
	_ =	strace $0x9FFFFFFF  }
0x40: {  	(tm) =	ssettm $0x7FFFFFFF  }
0x41: {  	_ =	shalt  }
tec
execute0_lowered:
.L_overlay_start_1:
0x0: {  	(tag) =	ssettag $0x1  }
0x1: {  	s0 =	stileid.u32;
	s6 =	rddreg [dreg:$0x0]  }
0x2: {  	s2 =	rddreg [dreg:$0x1];
	s5 =	srdreg.scid  }
0x3: {  	s31 =	simm.s32 $0x2;
	s13 =	simm.s32 $0x0;
	s1 =	sshll.u32 s0, $0x7  }
0x4: {  	s14 =	simm.s32 $0x0;
	s12 =	simm.s32 $0x0;
	s3 =	sand.u32 $0x380, s1  }
0x5: {  	s5 =	sshll.u32 s5, $0x4;
	s6 =	sadd.s32 $0x1E00, s6;
	s4 =	ssub.s32 $0x400, s3  }
0x6: {  	s1 =	rddreg [dreg:$0x2];
	_ =	strace $0x8000004A;
	s7 =	sand.u32 $0x380, s4  }
0x7: {  	s5 =	sand.u32 $0x10, s5;
	p0 =	sne.s32 s7, $0x0;
	s7 =	simm.s32 $0x1  }
.Ltmp0:
0x8: {  	s8 =	sshrl.u32 s4, $0xA;
	s7 =	simm.s32 @!p0 $0x0;
	(pc) =	sbr.rel .LBB1_1-.Ltmp0, $4  }
0x9: {  	s9 =	sor.u32 s0, s5;
	s4 =	simm.s32 $0x1;
	s30 =	sadd.s32 s7, s8  }
0xa: {  	s11 =	smov.u32 s3;
	[sflag:s4] =	ssyncpa.u1 $0x0;
	s5 =	smul.u32 $0x32, s30  }
0xb: {  	[sflag:s31] =	ssyncpa.u1 $0x0;
	p0 =	por $0x0, $0x0;
	s7 =	sshrl.u32 s9, $0x3  }
0xc: {  	s9 =	simm.s32 $0x2000;
	s10 =	smov.u32 s7;
	s8 =	sor.u32 $0x1, s5  }
.LBB1_4:
0xd: {  	s17 =	sand.u32 $0x1F80, s14;
	s13 =	sshll.u32 s13, $0xD  }
0xe: {  	[tilespmem:s16+$0x810 ss:$0x81] =	vst.msk $0xffff, v2;
	s18 =	sshrl.u32 s14, $0x3;
	s31 =	sand.u32 $0x7, s14;
	s17 =	sadd.s32 s2, s17  }
0xf: {  	[tilespmem:s16+$0x1020 ss:$0x81] =	vst.msk $0xffff, v0;
	s18 =	sand.u32 $0xF, s18;
	s14 =	sshll.u32 s31, $0x12;
	s13 =	sadd.s32 s13, s17  }
0x10: {  	[tilespmem:s16+$0x0 ss:$0x81] =	vst.msk $0xffff, v1;
	s14 =	sor.u32 $0x400, s14;
	s13 =	sadd.s32 s18, s13  }
0x11: {  	[hbm4b:s13+s14] =	stream.strided.scatter [tilespmem:s15], [sflag:$0x2], $0x2000, s9, s14, $0x20;
	[tilespmem:$0x8080] =	vst v63  }
.LBB1_5:
0x12: {  	s15 =	sadd.s32 $0x4, s10  }
0x13: {  	s13 =	sadd.s32 $0x400, s11;
	s17 =	smov.u32 s11;
	p2 =	sgt.s32 s15, $0xC7  }
0x14: {  	s17 =	smov.u32 @p2 s13  }
0x15: {  	s15 =	smov.u32 @p2 s7;
	p2 =	sgt.s32 s17, $0x3FF  }
0x16: {  	s17 =	smov.u32 @p2 s3;
	p2 =	sne.s32 s12, s8  }
.Ltmp1:
0x17: {  	p1 =	slt.u32 s12, $0x2;
	(pc) =	sbr.rel @!p2 .LBB1_6-.Ltmp1, $4  }
0x18: {  	s16 =	simm.s32 @!p1 $0x2  }
0x19: {  	s14 =	smov.u32 s11;
	p0 =	por !p0, !p0;
	_ =	swait.ge @!p1 [sflag:s16], $0x2000  }
0x1a: {  	s13 =	smov.u32 s10;
	[sflag:s16] =	ssyncset.done @!p1 $0x0;
	s10 =	smov.u32 s15  }
0x1b: {  	s12 =	sadd.s32 $0x1, s12;
	[sflag:s16] =	ssyncadd.s32 @!p1 $0xFFFFE000;
	s11 =	smov.u32 s17  }
.LBB1_1:
0x1c: {  	p1 =	sge.u32 s12, s5  }
0x1d: {  	s15 =	sand.u32 @!p1 $0x1FFFFFF, s10  }
0x1e: {  	s16 =	smulhi.u32 @!p1 $0x147AE15, s15;
	_ =	sdelay $0x1  }
0x1f: {  	s16 =	smul.u32 @!p1 $0xC8, s16  }
0x20: {  	s17 =	sxor.u32 @!p1 $0xFFFFFFFF, s12;
	s18 =	smul.u32 @!p1 $0xC80, s11  }
0x21: {  	s31 =	sadd.s32 $0xFFFFFFFF, s12;
	s17 =	sshll.u32 @!p1 s17, $0xD;
	s15 =	ssub.s32 @!p1 s15, s16  }
0x22: {  	s16 =	sand.u32 @!p1 $0x2000, s17;
	s17 =	sadd.s32 @!p1 s6, s18;
	s15 =	sshll.u32 @!p1 s15, $0x4  }
0x23: {  	s18 =	simm.s32 @!p1 $0x6400;
	s15 =	sadd.s32 @!p1 s15, s17;
	s17 =	simm.s32 @!p1 $0x40  }
0x24: {  	[tilespmem:s16], [sflag:$0x1] =	stream.strided.gather @!p1 [hbm4b:s15+s17], $0x2000, s18, s17, $0x38;
	[tilespmem:$0x8080] =	vst v63  }
0x25: {  	p1 =	sge.u32 s31, s5  }
.Ltmp2:
0x26: {  	_ = 	snop;
	(pc) =	sbr.rel @p1 .LBB1_5-.Ltmp2, $1  }
0x27: {  	_ =	sdelay $0x3  }
0x28: {  	s15 =	simm.s32 $0x1  }
0x29: {  	_ =	swait.ge [sflag:s4], $0x2000;
	s15 =	simm.s32 @!p0 $0x0  }
0x2a: {  	[sflag:s4] =	ssyncset.done $0x0;
	s16 =	sshll.u32 s15, $0xD  }
0x2b: {  	[sflag:s4] =	ssyncadd.s32 $0xFFFFE000;
	s19 =	sor.u32 $0x20, s16  }
0x2c: {  	s15 =	smul.u32 $0x8100, s15;
	v3 =	vld [tilespmem:s19+$0x10]  }
0x2d: {  	s30 =	sand.u32 $0x1, s12;
	v2 =	vld [tilespmem:s19+$0xFFFFFFF0]  }
0x2e: {  	s16 =	smul.u32 $0x8100, s30;
	s15 =	sshrl.u32 s15, $0x2;
	v0 =	vld [tilespmem:s19+$0x0]  }
0x2f: {  	v1 =	vld [tilespmem:s19+$0xFFFFFFE0];
	s17 =	sor.u32 $0x4000, s15  }
0x30: {  	s31 =	sshrl.u32 s16, $0x2;
	s16 =	sadd.s32 $0x0, s17  }
0x31: {  	s18 =	simm.s32 $0x4;
	s19 =	sadd.s32 $0x40, s19;
	s15 =	sor.u32 $0x4000, s31;
	[tilespmem:s16+$0x1830 ss:$0x81] =	vst.msk $0xffff, v3  }
.LBB1_3:
0x32: {  	v3 =	vld [tilespmem:s19+$0x10];
	p1 =	sne.s32 s18, $0x1FC;
	[tilespmem:s16+$0x810 ss:$0x81] =	vst.msk $0xffff, v2;
	s20 =	smov.u32 s18;
	s18 =	sadd.s32 $0x4, s18  }
.Ltmp3:
0x33: {  	v2 =	vld [tilespmem:s19+$0xFFFFFFF0];
	[tilespmem:s16+$0x1020 ss:$0x81] =	vst.msk $0xffff, v0;
	(pc) =	sbr.rel @p1 .LBB1_3-.Ltmp3, $4  }
0x34: {  	v0 =	vld [tilespmem:s19+$0x0];
	[tilespmem:s16+$0x0 ss:$0x81] =	vst.msk $0xffff, v1  }
0x35: {  	s16 =	sshra.s32 s20, $0x2;
	v1 =	vld [tilespmem:s19+$0xFFFFFFE0]  }
0x36: {  	s16 =	sadd.s32 s16, s17  }
0x37: {  	s19 =	sadd.s32 $0x40, s19;
	[tilespmem:s16+$0x1830 ss:$0x81] =	vst.msk $0xffff, v3  }
.Ltmp4:
0x38: {  	_ = 	snop;
	(pc) =	sbr.rel .LBB1_4-.Ltmp4, $1  }
0x39: {  	_ =	sdelay $0x3  }
.LBB1_6:
0x3a: {  	_ =	sfence.sel $0x180000  }
0x3b: {  	s2 =	simm.s32 $0x1;
	[bflag:$0x0] =	sbarrier.arrive $0xFFFF  }
0x3c: {  	s31 =	simm.s32 $0x2;
	[sflag:s2] =	ssyncpa.u1 $0x1  }
0x3d: {  	[sflag:s31] =	ssyncpa.u1 $0x1  }
0x3e: {  	p0 =	sne.s32 s0, $0x0;
	_ =	strace $0x9000004A  }
0x3f: {  	s0 =	sadd.s32 @!p0 $0x100000, s1;
	[bflag:$0x2] =	sbarrier.arrive $0xFFFF  }
0x40: {  	[sflag:s0] =	ssyncadd.tile.s32 @!p0 $0x1;
	_ =	shalt  }
.Lfunc_end1:
_tile_overlayer_lowered:
.L_overlay_start_2:
0x41: {  	(tag) =	ssettag $0x2  }
0x42: {  	s0 =	rddreg [dreg:$0x0];
	s2 =	stileid.u32  }
0x43: {  	s1 =	rddreg [dreg:$0x1];
	p0 =	sne.s32 s2, $0x0  }
0x44: {  	s3 =	rddreg [dreg:$0x2];
	[bflag:$0x3] =	sbarrier.arrive $0xFFFF;
	s2 =	simm.s32 @!p0 $0x1C01  }
0x45: {  	[timem:s3], [sflag:s2] =	dma.local @!p0 [hbm:s0], s1  }
0x46: {  	s0 =	simm.s32 @!p0 $0x1  }
0x47: {  	_ =	swait.ge @!p0 [sflag:s0], s1  }
0x48: {  	s1 =	ssub.s32 @!p0 $0x0, s1;
	[sflag:s0] =	ssyncset.done @!p0 $0x0  }
0x49: {  	[sflag:s0] =	ssyncadd.s32 @!p0 s1  }
0x4a: {  	[bflag:$0x3] =	sbarrier.arrive $0xFFFF  }
0x4b: {  	_ =	shalt  }

// kernel: sparse-core-data-format-call.cloned.1.call-start
scs
called_computation_lowered:
.L_overlay_start_0:
0x0: {  	s2 =	sld [smem:$0x3FD9]  }
0x1: {  	s3 =	sld [smem:$0x3FFE];
	_ =	sdelay $0x1  }
0x2: {  	s1 =	srdreg.scid  }
0x3: {  	s0 =	sand.u32 $0x1, s1  }
0x4: {  	s16 =	sshll.u32 s0, $0xA;
	s2 =	sadd.s32 s3, s2  }
0x5: {  	s2 =	sadd.s32 s2, s16  }
0x6: {  	[smem:$0x3FC2] =	sst s2  }
0x7: {  	_ = 	snop  }
0x8: {  	s2 =	sld [smem:$0x3FD0];
	_ =	sdelay $0x2  }
0x9: {  	s17 =	simm.s32 $0xB;
	s4 =	simm.s32 $0x10  }
0xa: {  	[smem:s4], [sflag:s17] =	dma.local [hbm:s2], $0x1  }
0xb: {  	_ =	swait.eq [sflag:s17], $0x1  }
0xc: {  	[sflag:s17] =	ssyncset.done $0x0  }
0xd: {  	[sflag:s17] =	ssyncadd.s32 $0xFFFFFFFF  }
0xe: {  	s18 =	sld [smem:$0x11];
	(tm) =	ssettm $0x1  }
0xf: {  	s19 =	sld [smem:$0x3FFB];
	_ =	sdelay $0x3  }
0x10: {  	_ =	strace s19  }
0x11: {  	s2 =	sld [smem:$0x3FFC];
	_ =	sdelay $0x3  }
0x12: {  	_ =	strace s2  }
0x13: {  	s2 =	sld [smem:$0x3FFD];
	_ =	sdelay $0x3  }
0x14: {  	_ =	strace s2  }
0x15: {  	_ =	strace $0x8FFFFFFF  }
0x16: {  	s20 =	sld [smem:$0x3FDB];
	_ =	sdelay $0x1  }
0x17: {  	s21 =	simm.s32 $_scs_section_size  }
0x18: {  	s5 =	simm.s32 $_size__tile_overlayer_lowered;
	s6 =	simm.s32 $_tile_overlayer_lowered  }
0x19: {  	s7 =	simm.s32 $0x1BFF;
	s22 =	sshll.u32 s6, $0x1;
	s4 =	sadd.s32 s21, s20  }
0x1a: {  	s23 =	simm.s32 $0x0;
	s5 =	sshll.u32 s5, $0x1;
	s6 =	sadd.s32 s22, s4  }
0x1b: {  	[timem:s23], [sflag:s7] =	dma.local [hbm:s6], s5  }
0x1c: {  	_ =	swait.ge [sflag:s7], s5  }
0x1d: {  	s5 =	ssub.s32 $0x0, s5;
	[sflag:s7] =	ssyncset.done $0x0  }
0x1e: {  	[sflag:s7] =	ssyncadd.s32 s5;
	_ =	sdelay $0x1  }
0x1f: {  	s24 =	simm.s32 $0x1B8B  }
0x20: {  	_ =	swait.ge [sflag:s24], $0x1  }
0x21: {  	[sflag:s24] =	ssyncset.done $0x0  }
0x22: {  	[sflag:s24] =	ssyncadd.s32 $0xFFFFFFFF  }
0x23: {  	s5 =	sld [smem:$0x0]  }
0x24: {  	s6 =	sand.u32 $0xFFFFFFFE, s1  }
0x25: {  	p0 =	sne.s32 s1, s6  }
0x26: {  	s6 =	sshll.u32 @p0 s6, $0xE  }
0x27: {  	s6 =	sadd.s32 @p0 $0x11B8D, s6;
	s7 =	sshll.u32 @p0 s5, $0x11  }
0x28: {  	s6 =	sor.u32 @p0 s7, s6  }
0x29: {  	[sflag:s6] =	ssyncadd.remote.s32 @p0 $0x1;
	_ =	sdelay $0x1  }
0x2a: {  	s6 =	simm.s32 @p0 $0x1B8D  }
0x2b: {  	_ =	swait.eq @p0 [sflag:s6], $0x1  }
0x2c: {  	[sflag:s6] =	ssyncadd.s32 @p0 $0xFFFFFFFF  }
0x2d: {  	s7 =	sshll.u32 @!p0 s1, $0xE  }
0x2e: {  	s7 =	sor.u32 @!p0 $0x4000, s7;
	s6 =	simm.s32 @!p0 $0x1B8D  }
0x2f: {  	s5 =	sshll.u32 @!p0 s5, $0x11;
	s7 =	sadd.s32 @!p0 $0x11B8D, s7;
	_ =	swait.eq @!p0 [sflag:s6], $0x1  }
0x30: {  	s5 =	sor.u32 @!p0 s5, s7;
	[sflag:s6] =	ssyncadd.s32 @!p0 $0xFFFFFFFF  }
0x31: {  	s26 =	simm.s32 $0x1B8E;
	s25 =	sld [smem:$0x3FFE];
	[sflag:s5] =	ssyncadd.remote.s32 @!p0 $0x1  }
0x32: {  	s27 =	simm.s32 $execute0_lowered;
	[smem:$0x3FD2] =	sst s26  }
0x33: {  	s6 =	sshll.u32 s27, $0x1;
	_ =	strace $0x8000004C;
	[dreg:$0x1] =	wrdreg $0xFFFFFFFF  }
0x34: {  	s28 =	simm.s32 $_size_execute0_lowered;
	s4 =	sadd.s32 s4, s6;
	[dreg:$0x0] =	wrdreg $0x0  }
0x35: {  	s6 =	sshll.u32 s28, $0x1;
	[dreg:$0x2] =	wrdreg s4  }
0x36: {  	[dreg:$0x3] =	wrdreg s6  }
0x37: {  	[dreg:$0x4] =	wrdreg $0xC0  }
0x38: {  	_ =	task [dreg:s23], $0x5FFFF  }
0x39: {  	[dreg:$0x1] =	wrdreg $0xFFFFFFFF  }
0x3a: {  	[dreg:$0x0] =	wrdreg $0x60  }
0x3b: {  	[dreg:$0x2] =	wrdreg s25  }
0x3c: {  	[dreg:$0x3] =	wrdreg s18  }
0x3d: {  	[dreg:$0x4] =	wrdreg $0x9  }
0x3e: {  	_ =	task.clear_ibuf [dreg:s23], $0x5FFFF;
	_ =	strace $0x9000004C  }
0x3f: {  	s29 =	simm.s32 $0x9;
	_ =	strace $0x8000004E  }
0x40: {  	_ =	swait.ge [sflag:s29], $0x1  }
0x41: {  	[sflag:s29] =	ssyncadd.s32 $0xFFFFFFFF  }
0x42: {  	_ =	strace $0x9000004E  }
0x43: {  	_ =	sfence  }
0x44: {  	s30 =	sld [smem:$0x0];
	_ =	sdelay $0x2  }
0x45: {  	s31 =	sshll.u32 s1, $0xD;
	s1 =	sshrl.u32 s1, $0x2  }
0x46: {  	s4 =	sand.u32 $0x4000, s31;
	s1 =	sadd.s32 s1, s30  }
0x47: {  	s0 =	sor.u32 s4, s0;
	s1 =	sshll.u32 s1, $0x11  }
0x48: {  	s0 =	sor.u32 s1, s0  }
0x49: {  	s0 =	sadd.s32 $0x8F2B, s0  }
0x4a: {  	[sflag:s0] =	ssyncadd.remote.s32 $0x1  }
0x4b: {  	_ =	sfence.sel $0xFFFF  }
0x4c: {  	[dreg:$0x0] =	wrdreg $0xFFFFFFFF;
	(pc) =	sbr.abs _section_cstart, $3  }
0x4d: {  	[dreg:$0x1] =	wrdreg $0xFFFFFFFF  }
0x4e: {  	_ =	task.clear_ibuf [dreg:s23], $0x2FFFF;
	_ =	strace $0x9FFFFFFF  }
0x4f: {  	(tm) =	ssettm $0x7FFFFFFF  }
tec
execute0_lowered:
.L_overlay_start_1:
0x0: {  	(tag) =	ssettag $0x1  }
0x1: {  	s0 =	stileid.u32;
	s6 =	rddreg [dreg:$0x0]  }
0x2: {  	s2 =	rddreg [dreg:$0x1];
	s5 =	srdreg.scid  }
0x3: {  	s31 =	simm.s32 $0x2;
	s13 =	simm.s32 $0x0;
	s1 =	sshll.u32 s0, $0x7  }
0x4: {  	s14 =	simm.s32 $0x0;
	s12 =	simm.s32 $0x0;
	s3 =	sand.u32 $0x380, s1  }
0x5: {  	s5 =	sshll.u32 s5, $0x4;
	s6 =	sadd.s32 $0x321E00, s6;
	s4 =	ssub.s32 $0x400, s3  }
0x6: {  	s1 =	rddreg [dreg:$0x2];
	_ =	strace $0x8000004D;
	s7 =	sand.u32 $0x380, s4  }
0x7: {  	s5 =	sand.u32 $0x10, s5;
	p0 =	sne.s32 s7, $0x0;
	s7 =	simm.s32 $0x1  }
.Ltmp0:
0x8: {  	s8 =	sshrl.u32 s4, $0xA;
	s7 =	simm.s32 @!p0 $0x0;
	(pc) =	sbr.rel .LBB1_1-.Ltmp0, $4  }
0x9: {  	s9 =	sor.u32 s0, s5;
	s4 =	simm.s32 $0x1;
	s30 =	sadd.s32 s7, s8  }
0xa: {  	s11 =	smov.u32 s3;
	[sflag:s4] =	ssyncpa.u1 $0x0;
	s5 =	smul.u32 $0x32, s30  }
0xb: {  	[sflag:s31] =	ssyncpa.u1 $0x0;
	p0 =	por $0x0, $0x0;
	s7 =	sshrl.u32 s9, $0x3  }
0xc: {  	s9 =	simm.s32 $0x2000;
	s10 =	smov.u32 s7;
	s8 =	sor.u32 $0x1, s5  }
.LBB1_4:
0xd: {  	s17 =	sand.u32 $0x1F80, s14;
	s13 =	sshll.u32 s13, $0xD  }
0xe: {  	[tilespmem:s16+$0x810 ss:$0x81] =	vst.msk $0xffff, v2;
	s18 =	sshrl.u32 s14, $0x3;
	s31 =	sand.u32 $0x7, s14;
	s17 =	sadd.s32 s2, s17  }
0xf: {  	[tilespmem:s16+$0x1020 ss:$0x81] =	vst.msk $0xffff, v0;
	s18 =	sand.u32 $0xF, s18;
	s14 =	sshll.u32 s31, $0x12;
	s13 =	sadd.s32 s13, s17  }
0x10: {  	[tilespmem:s16+$0x0 ss:$0x81] =	vst.msk $0xffff, v1;
	s14 =	sor.u32 $0x400, s14;
	s13 =	sadd.s32 s18, s13  }
0x11: {  	[hbm4b:s13+s14] =	stream.strided.scatter [tilespmem:s15], [sflag:$0x2], $0x2000, s9, s14, $0x20;
	[tilespmem:$0x8080] =	vst v63  }
.LBB1_5:
0x12: {  	s15 =	sadd.s32 $0x4, s10  }
0x13: {  	s13 =	sadd.s32 $0x400, s11;
	s17 =	smov.u32 s11;
	p2 =	sgt.s32 s15, $0xC7  }
0x14: {  	s17 =	smov.u32 @p2 s13  }
0x15: {  	s15 =	smov.u32 @p2 s7;
	p2 =	sgt.s32 s17, $0x3FF  }
0x16: {  	s17 =	smov.u32 @p2 s3;
	p2 =	sne.s32 s12, s8  }
.Ltmp1:
0x17: {  	p1 =	slt.u32 s12, $0x2;
	(pc) =	sbr.rel @!p2 .LBB1_6-.Ltmp1, $4  }
0x18: {  	s16 =	simm.s32 @!p1 $0x2  }
0x19: {  	s14 =	smov.u32 s11;
	p0 =	por !p0, !p0;
	_ =	swait.ge @!p1 [sflag:s16], $0x2000  }
0x1a: {  	s13 =	smov.u32 s10;
	[sflag:s16] =	ssyncset.done @!p1 $0x0;
	s10 =	smov.u32 s15  }
0x1b: {  	s12 =	sadd.s32 $0x1, s12;
	[sflag:s16] =	ssyncadd.s32 @!p1 $0xFFFFE000;
	s11 =	smov.u32 s17  }
.LBB1_1:
0x1c: {  	p1 =	sge.u32 s12, s5  }
0x1d: {  	s15 =	sand.u32 @!p1 $0x1FFFFFF, s10  }
0x1e: {  	s16 =	smulhi.u32 @!p1 $0x147AE15, s15;
	_ =	sdelay $0x1  }
0x1f: {  	s16 =	smul.u32 @!p1 $0xC8, s16  }
0x20: {  	s17 =	sxor.u32 @!p1 $0xFFFFFFFF, s12;
	s18 =	smul.u32 @!p1 $0xC80, s11  }
0x21: {  	s31 =	sadd.s32 $0xFFFFFFFF, s12;
	s17 =	sshll.u32 @!p1 s17, $0xD;
	s15 =	ssub.s32 @!p1 s15, s16  }
0x22: {  	s16 =	sand.u32 @!p1 $0x2000, s17;
	s17 =	sadd.s32 @!p1 s6, s18;
	s15 =	sshll.u32 @!p1 s15, $0x4  }
0x23: {  	s18 =	simm.s32 @!p1 $0x6400;
	s15 =	sadd.s32 @!p1 s15, s17;
	s17 =	simm.s32 @!p1 $0x40  }
0x24: {  	[tilespmem:s16], [sflag:$0x1] =	stream.strided.gather @!p1 [hbm4b:s15+s17], $0x2000, s18, s17, $0x38;
	[tilespmem:$0x8080] =	vst v63  }
0x25: {  	p1 =	sge.u32 s31, s5  }
.Ltmp2:
0x26: {  	_ = 	snop;
	(pc) =	sbr.rel @p1 .LBB1_5-.Ltmp2, $1  }
0x27: {  	_ =	sdelay $0x3  }
0x28: {  	s15 =	simm.s32 $0x1  }
0x29: {  	_ =	swait.ge [sflag:s4], $0x2000;
	s15 =	simm.s32 @!p0 $0x0  }
0x2a: {  	[sflag:s4] =	ssyncset.done $0x0;
	s16 =	sshll.u32 s15, $0xD  }
0x2b: {  	[sflag:s4] =	ssyncadd.s32 $0xFFFFE000;
	s19 =	sor.u32 $0x20, s16  }
0x2c: {  	s15 =	smul.u32 $0x8100, s15;
	v3 =	vld [tilespmem:s19+$0x10]  }
0x2d: {  	s30 =	sand.u32 $0x1, s12;
	v2 =	vld [tilespmem:s19+$0xFFFFFFF0]  }
0x2e: {  	s16 =	smul.u32 $0x8100, s30;
	s15 =	sshrl.u32 s15, $0x2;
	v0 =	vld [tilespmem:s19+$0x0]  }
0x2f: {  	v1 =	vld [tilespmem:s19+$0xFFFFFFE0];
	s17 =	sor.u32 $0x4000, s15  }
0x30: {  	s31 =	sshrl.u32 s16, $0x2;
	s16 =	sadd.s32 $0x0, s17  }
0x31: {  	s18 =	simm.s32 $0x4;
	s19 =	sadd.s32 $0x40, s19;
	s15 =	sor.u32 $0x4000, s31;
	[tilespmem:s16+$0x1830 ss:$0x81] =	vst.msk $0xffff, v3  }
.LBB1_3:
0x32: {  	v3 =	vld [tilespmem:s19+$0x10];
	p1 =	sne.s32 s18, $0x1FC;
	[tilespmem:s16+$0x810 ss:$0x81] =	vst.msk $0xffff, v2;
	s20 =	smov.u32 s18;
	s18 =	sadd.s32 $0x4, s18  }
.Ltmp3:
0x33: {  	v2 =	vld [tilespmem:s19+$0xFFFFFFF0];
	[tilespmem:s16+$0x1020 ss:$0x81] =	vst.msk $0xffff, v0;
	(pc) =	sbr.rel @p1 .LBB1_3-.Ltmp3, $4  }
0x34: {  	v0 =	vld [tilespmem:s19+$0x0];
	[tilespmem:s16+$0x0 ss:$0x81] =	vst.msk $0xffff, v1  }
0x35: {  	s16 =	sshra.s32 s20, $0x2;
	v1 =	vld [tilespmem:s19+$0xFFFFFFE0]  }
0x36: {  	s16 =	sadd.s32 s16, s17  }
0x37: {  	s19 =	sadd.s32 $0x40, s19;
	[tilespmem:s16+$0x1830 ss:$0x81] =	vst.msk $0xffff, v3  }
.Ltmp4:
0x38: {  	_ = 	snop;
	(pc) =	sbr.rel .LBB1_4-.Ltmp4, $1  }
0x39: {  	_ =	sdelay $0x3  }
.LBB1_6:
0x3a: {  	_ =	sfence.sel $0x180000  }
0x3b: {  	s2 =	simm.s32 $0x1;
	[bflag:$0x0] =	sbarrier.arrive $0xFFFF  }
0x3c: {  	s31 =	simm.s32 $0x2;
	[sflag:s2] =	ssyncpa.u1 $0x1  }
0x3d: {  	[sflag:s31] =	ssyncpa.u1 $0x1  }
0x3e: {  	p0 =	sne.s32 s0, $0x0;
	_ =	strace $0x9000004D  }
0x3f: {  	s0 =	sadd.s32 @!p0 $0x100000, s1;
	[bflag:$0x2] =	sbarrier.arrive $0xFFFF  }
0x40: {  	[sflag:s0] =	ssyncadd.tile.s32 @!p0 $0x1;
	_ =	shalt  }
.Lfunc_end1:
_tile_overlayer_lowered:
.L_overlay_start_2:
0x41: {  	(tag) =	ssettag $0x2  }
0x42: {  	s0 =	rddreg [dreg:$0x0];
	s2 =	stileid.u32  }
0x43: {  	s1 =	rddreg [dreg:$0x1];
	p0 =	sne.s32 s2, $0x0  }
0x44: {  	s3 =	rddreg [dreg:$0x2];
	[bflag:$0x3] =	sbarrier.arrive $0xFFFF;
	s2 =	simm.s32 @!p0 $0x1C01  }
0x45: {  	[timem:s3], [sflag:s2] =	dma.local @!p0 [hbm:s0], s1  }
0x46: {  	s0 =	simm.s32 @!p0 $0x1  }
0x47: {  	_ =	swait.ge @!p0 [sflag:s0], s1  }
0x48: {  	s1 =	ssub.s32 @!p0 $0x0, s1;
	[sflag:s0] =	ssyncset.done @!p0 $0x0  }
0x49: {  	[sflag:s0] =	ssyncadd.s32 @!p0 s1  }
0x4a: {  	[bflag:$0x3] =	sbarrier.arrive $0xFFFF  }
0x4b: {  	_ =	shalt  }

</sc_bundles>
